<compile_context>
chip_gen: v7x
topology: tpu7x:2x2x1
jax: 0.10.2.dev20260603
libtpu: 0.0.44.dev20260713+nightly
codegen_flags: <defaults>
</compile_context>

<pallas_src>
import functools

import jax
import jax.numpy as jnp
from jax import lax
from jax.experimental import pallas as pl
from jax.experimental.pallas import tpu as pltpu
from jax.experimental.pallas import tpu_sc as plsc

NC = 2
NS = 16
CHUNK = 96
DEGW = 128
SPLIT_SLOW = 0
SPLIT_F = 0.5



def _mm_body(x_ref, w_ref, o_ref):
    o_ref[...] = jnp.dot(x_ref[...], w_ref[...],
                         preferred_element_type=jnp.float32)


def _scale_body(dp0_ref, dp1_ref, h1_ref, dis_ref, g_ref):
    deg = dp0_ref[:, 0:1] + dp1_ref[:, 0:1] + 1.0
    dis = lax.rsqrt(deg)
    dis_ref[...] = dis
    g_ref[...] = dis * h1_ref[...]


def _mid_body(s0_ref, s1_ref, g1_ref, dis_ref, w2_ref, b1_ref, g2_ref):
    st = s0_ref[...] + s1_ref[...] + g1_ref[...]
    conv = dis_ref[...] * st + b1_ref[...]
    a = jnp.maximum(conv, 0.0)
    h2 = jnp.dot(a, w2_ref[...], preferred_element_type=jnp.float32)
    g2_ref[...] = dis_ref[...] * h2


def _out_body(s0_ref, s1_ref, g2_ref, dis_ref, b2_ref, o_ref):
    st = s0_ref[...] + s1_ref[...] + g2_ref[...]
    conv = dis_ref[...] * st + b2_ref[...]
    m = jnp.max(conv, axis=1, keepdims=True)
    e = jnp.exp(conv - m)
    z = jnp.sum(e, axis=1, keepdims=True)
    o_ref[...] = conv - m - jnp.log(z)


def _tc(body, out_shape, *args):
    return pl.pallas_call(body, out_shape=out_shape)(*args)



def _sc_deg_body(nchunks, rpt, grp, col_hbm, ones_hbm, z_hbm, dp_out,
                 colv, ones_v, deg_sp, sems):
    c = lax.axis_index("c")
    s = lax.axis_index("s")
    pltpu.sync_copy(col_hbm.at[c, s], colv)
    pltpu.sync_copy(ones_hbm, ones_v)
    pltpu.sync_copy(z_hbm, deg_sp.at[pl.ds(s * rpt, rpt)])
    plsc.subcore_barrier()

    def group(gi, carry):
        descs = [pltpu.async_copy(ones_v, deg_sp.at[colv.at[gi * grp + b]],
                                  sems, add=True) for b in range(grp)]
        for desc in descs:
            desc.wait()
        return carry

    lax.fori_loop(0, nchunks // grp, group, 0)
    plsc.subcore_barrier()
    pltpu.sync_copy(deg_sp.at[pl.ds(s * rpt, rpt)], dp_out.at[c, s])


def _sc_prop_body(kcs, rpt, grp, g_hbm, row_hbm, col_hbm, z_hbm, sp_out,
                  rowv, colv, gbuf0, gbuf1, gbuf2,
                  acc_sp, sg0, sg1, sg2, ss0, ss1, ss2):
    c = lax.axis_index("c")
    s = lax.axis_index("s")
    pltpu.sync_copy(z_hbm, acc_sp.at[pl.ds(s * rpt, rpt)])
    plsc.subcore_barrier()
    bufs = (gbuf0, gbuf1, gbuf2)
    sgs = (sg0, sg1, sg2)
    sss = (ss0, ss1, ss2)

    def group(gi, carry):
        pltpu.sync_copy(row_hbm.at[c, s, pl.ds(gi * grp, grp)], rowv)
        pltpu.sync_copy(col_hbm.at[c, s, pl.ds(gi * grp, grp)], colv)
        gds = [None] * grp
        sds = [None] * grp
        gds[0] = pltpu.async_copy(g_hbm.at[rowv.at[0]], bufs[0], sgs[0])
        if grp > 1:
            gds[1] = pltpu.async_copy(g_hbm.at[rowv.at[1]], bufs[1], sgs[1])
        for b in range(grp):
            gds[b].wait()
            if b >= 1 and b + 2 < grp:
                sds[b - 1].wait()
            if b + 2 < grp:
                gds[b + 2] = pltpu.async_copy(g_hbm.at[rowv.at[b + 2]],
                                              bufs[(b + 2) % 3], sgs[(b + 2) % 3])
            sds[b] = pltpu.async_copy(bufs[b % 3], acc_sp.at[colv.at[b]],
                                      sss[b % 3], add=True)
        for b in range(max(0, grp - 3), grp):
            sds[b].wait()
        return carry

    ngrps = jnp.where(c == 0, kcs[0] // grp, kcs[1] // grp)
    lax.fori_loop(0, ngrps, group, 0)
    plsc.subcore_barrier()
    pltpu.sync_copy(acc_sp.at[pl.ds(s * rpt, rpt)], sp_out.at[c, s])



@jax.jit
def kernel(x, edge_index, W1, b1, W2, b2):
    n, d = x.shape
    e = edge_index.shape[1]
    e2 = 2 * e
    grp = 8
    k = -(-e2 // (NC * NS * CHUNK * grp)) * grp
    pade = NC * NS * k * CHUNK
    np_rows = -(-(n + 1) // (NS * 8)) * (NS * 8)
    rpt = np_rows // NS

    ei = edge_index.astype(jnp.int32)
    row2 = jnp.concatenate([ei[0], ei[1]])
    col2 = jnp.concatenate([ei[1], ei[0]])
    col_db = jnp.concatenate(
        [col2, jnp.full((pade - e2,), n, jnp.int32)]).reshape(NC, NS, k, CHUNK)

    blk = NS * CHUNK * grp
    nblk0 = min(max(int(round(SPLIT_F * e2 / blk)), 1), -(-e2 // blk) - 1)
    cap0 = nblk0 * blk
    nblk1 = -(-(e2 - cap0) // blk)
    cap1 = nblk1 * blk
    k0, k1 = nblk0 * grp, nblk1 * grp
    kmax = max(k0, k1)

    def _split(arr, padval):
        a0 = arr[:cap0].reshape(NS, k0, CHUNK)
        a1 = jnp.concatenate(
            [arr[cap0:], jnp.full((cap0 + cap1 - e2,), padval, jnp.int32)]
        ).reshape(NS, k1, CHUNK)
        a0 = jnp.pad(a0, ((0, 0), (0, kmax - k0), (0, 0)))
        a1 = jnp.pad(a1, ((0, 0), (0, kmax - k1), (0, 0)))
        pair = (a0, a1) if SPLIT_SLOW == 0 else (a1, a0)
        return jnp.stack(pair)

    row_r = _split(row2, 0)
    col_r = _split(col2, n)
    kcs = (k0, k1) if SPLIT_SLOW == 0 else (k1, k0)

    ones16 = jnp.ones((CHUNK, DEGW), jnp.float32)
    zdeg = jnp.zeros((rpt, DEGW), jnp.float32)
    zrow = jnp.zeros((rpt, d), jnp.float32)

    mesh = plsc.VectorSubcoreMesh(core_axis_name="c", subcore_axis_name="s",
                                  num_cores=NC, num_subcores=NS)

    deg_call = pl.kernel(
        functools.partial(_sc_deg_body, k, rpt, grp),
        out_type=jax.ShapeDtypeStruct((NC, NS, rpt, DEGW), jnp.float32),
        mesh=mesh,
        scratch_types=[
            pltpu.VMEM((k, CHUNK), jnp.int32),
            pltpu.VMEM((CHUNK, DEGW), jnp.float32),
            pltpu.VMEM_SHARED((np_rows, DEGW), jnp.float32),
            pltpu.SemaphoreType.DMA,
        ],
    )

    prop_call = pl.kernel(
        functools.partial(_sc_prop_body, kcs, rpt, grp),
        out_type=jax.ShapeDtypeStruct((NC, NS, rpt, d), jnp.float32),
        mesh=mesh,
        scratch_types=[
            pltpu.VMEM((grp, CHUNK), jnp.int32),
            pltpu.VMEM((grp, CHUNK), jnp.int32),
            pltpu.VMEM((CHUNK, d), jnp.float32),
            pltpu.VMEM((CHUNK, d), jnp.float32),
            pltpu.VMEM((CHUNK, d), jnp.float32),
            pltpu.VMEM_SHARED((np_rows, d), jnp.float32),
            pltpu.SemaphoreType.DMA,
            pltpu.SemaphoreType.DMA,
            pltpu.SemaphoreType.DMA,
            pltpu.SemaphoreType.DMA,
            pltpu.SemaphoreType.DMA,
            pltpu.SemaphoreType.DMA,
        ],
    )

    h1 = _tc(_mm_body, jax.ShapeDtypeStruct((n, d), jnp.float32), x, W1)

    dp = deg_call(col_db, ones16, zdeg)
    dp = dp.reshape(NC, np_rows, DEGW)[:, :n, :]

    dis, g1 = _tc(
        _scale_body,
        [jax.ShapeDtypeStruct((n, 1), jnp.float32),
         jax.ShapeDtypeStruct((n, d), jnp.float32)],
        dp[0], dp[1], h1)

    s1 = prop_call(g1, row_r, col_r, zrow).reshape(NC, np_rows, d)[:, :n, :]
    g2 = _tc(_mid_body, jax.ShapeDtypeStruct((n, d), jnp.float32),
             s1[0], s1[1], g1, dis, W2, b1)

    s2 = prop_call(g2, row_r, col_r, zrow).reshape(NC, np_rows, d)[:, :n, :]
    out = _tc(_out_body, jax.ShapeDtypeStruct((n, d), jnp.float32),
              s2[0], s2[1], g2, dis, b2)
    return out

# --- scband reference (transcript-rebuilt; emitter-appended) ---
"""Pipeline reference for scband-modified-gcn-30408368455787 (READ-ONLY COPY).

The authoritative reference and input builder live on the scoring server;
editing this copy changes nothing except your own understanding.
"""

import jax, jax.numpy as jnp
import numpy as np


def _gcn_conv(x, row, col, W, b, num_nodes):
    # x @ W first (PyG GCNConv lin), then symmetric-normalized propagation with self-loops
    h = x @ W
    sl = jnp.arange(num_nodes, dtype=row.dtype)
    row_sl = jnp.concatenate([row, sl])
    col_sl = jnp.concatenate([col, sl])
    deg = jnp.zeros((num_nodes,), dtype=h.dtype).at[col_sl].add(1.0)
    dis = jnp.where(deg > 0, deg ** -0.5, 0.0)
    norm = dis[row_sl] * dis[col_sl]
    msg = h[row_sl] * norm[:, None]
    out = jnp.zeros_like(h).at[col_sl].add(msg)
    return out + b


def setup_inputs(seed: int = 0) -> dict:
    key = jax.random.key(seed)
    k1, k2, k3, k4, k5, k6 = jax.random.split(key, 6)
    N, E, D_in, D_hid, D_out = 10000, 320000, 128, 128, 128
    x = jax.random.normal(k1, (N, D_in), dtype=jnp.float32)
    edge_index = jax.random.randint(k2, (2, E), 0, N)
    W1 = jax.random.normal(k3, (D_in, D_hid), dtype=jnp.float32) * (1.0 / np.sqrt(D_in))
    b1 = jnp.zeros((D_hid,), dtype=jnp.float32)
    W2 = jax.random.normal(k4, (D_hid, D_out), dtype=jnp.float32) * (1.0 / np.sqrt(D_hid))
    b2 = jnp.zeros((D_out,), dtype=jnp.float32)
    return {"x": x, "edge_index": edge_index, "W1": W1, "b1": b1, "W2": W2, "b2": b2}


def reference(x, edge_index, W1, b1, W2, b2):
    num_nodes = x.shape[0]
    out_nodes, in_nodes = edge_index[0], edge_index[1]
    # undirected: concat reversed edges (as in the torch forward)
    row = jnp.concatenate([out_nodes, in_nodes])
    col = jnp.concatenate([in_nodes, out_nodes])
    h = _gcn_conv(x, row, col, W1, b1, num_nodes)
    h = jax.nn.relu(h)
    h = _gcn_conv(h, row, col, W2, b2, num_nodes)
    return jax.nn.log_softmax(h, axis=1)

if __name__ == "__main__":
    import jax
    _d = setup_inputs()
    print(jax.jit(kernel)(*tuple(_d.values())))

</pallas_src>

<mosaic_0001>
#map = affine_map<(d0, d1) -> (0, 0, 0, 0)>
#map1 = affine_map<(d0, d1) -> (0, 0)>
module attributes {stable_mosaic.version = 14 : i64} {
  func.func @_sc_deg_body(%arg0: i32, %arg1: i32, %arg2: memref<2x16x216x96xi32, #tpu.memory_space<hbm>>, %arg3: memref<96x128xf32, #tpu.memory_space<hbm>>, %arg4: memref<632x128xf32, #tpu.memory_space<hbm>>, %arg5: memref<2x16x632x128xf32, #tpu.memory_space<hbm>>, %arg6: memref<216x96xi32, #tpu.memory_space<vmem>>, %arg7: memref<96x128xf32, #tpu.memory_space<vmem>>, %arg8: memref<10112x128xf32, #tpu.memory_space<vmem_shared>>, %arg9: memref<!tpu.dma_semaphore, #tpu.memory_space<semaphore_mem>>) attributes {dimension_semantics = [#tpu.dimension_semantics<core_parallel>, #tpu.dimension_semantics<subcore_parallel>], iteration_bounds = array<i64: 2, 16>, scalar_prefetch = 0 : i64, scratch_operands = 4 : i64, tpu.core_type = #tpu.core_type<sc_vector_subcore>, window_params = [{transform_indices = #map}, {transform_indices = #map1}, {transform_indices = #map1}, {transform_indices = #map}]} {
    "tpu.region"() ({
      %run_scoped3A = tpu.sem_alloc : memref<!tpu.dma_semaphore, #tpu.memory_space<semaphore_mem>>
      %dma_start3A = arith.constant 0 : i32
      %dma_start3A_9 = arith.constant 0 : i32
      %dma_start3A_10 = tpu.memref_slice %arg2[%arg0, %arg1, %dma_start3A, %dma_start3A_9] : memref<2x16x216x96xi32, #tpu.memory_space<hbm>> -> memref<1x1x216x96xi32, #tpu.memory_space<hbm>>
      %dma_start3A_11 = tpu.memref_squeeze %dma_start3A_10 : memref<1x1x216x96xi32, #tpu.memory_space<hbm>> -> memref<216x96xi32, #tpu.memory_space<hbm>>
      %dma_start3A_12 = arith.constant 0 : i32
      %dma_start3A_13 = arith.constant 0 : i32
      %dma_start3A_14 = tpu.memref_slice %arg2[%arg0, %arg1, %dma_start3A_12, %dma_start3A_13] : memref<2x16x216x96xi32, #tpu.memory_space<hbm>> -> memref<1x1x216x96xi32, #tpu.memory_space<hbm>>
      %dma_start3A_15 = tpu.memref_squeeze %dma_start3A_14 : memref<1x1x216x96xi32, #tpu.memory_space<hbm>> -> memref<216x96xi32, #tpu.memory_space<hbm>>
      tpu.enqueue_dma source(%dma_start3A_15 : memref<216x96xi32, #tpu.memory_space<hbm>>) target(%arg6 : memref<216x96xi32, #tpu.memory_space<vmem>>) target_semaphore(%run_scoped3A : memref<!tpu.dma_semaphore, #tpu.memory_space<semaphore_mem>>)
      %dma_wait3A = arith.constant 0 : i32
      %dma_wait3A_16 = arith.constant 0 : i32
      %dma_wait3A_17 = tpu.memref_slice %arg2[%arg0, %arg1, %dma_wait3A, %dma_wait3A_16] : memref<2x16x216x96xi32, #tpu.memory_space<hbm>> -> memref<1x1x216x96xi32, #tpu.memory_space<hbm>>
      %dma_wait3A_18 = tpu.memref_squeeze %dma_wait3A_17 : memref<1x1x216x96xi32, #tpu.memory_space<hbm>> -> memref<216x96xi32, #tpu.memory_space<hbm>>
      %dma_wait3A_19 = arith.constant 0 : i32
      %dma_wait3A_20 = arith.constant 0 : i32
      %dma_wait3A_21 = tpu.memref_slice %arg2[%arg0, %arg1, %dma_wait3A_19, %dma_wait3A_20] : memref<2x16x216x96xi32, #tpu.memory_space<hbm>> -> memref<1x1x216x96xi32, #tpu.memory_space<hbm>>
      %dma_wait3A_22 = tpu.memref_squeeze %dma_wait3A_21 : memref<1x1x216x96xi32, #tpu.memory_space<hbm>> -> memref<216x96xi32, #tpu.memory_space<hbm>>
      tpu.wait_dma2 semaphore(%run_scoped3A : memref<!tpu.dma_semaphore, #tpu.memory_space<semaphore_mem>>) src(%dma_wait3A_22 : memref<216x96xi32, #tpu.memory_space<hbm>>) dst(%arg6 : memref<216x96xi32, #tpu.memory_space<vmem>>)
      tpu.yield
    }) : () -> ()
    "tpu.region"() ({
      %run_scoped3A = tpu.sem_alloc : memref<!tpu.dma_semaphore, #tpu.memory_space<semaphore_mem>>
      tpu.enqueue_dma source(%arg3 : memref<96x128xf32, #tpu.memory_space<hbm>>) target(%arg7 : memref<96x128xf32, #tpu.memory_space<vmem>>) target_semaphore(%run_scoped3A : memref<!tpu.dma_semaphore, #tpu.memory_space<semaphore_mem>>)
      tpu.wait_dma2 semaphore(%run_scoped3A : memref<!tpu.dma_semaphore, #tpu.memory_space<semaphore_mem>>) src(%arg3 : memref<96x128xf32, #tpu.memory_space<hbm>>) dst(%arg7 : memref<96x128xf32, #tpu.memory_space<vmem>>)
      tpu.yield
    }) : () -> ()
    %mul3A = arith.constant 632 : i32
    %mul3A_0 = arith.muli %arg1, %mul3A : i32
    "tpu.region"() ({
      %run_scoped3A = tpu.sem_alloc : memref<!tpu.dma_semaphore, #tpu.memory_space<semaphore_mem>>
      %dma_start3A = arith.constant 0 : i32
      %dma_start3A_9 = tpu.memref_slice %arg8[%mul3A_0, %dma_start3A] : memref<10112x128xf32, #tpu.memory_space<vmem_shared>> -> memref<632x128xf32, #tpu.memory_space<vmem_shared>>
      tpu.enqueue_dma source(%arg4 : memref<632x128xf32, #tpu.memory_space<hbm>>) target(%dma_start3A_9 : memref<632x128xf32, #tpu.memory_space<vmem_shared>>) target_semaphore(%run_scoped3A : memref<!tpu.dma_semaphore, #tpu.memory_space<semaphore_mem>>)
      %dma_wait3A = arith.constant 0 : i32
      %dma_wait3A_10 = tpu.memref_slice %arg8[%mul3A_0, %dma_wait3A] : memref<10112x128xf32, #tpu.memory_space<vmem_shared>> -> memref<632x128xf32, #tpu.memory_space<vmem_shared>>
      tpu.wait_dma2 semaphore(%run_scoped3A : memref<!tpu.dma_semaphore, #tpu.memory_space<semaphore_mem>>) src(%arg4 : memref<632x128xf32, #tpu.memory_space<hbm>>) dst(%dma_wait3A_10 : memref<632x128xf32, #tpu.memory_space<vmem_shared>>)
      tpu.yield
    }) : () -> ()
    %barrier3A = arith.constant 0 : index
    tpu.barrier barrier_id(%barrier3A)
    %scan3A = arith.constant 0 : i32
    %scan3A_1 = arith.constant 0 : i32
    %scan3A_2 = arith.constant 27 : i32
    %scan3A_3 = arith.addi %scan3A_1, %scan3A_2 : i32
    %scan3A_4 = arith.constant 1 : i32
    scf.for %scan3A_9 = %scan3A_1 to %scan3A_3 step %scan3A_4  : i32 {
      %mul3A_10 = arith.constant 8 : i32
      %mul3A_11 = arith.muli %scan3A_9, %mul3A_10 : i32
      %add3A = arith.constant 0 : i32
      %add3A_12 = arith.addi %mul3A_11, %add3A : i32
      %dma_start3A = arith.constant 0 : i32
      %dma_start3A_13 = tpu.memref_slice %arg6[%add3A_12, %dma_start3A] : memref<216x96xi32, #tpu.memory_space<vmem>> -> memref<1x96xi32, #tpu.memory_space<vmem>>
      %dma_start3A_14 = tpu.memref_squeeze %dma_start3A_13 : memref<1x96xi32, #tpu.memory_space<vmem>> -> memref<96xi32, #tpu.memory_space<vmem>>
      %dma_start3A_15 = arith.constant 0 : i32
      %dma_start3A_16 = arith.constant 0 : i32
      %dma_start3A_17 = tpu.memref_slice %arg8[%dma_start3A_15, %dma_start3A_16] : memref<10112x128xf32, #tpu.memory_space<vmem_shared>> -> memref<10112x128xf32, #tpu.memory_space<vmem_shared>>
      tpu.enqueue_indirect_dma source(%arg7 : memref<96x128xf32, #tpu.memory_space<vmem>>) target(%dma_start3A_17 : memref<10112x128xf32, #tpu.memory_space<vmem_shared>>) offsets(%dma_start3A_14 : memref<96xi32, #tpu.memory_space<vmem>>) semaphore(%arg9 : memref<!tpu.dma_semaphore, #tpu.memory_space<semaphore_mem>>) {add = true}
      %mul3A_18 = arith.constant 8 : i32
      %mul3A_19 = arith.muli %scan3A_9, %mul3A_18 : i32
      %add3A_20 = arith.constant 1 : i32
      %add3A_21 = arith.addi %mul3A_19, %add3A_20 : i32
      %dma_start3A_22 = arith.constant 0 : i32
      %dma_start3A_23 = tpu.memref_slice %arg6[%add3A_21, %dma_start3A_22] : memref<216x96xi32, #tpu.memory_space<vmem>> -> memref<1x96xi32, #tpu.memory_space<vmem>>
      %dma_start3A_24 = tpu.memref_squeeze %dma_start3A_23 : memref<1x96xi32, #tpu.memory_space<vmem>> -> memref<96xi32, #tpu.memory_space<vmem>>
      %dma_start3A_25 = arith.constant 0 : i32
      %dma_start3A_26 = arith.constant 0 : i32
      %dma_start3A_27 = tpu.memref_slice %arg8[%dma_start3A_25, %dma_start3A_26] : memref<10112x128xf32, #tpu.memory_space<vmem_shared>> -> memref<10112x128xf32, #tpu.memory_space<vmem_shared>>
      tpu.enqueue_indirect_dma source(%arg7 : memref<96x128xf32, #tpu.memory_space<vmem>>) target(%dma_start3A_27 : memref<10112x128xf32, #tpu.memory_space<vmem_shared>>) offsets(%dma_start3A_24 : memref<96xi32, #tpu.memory_space<vmem>>) semaphore(%arg9 : memref<!tpu.dma_semaphore, #tpu.memory_space<semaphore_mem>>) {add = true}
      %mul3A_28 = arith.constant 8 : i32
      %mul3A_29 = arith.muli %scan3A_9, %mul3A_28 : i32
      %add3A_30 = arith.constant 2 : i32
      %add3A_31 = arith.addi %mul3A_29, %add3A_30 : i32
      %dma_start3A_32 = arith.constant 0 : i32
      %dma_start3A_33 = tpu.memref_slice %arg6[%add3A_31, %dma_start3A_32] : memref<216x96xi32, #tpu.memory_space<vmem>> -> memref<1x96xi32, #tpu.memory_space<vmem>>
      %dma_start3A_34 = tpu.memref_squeeze %dma_start3A_33 : memref<1x96xi32, #tpu.memory_space<vmem>> -> memref<96xi32, #tpu.memory_space<vmem>>
      %dma_start3A_35 = arith.constant 0 : i32
      %dma_start3A_36 = arith.constant 0 : i32
      %dma_start3A_37 = tpu.memref_slice %arg8[%dma_start3A_35, %dma_start3A_36] : memref<10112x128xf32, #tpu.memory_space<vmem_shared>> -> memref<10112x128xf32, #tpu.memory_space<vmem_shared>>
      tpu.enqueue_indirect_dma source(%arg7 : memref<96x128xf32, #tpu.memory_space<vmem>>) target(%dma_start3A_37 : memref<10112x128xf32, #tpu.memory_space<vmem_shared>>) offsets(%dma_start3A_34 : memref<96xi32, #tpu.memory_space<vmem>>) semaphore(%arg9 : memref<!tpu.dma_semaphore, #tpu.memory_space<semaphore_mem>>) {add = true}
      %mul3A_38 = arith.constant 8 : i32
      %mul3A_39 = arith.muli %scan3A_9, %mul3A_38 : i32
      %add3A_40 = arith.constant 3 : i32
      %add3A_41 = arith.addi %mul3A_39, %add3A_40 : i32
      %dma_start3A_42 = arith.constant 0 : i32
      %dma_start3A_43 = tpu.memref_slice %arg6[%add3A_41, %dma_start3A_42] : memref<216x96xi32, #tpu.memory_space<vmem>> -> memref<1x96xi32, #tpu.memory_space<vmem>>
      %dma_start3A_44 = tpu.memref_squeeze %dma_start3A_43 : memref<1x96xi32, #tpu.memory_space<vmem>> -> memref<96xi32, #tpu.memory_space<vmem>>
      %dma_start3A_45 = arith.constant 0 : i32
      %dma_start3A_46 = arith.constant 0 : i32
      %dma_start3A_47 = tpu.memref_slice %arg8[%dma_start3A_45, %dma_start3A_46] : memref<10112x128xf32, #tpu.memory_space<vmem_shared>> -> memref<10112x128xf32, #tpu.memory_space<vmem_shared>>
      tpu.enqueue_indirect_dma source(%arg7 : memref<96x128xf32, #tpu.memory_space<vmem>>) target(%dma_start3A_47 : memref<10112x128xf32, #tpu.memory_space<vmem_shared>>) offsets(%dma_start3A_44 : memref<96xi32, #tpu.memory_space<vmem>>) semaphore(%arg9 : memref<!tpu.dma_semaphore, #tpu.memory_space<semaphore_mem>>) {add = true}
      %mul3A_48 = arith.constant 8 : i32
      %mul3A_49 = arith.muli %scan3A_9, %mul3A_48 : i32
      %add3A_50 = arith.constant 4 : i32
      %add3A_51 = arith.addi %mul3A_49, %add3A_50 : i32
      %dma_start3A_52 = arith.constant 0 : i32
      %dma_start3A_53 = tpu.memref_slice %arg6[%add3A_51, %dma_start3A_52] : memref<216x96xi32, #tpu.memory_space<vmem>> -> memref<1x96xi32, #tpu.memory_space<vmem>>
      %dma_start3A_54 = tpu.memref_squeeze %dma_start3A_53 : memref<1x96xi32, #tpu.memory_space<vmem>> -> memref<96xi32, #tpu.memory_space<vmem>>
      %dma_start3A_55 = arith.constant 0 : i32
      %dma_start3A_56 = arith.constant 0 : i32
      %dma_start3A_57 = tpu.memref_slice %arg8[%dma_start3A_55, %dma_start3A_56] : memref<10112x128xf32, #tpu.memory_space<vmem_shared>> -> memref<10112x128xf32, #tpu.memory_space<vmem_shared>>
      tpu.enqueue_indirect_dma source(%arg7 : memref<96x128xf32, #tpu.memory_space<vmem>>) target(%dma_start3A_57 : memref<10112x128xf32, #tpu.memory_space<vmem_shared>>) offsets(%dma_start3A_54 : memref<96xi32, #tpu.memory_space<vmem>>) semaphore(%arg9 : memref<!tpu.dma_semaphore, #tpu.memory_space<semaphore_mem>>) {add = true}
      %mul3A_58 = arith.constant 8 : i32
      %mul3A_59 = arith.muli %scan3A_9, %mul3A_58 : i32
      %add3A_60 = arith.constant 5 : i32
      %add3A_61 = arith.addi %mul3A_59, %add3A_60 : i32
      %dma_start3A_62 = arith.constant 0 : i32
      %dma_start3A_63 = tpu.memref_slice %arg6[%add3A_61, %dma_start3A_62] : memref<216x96xi32, #tpu.memory_space<vmem>> -> memref<1x96xi32, #tpu.memory_space<vmem>>
      %dma_start3A_64 = tpu.memref_squeeze %dma_start3A_63 : memref<1x96xi32, #tpu.memory_space<vmem>> -> memref<96xi32, #tpu.memory_space<vmem>>
      %dma_start3A_65 = arith.constant 0 : i32
      %dma_start3A_66 = arith.constant 0 : i32
      %dma_start3A_67 = tpu.memref_slice %arg8[%dma_start3A_65, %dma_start3A_66] : memref<10112x128xf32, #tpu.memory_space<vmem_shared>> -> memref<10112x128xf32, #tpu.memory_space<vmem_shared>>
      tpu.enqueue_indirect_dma source(%arg7 : memref<96x128xf32, #tpu.memory_space<vmem>>) target(%dma_start3A_67 : memref<10112x128xf32, #tpu.memory_space<vmem_shared>>) offsets(%dma_start3A_64 : memref<96xi32, #tpu.memory_space<vmem>>) semaphore(%arg9 : memref<!tpu.dma_semaphore, #tpu.memory_space<semaphore_mem>>) {add = true}
      %mul3A_68 = arith.constant 8 : i32
      %mul3A_69 = arith.muli %scan3A_9, %mul3A_68 : i32
      %add3A_70 = arith.constant 6 : i32
      %add3A_71 = arith.addi %mul3A_69, %add3A_70 : i32
      %dma_start3A_72 = arith.constant 0 : i32
      %dma_start3A_73 = tpu.memref_slice %arg6[%add3A_71, %dma_start3A_72] : memref<216x96xi32, #tpu.memory_space<vmem>> -> memref<1x96xi32, #tpu.memory_space<vmem>>
      %dma_start3A_74 = tpu.memref_squeeze %dma_start3A_73 : memref<1x96xi32, #tpu.memory_space<vmem>> -> memref<96xi32, #tpu.memory_space<vmem>>
      %dma_start3A_75 = arith.constant 0 : i32
      %dma_start3A_76 = arith.constant 0 : i32
      %dma_start3A_77 = tpu.memref_slice %arg8[%dma_start3A_75, %dma_start3A_76] : memref<10112x128xf32, #tpu.memory_space<vmem_shared>> -> memref<10112x128xf32, #tpu.memory_space<vmem_shared>>
      tpu.enqueue_indirect_dma source(%arg7 : memref<96x128xf32, #tpu.memory_space<vmem>>) target(%dma_start3A_77 : memref<10112x128xf32, #tpu.memory_space<vmem_shared>>) offsets(%dma_start3A_74 : memref<96xi32, #tpu.memory_space<vmem>>) semaphore(%arg9 : memref<!tpu.dma_semaphore, #tpu.memory_space<semaphore_mem>>) {add = true}
      %mul3A_78 = arith.constant 8 : i32
      %mul3A_79 = arith.muli %scan3A_9, %mul3A_78 : i32
      %add3A_80 = arith.constant 7 : i32
      %add3A_81 = arith.addi %mul3A_79, %add3A_80 : i32
      %dma_start3A_82 = arith.constant 0 : i32
      %dma_start3A_83 = tpu.memref_slice %arg6[%add3A_81, %dma_start3A_82] : memref<216x96xi32, #tpu.memory_space<vmem>> -> memref<1x96xi32, #tpu.memory_space<vmem>>
      %dma_start3A_84 = tpu.memref_squeeze %dma_start3A_83 : memref<1x96xi32, #tpu.memory_space<vmem>> -> memref<96xi32, #tpu.memory_space<vmem>>
      %dma_start3A_85 = arith.constant 0 : i32
      %dma_start3A_86 = arith.constant 0 : i32
      %dma_start3A_87 = tpu.memref_slice %arg8[%dma_start3A_85, %dma_start3A_86] : memref<10112x128xf32, #tpu.memory_space<vmem_shared>> -> memref<10112x128xf32, #tpu.memory_space<vmem_shared>>
      tpu.enqueue_indirect_dma source(%arg7 : memref<96x128xf32, #tpu.memory_space<vmem>>) target(%dma_start3A_87 : memref<10112x128xf32, #tpu.memory_space<vmem_shared>>) offsets(%dma_start3A_84 : memref<96xi32, #tpu.memory_space<vmem>>) semaphore(%arg9 : memref<!tpu.dma_semaphore, #tpu.memory_space<semaphore_mem>>) {add = true}
      %dma_wait3A = arith.constant 0 : i32
      %dma_wait3A_88 = tpu.memref_slice %arg6[%add3A_12, %dma_wait3A] : memref<216x96xi32, #tpu.memory_space<vmem>> -> memref<1x96xi32, #tpu.memory_space<vmem>>
      %dma_wait3A_89 = tpu.memref_squeeze %dma_wait3A_88 : memref<1x96xi32, #tpu.memory_space<vmem>> -> memref<96xi32, #tpu.memory_space<vmem>>
      %dma_wait3A_90 = arith.constant 0 : i32
      %dma_wait3A_91 = arith.constant 0 : i32
      %dma_wait3A_92 = tpu.memref_slice %arg8[%dma_wait3A_90, %dma_wait3A_91] : memref<10112x128xf32, #tpu.memory_space<vmem_shared>> -> memref<10112x128xf32, #tpu.memory_space<vmem_shared>>
      tpu.wait_indirect_dma semaphore(%arg9 : memref<!tpu.dma_semaphore, #tpu.memory_space<semaphore_mem>>) src(%arg7 : memref<96x128xf32, #tpu.memory_space<vmem>>) dst(%dma_wait3A_92 : memref<10112x128xf32, #tpu.memory_space<vmem_shared>>)
      %dma_wait3A_93 = arith.constant 0 : i32
      %dma_wait3A_94 = tpu.memref_slice %arg6[%add3A_21, %dma_wait3A_93] : memref<216x96xi32, #tpu.memory_space<vmem>> -> memref<1x96xi32, #tpu.memory_space<vmem>>
      %dma_wait3A_95 = tpu.memref_squeeze %dma_wait3A_94 : memref<1x96xi32, #tpu.memory_space<vmem>> -> memref<96xi32, #tpu.memory_space<vmem>>
      %dma_wait3A_96 = arith.constant 0 : i32
      %dma_wait3A_97 = arith.constant 0 : i32
      %dma_wait3A_98 = tpu.memref_slice %arg8[%dma_wait3A_96, %dma_wait3A_97] : memref<10112x128xf32, #tpu.memory_space<vmem_shared>> -> memref<10112x128xf32, #tpu.memory_space<vmem_shared>>
      tpu.wait_indirect_dma semaphore(%arg9 : memref<!tpu.dma_semaphore, #tpu.memory_space<semaphore_mem>>) src(%arg7 : memref<96x128xf32, #tpu.memory_space<vmem>>) dst(%dma_wait3A_98 : memref<10112x128xf32, #tpu.memory_space<vmem_shared>>)
      %dma_wait3A_99 = arith.constant 0 : i32
      %dma_wait3A_100 = tpu.memref_slice %arg6[%add3A_31, %dma_wait3A_99] : memref<216x96xi32, #tpu.memory_space<vmem>> -> memref<1x96xi32, #tpu.memory_space<vmem>>
      %dma_wait3A_101 = tpu.memref_squeeze %dma_wait3A_100 : memref<1x96xi32, #tpu.memory_space<vmem>> -> memref<96xi32, #tpu.memory_space<vmem>>
      %dma_wait3A_102 = arith.constant 0 : i32
      %dma_wait3A_103 = arith.constant 0 : i32
      %dma_wait3A_104 = tpu.memref_slice %arg8[%dma_wait3A_102, %dma_wait3A_103] : memref<10112x128xf32, #tpu.memory_space<vmem_shared>> -> memref<10112x128xf32, #tpu.memory_space<vmem_shared>>
      tpu.wait_indirect_dma semaphore(%arg9 : memref<!tpu.dma_semaphore, #tpu.memory_space<semaphore_mem>>) src(%arg7 : memref<96x128xf32, #tpu.memory_space<vmem>>) dst(%dma_wait3A_104 : memref<10112x128xf32, #tpu.memory_space<vmem_shared>>)
      %dma_wait3A_105 = arith.constant 0 : i32
      %dma_wait3A_106 = tpu.memref_slice %arg6[%add3A_41, %dma_wait3A_105] : memref<216x96xi32, #tpu.memory_space<vmem>> -> memref<1x96xi32, #tpu.memory_space<vmem>>
      %dma_wait3A_107 = tpu.memref_squeeze %dma_wait3A_106 : memref<1x96xi32, #tpu.memory_space<vmem>> -> memref<96xi32, #tpu.memory_space<vmem>>
      %dma_wait3A_108 = arith.constant 0 : i32
      %dma_wait3A_109 = arith.constant 0 : i32
      %dma_wait3A_110 = tpu.memref_slice %arg8[%dma_wait3A_108, %dma_wait3A_109] : memref<10112x128xf32, #tpu.memory_space<vmem_shared>> -> memref<10112x128xf32, #tpu.memory_space<vmem_shared>>
      tpu.wait_indirect_dma semaphore(%arg9 : memref<!tpu.dma_semaphore, #tpu.memory_space<semaphore_mem>>) src(%arg7 : memref<96x128xf32, #tpu.memory_space<vmem>>) dst(%dma_wait3A_110 : memref<10112x128xf32, #tpu.memory_space<vmem_shared>>)
      %dma_wait3A_111 = arith.constant 0 : i32
      %dma_wait3A_112 = tpu.memref_slice %arg6[%add3A_51, %dma_wait3A_111] : memref<216x96xi32, #tpu.memory_space<vmem>> -> memref<1x96xi32, #tpu.memory_space<vmem>>
      %dma_wait3A_113 = tpu.memref_squeeze %dma_wait3A_112 : memref<1x96xi32, #tpu.memory_space<vmem>> -> memref<96xi32, #tpu.memory_space<vmem>>
      %dma_wait3A_114 = arith.constant 0 : i32
      %dma_wait3A_115 = arith.constant 0 : i32
      %dma_wait3A_116 = tpu.memref_slice %arg8[%dma_wait3A_114, %dma_wait3A_115] : memref<10112x128xf32, #tpu.memory_space<vmem_shared>> -> memref<10112x128xf32, #tpu.memory_space<vmem_shared>>
      tpu.wait_indirect_dma semaphore(%arg9 : memref<!tpu.dma_semaphore, #tpu.memory_space<semaphore_mem>>) src(%arg7 : memref<96x128xf32, #tpu.memory_space<vmem>>) dst(%dma_wait3A_116 : memref<10112x128xf32, #tpu.memory_space<vmem_shared>>)
      %dma_wait3A_117 = arith.constant 0 : i32
      %dma_wait3A_118 = tpu.memref_slice %arg6[%add3A_61, %dma_wait3A_117] : memref<216x96xi32, #tpu.memory_space<vmem>> -> memref<1x96xi32, #tpu.memory_space<vmem>>
      %dma_wait3A_119 = tpu.memref_squeeze %dma_wait3A_118 : memref<1x96xi32, #tpu.memory_space<vmem>> -> memref<96xi32, #tpu.memory_space<vmem>>
      %dma_wait3A_120 = arith.constant 0 : i32
      %dma_wait3A_121 = arith.constant 0 : i32
      %dma_wait3A_122 = tpu.memref_slice %arg8[%dma_wait3A_120, %dma_wait3A_121] : memref<10112x128xf32, #tpu.memory_space<vmem_shared>> -> memref<10112x128xf32, #tpu.memory_space<vmem_shared>>
      tpu.wait_indirect_dma semaphore(%arg9 : memref<!tpu.dma_semaphore, #tpu.memory_space<semaphore_mem>>) src(%arg7 : memref<96x128xf32, #tpu.memory_space<vmem>>) dst(%dma_wait3A_122 : memref<10112x128xf32, #tpu.memory_space<vmem_shared>>)
      %dma_wait3A_123 = arith.constant 0 : i32
      %dma_wait3A_124 = tpu.memref_slice %arg6[%add3A_71, %dma_wait3A_123] : memref<216x96xi32, #tpu.memory_space<vmem>> -> memref<1x96xi32, #tpu.memory_space<vmem>>
      %dma_wait3A_125 = tpu.memref_squeeze %dma_wait3A_124 : memref<1x96xi32, #tpu.memory_space<vmem>> -> memref<96xi32, #tpu.memory_space<vmem>>
      %dma_wait3A_126 = arith.constant 0 : i32
      %dma_wait3A_127 = arith.constant 0 : i32
      %dma_wait3A_128 = tpu.memref_slice %arg8[%dma_wait3A_126, %dma_wait3A_127] : memref<10112x128xf32, #tpu.memory_space<vmem_shared>> -> memref<10112x128xf32, #tpu.memory_space<vmem_shared>>
      tpu.wait_indirect_dma semaphore(%arg9 : memref<!tpu.dma_semaphore, #tpu.memory_space<semaphore_mem>>) src(%arg7 : memref<96x128xf32, #tpu.memory_space<vmem>>) dst(%dma_wait3A_128 : memref<10112x128xf32, #tpu.memory_space<vmem_shared>>)
      %dma_wait3A_129 = arith.constant 0 : i32
      %dma_wait3A_130 = tpu.memref_slice %arg6[%add3A_81, %dma_wait3A_129] : memref<216x96xi32, #tpu.memory_space<vmem>> -> memref<1x96xi32, #tpu.memory_space<vmem>>
      %dma_wait3A_131 = tpu.memref_squeeze %dma_wait3A_130 : memref<1x96xi32, #tpu.memory_space<vmem>> -> memref<96xi32, #tpu.memory_space<vmem>>
      %dma_wait3A_132 = arith.constant 0 : i32
      %dma_wait3A_133 = arith.constant 0 : i32
      %dma_wait3A_134 = tpu.memref_slice %arg8[%dma_wait3A_132, %dma_wait3A_133] : memref<10112x128xf32, #tpu.memory_space<vmem_shared>> -> memref<10112x128xf32, #tpu.memory_space<vmem_shared>>
      tpu.wait_indirect_dma semaphore(%arg9 : memref<!tpu.dma_semaphore, #tpu.memory_space<semaphore_mem>>) src(%arg7 : memref<96x128xf32, #tpu.memory_space<vmem>>) dst(%dma_wait3A_134 : memref<10112x128xf32, #tpu.memory_space<vmem_shared>>)
    }
    %scan3A_5 = arith.constant 27 : i32
    %barrier3A_6 = arith.constant 0 : index
    tpu.barrier barrier_id(%barrier3A_6)
    %mul3A_7 = arith.constant 632 : i32
    %mul3A_8 = arith.muli %arg1, %mul3A_7 : i32
    "tpu.region"() ({
      %run_scoped3A = tpu.sem_alloc : memref<!tpu.dma_semaphore, #tpu.memory_space<semaphore_mem>>
      %dma_start3A = arith.constant 0 : i32
      %dma_start3A_9 = arith.constant 0 : i32
      %dma_start3A_10 = tpu.memref_slice %arg5[%arg0, %arg1, %dma_start3A, %dma_start3A_9] : memref<2x16x632x128xf32, #tpu.memory_space<hbm>> -> memref<1x1x632x128xf32, #tpu.memory_space<hbm>>
      %dma_start3A_11 = tpu.memref_squeeze %dma_start3A_10 : memref<1x1x632x128xf32, #tpu.memory_space<hbm>> -> memref<632x128xf32, #tpu.memory_space<hbm>>
      %dma_start3A_12 = arith.constant 0 : i32
      %dma_start3A_13 = tpu.memref_slice %arg8[%mul3A_8, %dma_start3A_12] : memref<10112x128xf32, #tpu.memory_space<vmem_shared>> -> memref<632x128xf32, #tpu.memory_space<vmem_shared>>
      tpu.enqueue_dma source(%dma_start3A_13 : memref<632x128xf32, #tpu.memory_space<vmem_shared>>) target(%dma_start3A_11 : memref<632x128xf32, #tpu.memory_space<hbm>>) target_semaphore(%run_scoped3A : memref<!tpu.dma_semaphore, #tpu.memory_space<semaphore_mem>>)
      %dma_wait3A = arith.constant 0 : i32
      %dma_wait3A_14 = arith.constant 0 : i32
      %dma_wait3A_15 = tpu.memref_slice %arg5[%arg0, %arg1, %dma_wait3A, %dma_wait3A_14] : memref<2x16x632x128xf32, #tpu.memory_space<hbm>> -> memref<1x1x632x128xf32, #tpu.memory_space<hbm>>
      %dma_wait3A_16 = tpu.memref_squeeze %dma_wait3A_15 : memref<1x1x632x128xf32, #tpu.memory_space<hbm>> -> memref<632x128xf32, #tpu.memory_space<hbm>>
      %dma_wait3A_17 = arith.constant 0 : i32
      %dma_wait3A_18 = tpu.memref_slice %arg8[%mul3A_8, %dma_wait3A_17] : memref<10112x128xf32, #tpu.memory_space<vmem_shared>> -> memref<632x128xf32, #tpu.memory_space<vmem_shared>>
      tpu.wait_dma2 semaphore(%run_scoped3A : memref<!tpu.dma_semaphore, #tpu.memory_space<semaphore_mem>>) src(%dma_wait3A_18 : memref<632x128xf32, #tpu.memory_space<vmem_shared>>) dst(%dma_wait3A_16 : memref<632x128xf32, #tpu.memory_space<hbm>>)
      tpu.yield
    }) : () -> ()
    return
  }
}

#map = affine_map<(d0, d1) -> (0, 0)>
#map1 = affine_map<(d0, d1) -> (0, 0, 0, 0)>
module attributes {stable_mosaic.version = 14 : i64} {
  func.func @_sc_prop_body(%arg0: i32, %arg1: i32, %arg2: memref<10000x128xf32, #tpu.memory_space<hbm>>, %arg3: memref<2x16x216x96xi32, #tpu.memory_space<hbm>>, %arg4: memref<2x16x216x96xi32, #tpu.memory_space<hbm>>, %arg5: memref<632x128xf32, #tpu.memory_space<hbm>>, %arg6: memref<2x16x632x128xf32, #tpu.memory_space<hbm>>, %arg7: memref<8x96xi32, #tpu.memory_space<vmem>>, %arg8: memref<8x96xi32, #tpu.memory_space<vmem>>, %arg9: memref<96x128xf32, #tpu.memory_space<vmem>>, %arg10: memref<96x128xf32, #tpu.memory_space<vmem>>, %arg11: memref<96x128xf32, #tpu.memory_space<vmem>>, %arg12: memref<10112x128xf32, #tpu.memory_space<vmem_shared>>, %arg13: memref<!tpu.dma_semaphore, #tpu.memory_space<semaphore_mem>>, %arg14: memref<!tpu.dma_semaphore, #tpu.memory_space<semaphore_mem>>, %arg15: memref<!tpu.dma_semaphore, #tpu.memory_space<semaphore_mem>>, %arg16: memref<!tpu.dma_semaphore, #tpu.memory_space<semaphore_mem>>, %arg17: memref<!tpu.dma_semaphore, #tpu.memory_space<semaphore_mem>>, %arg18: memref<!tpu.dma_semaphore, #tpu.memory_space<semaphore_mem>>) attributes {dimension_semantics = [#tpu.dimension_semantics<core_parallel>, #tpu.dimension_semantics<subcore_parallel>], iteration_bounds = array<i64: 2, 16>, scalar_prefetch = 0 : i64, scratch_operands = 12 : i64, tpu.core_type = #tpu.core_type<sc_vector_subcore>, window_params = [{transform_indices = #map}, {transform_indices = #map1}, {transform_indices = #map1}, {transform_indices = #map}, {transform_indices = #map1}]} {
    %mul3A = arith.constant 632 : i32
    %mul3A_0 = arith.muli %arg1, %mul3A : i32
    "tpu.region"() ({
      %run_scoped3A = tpu.sem_alloc : memref<!tpu.dma_semaphore, #tpu.memory_space<semaphore_mem>>
      %dma_start3A = arith.constant 0 : i32
      %dma_start3A_15 = tpu.memref_slice %arg12[%mul3A_0, %dma_start3A] : memref<10112x128xf32, #tpu.memory_space<vmem_shared>> -> memref<632x128xf32, #tpu.memory_space<vmem_shared>>
      tpu.enqueue_dma source(%arg5 : memref<632x128xf32, #tpu.memory_space<hbm>>) target(%dma_start3A_15 : memref<632x128xf32, #tpu.memory_space<vmem_shared>>) target_semaphore(%run_scoped3A : memref<!tpu.dma_semaphore, #tpu.memory_space<semaphore_mem>>)
      %dma_wait3A = arith.constant 0 : i32
      %dma_wait3A_16 = tpu.memref_slice %arg12[%mul3A_0, %dma_wait3A] : memref<10112x128xf32, #tpu.memory_space<vmem_shared>> -> memref<632x128xf32, #tpu.memory_space<vmem_shared>>
      tpu.wait_dma2 semaphore(%run_scoped3A : memref<!tpu.dma_semaphore, #tpu.memory_space<semaphore_mem>>) src(%arg5 : memref<632x128xf32, #tpu.memory_space<hbm>>) dst(%dma_wait3A_16 : memref<632x128xf32, #tpu.memory_space<vmem_shared>>)
      tpu.yield
    }) : () -> ()
    %barrier3A = arith.constant 0 : index
    tpu.barrier barrier_id(%barrier3A)
    %eq3A = arith.constant 0 : i32
    %eq3A_1 = arith.cmpi eq, %arg0, %eq3A : i32
    %jit3A = arith.constant 26 : i32
    %jit3A_2 = arith.constant 27 : i32
    %select_n3A = arith.select %eq3A_1, %jit3A, %jit3A_2 : i32
    %while3A = arith.constant 0 : i32
    %while3A_3 = arith.constant 0 : i32
    %while3A_4 = arith.subi %select_n3A, %while3A_3 : i32
    %while3A_5 = arith.addi %while3A_3, %while3A_4 : i32
    %while3A_6 = arith.constant 1 : i32
    %while3A_7 = arith.divsi %while3A_4, %while3A_6 : i32
    %while3A_8 = arith.muli %while3A_7, %while3A_6 : i32
    %while3A_9 = arith.addi %while3A_3, %while3A_8 : i32
    %while3A_10 = arith.constant 1 : i32
    scf.for %while3A_15 = %while3A_3 to %while3A_9 step %while3A_10  : i32 {
      %mul3A_16 = arith.constant 8 : i32
      %mul3A_17 = arith.muli %while3A_15, %mul3A_16 : i32
      "tpu.region"() ({
        %run_scoped3A = tpu.sem_alloc : memref<!tpu.dma_semaphore, #tpu.memory_space<semaphore_mem>>
        %dma_start3A_242 = arith.constant 0 : i32
        %dma_start3A_243 = tpu.memref_slice %arg3[%arg0, %arg1, %mul3A_17, %dma_start3A_242] : memref<2x16x216x96xi32, #tpu.memory_space<hbm>> -> memref<1x1x8x96xi32, #tpu.memory_space<hbm>>
        %dma_start3A_244 = tpu.memref_squeeze %dma_start3A_243 : memref<1x1x8x96xi32, #tpu.memory_space<hbm>> -> memref<8x96xi32, #tpu.memory_space<hbm>>
        %dma_start3A_245 = arith.constant 0 : i32
        %dma_start3A_246 = tpu.memref_slice %arg3[%arg0, %arg1, %mul3A_17, %dma_start3A_245] : memref<2x16x216x96xi32, #tpu.memory_space<hbm>> -> memref<1x1x8x96xi32, #tpu.memory_space<hbm>>
        %dma_start3A_247 = tpu.memref_squeeze %dma_start3A_246 : memref<1x1x8x96xi32, #tpu.memory_space<hbm>> -> memref<8x96xi32, #tpu.memory_space<hbm>>
        tpu.enqueue_dma source(%dma_start3A_247 : memref<8x96xi32, #tpu.memory_space<hbm>>) target(%arg7 : memref<8x96xi32, #tpu.memory_space<vmem>>) target_semaphore(%run_scoped3A : memref<!tpu.dma_semaphore, #tpu.memory_space<semaphore_mem>>)
        %dma_wait3A_248 = arith.constant 0 : i32
        %dma_wait3A_249 = tpu.memref_slice %arg3[%arg0, %arg1, %mul3A_17, %dma_wait3A_248] : memref<2x16x216x96xi32, #tpu.memory_space<hbm>> -> memref<1x1x8x96xi32, #tpu.memory_space<hbm>>
        %dma_wait3A_250 = tpu.memref_squeeze %dma_wait3A_249 : memref<1x1x8x96xi32, #tpu.memory_space<hbm>> -> memref<8x96xi32, #tpu.memory_space<hbm>>
        %dma_wait3A_251 = arith.constant 0 : i32
        %dma_wait3A_252 = tpu.memref_slice %arg3[%arg0, %arg1, %mul3A_17, %dma_wait3A_251] : memref<2x16x216x96xi32, #tpu.memory_space<hbm>> -> memref<1x1x8x96xi32, #tpu.memory_space<hbm>>
        %dma_wait3A_253 = tpu.memref_squeeze %dma_wait3A_252 : memref<1x1x8x96xi32, #tpu.memory_space<hbm>> -> memref<8x96xi32, #tpu.memory_space<hbm>>
        tpu.wait_dma2 semaphore(%run_scoped3A : memref<!tpu.dma_semaphore, #tpu.memory_space<semaphore_mem>>) src(%dma_wait3A_253 : memref<8x96xi32, #tpu.memory_space<hbm>>) dst(%arg7 : memref<8x96xi32, #tpu.memory_space<vmem>>)
        tpu.yield
      }) : () -> ()
      %mul3A_18 = arith.constant 8 : i32
      %mul3A_19 = arith.muli %while3A_15, %mul3A_18 : i32
      "tpu.region"() ({
        %run_scoped3A = tpu.sem_alloc : memref<!tpu.dma_semaphore, #tpu.memory_space<semaphore_mem>>
        %dma_start3A_242 = arith.constant 0 : i32
        %dma_start3A_243 = tpu.memref_slice %arg4[%arg0, %arg1, %mul3A_19, %dma_start3A_242] : memref<2x16x216x96xi32, #tpu.memory_space<hbm>> -> memref<1x1x8x96xi32, #tpu.memory_space<hbm>>
        %dma_start3A_244 = tpu.memref_squeeze %dma_start3A_243 : memref<1x1x8x96xi32, #tpu.memory_space<hbm>> -> memref<8x96xi32, #tpu.memory_space<hbm>>
        %dma_start3A_245 = arith.constant 0 : i32
        %dma_start3A_246 = tpu.memref_slice %arg4[%arg0, %arg1, %mul3A_19, %dma_start3A_245] : memref<2x16x216x96xi32, #tpu.memory_space<hbm>> -> memref<1x1x8x96xi32, #tpu.memory_space<hbm>>
        %dma_start3A_247 = tpu.memref_squeeze %dma_start3A_246 : memref<1x1x8x96xi32, #tpu.memory_space<hbm>> -> memref<8x96xi32, #tpu.memory_space<hbm>>
        tpu.enqueue_dma source(%dma_start3A_247 : memref<8x96xi32, #tpu.memory_space<hbm>>) target(%arg8 : memref<8x96xi32, #tpu.memory_space<vmem>>) target_semaphore(%run_scoped3A : memref<!tpu.dma_semaphore, #tpu.memory_space<semaphore_mem>>)
        %dma_wait3A_248 = arith.constant 0 : i32
        %dma_wait3A_249 = tpu.memref_slice %arg4[%arg0, %arg1, %mul3A_19, %dma_wait3A_248] : memref<2x16x216x96xi32, #tpu.memory_space<hbm>> -> memref<1x1x8x96xi32, #tpu.memory_space<hbm>>
        %dma_wait3A_250 = tpu.memref_squeeze %dma_wait3A_249 : memref<1x1x8x96xi32, #tpu.memory_space<hbm>> -> memref<8x96xi32, #tpu.memory_space<hbm>>
        %dma_wait3A_251 = arith.constant 0 : i32
        %dma_wait3A_252 = tpu.memref_slice %arg4[%arg0, %arg1, %mul3A_19, %dma_wait3A_251] : memref<2x16x216x96xi32, #tpu.memory_space<hbm>> -> memref<1x1x8x96xi32, #tpu.memory_space<hbm>>
        %dma_wait3A_253 = tpu.memref_squeeze %dma_wait3A_252 : memref<1x1x8x96xi32, #tpu.memory_space<hbm>> -> memref<8x96xi32, #tpu.memory_space<hbm>>
        tpu.wait_dma2 semaphore(%run_scoped3A : memref<!tpu.dma_semaphore, #tpu.memory_space<semaphore_mem>>) src(%dma_wait3A_253 : memref<8x96xi32, #tpu.memory_space<hbm>>) dst(%arg8 : memref<8x96xi32, #tpu.memory_space<vmem>>)
        tpu.yield
      }) : () -> ()
      %dma_start3A = arith.constant 0 : i32
      %dma_start3A_20 = arith.constant 0 : i32
      %dma_start3A_21 = tpu.memref_slice %arg7[%dma_start3A, %dma_start3A_20] : memref<8x96xi32, #tpu.memory_space<vmem>> -> memref<1x96xi32, #tpu.memory_space<vmem>>
      %dma_start3A_22 = tpu.memref_squeeze %dma_start3A_21 : memref<1x96xi32, #tpu.memory_space<vmem>> -> memref<96xi32, #tpu.memory_space<vmem>>
      %dma_start3A_23 = arith.constant 0 : i32
      %dma_start3A_24 = arith.constant 0 : i32
      %dma_start3A_25 = tpu.memref_slice %arg2[%dma_start3A_23, %dma_start3A_24] : memref<10000x128xf32, #tpu.memory_space<hbm>> -> memref<10000x128xf32, #tpu.memory_space<hbm>>
      tpu.enqueue_indirect_dma source(%dma_start3A_25 : memref<10000x128xf32, #tpu.memory_space<hbm>>) target(%arg9 : memref<96x128xf32, #tpu.memory_space<vmem>>) offsets(%dma_start3A_22 : memref<96xi32, #tpu.memory_space<vmem>>) semaphore(%arg13 : memref<!tpu.dma_semaphore, #tpu.memory_space<semaphore_mem>>)
      %dma_start3A_26 = arith.constant 1 : i32
      %dma_start3A_27 = arith.constant 0 : i32
      %dma_start3A_28 = tpu.memref_slice %arg7[%dma_start3A_26, %dma_start3A_27] : memref<8x96xi32, #tpu.memory_space<vmem>> -> memref<1x96xi32, #tpu.memory_space<vmem>>
      %dma_start3A_29 = tpu.memref_squeeze %dma_start3A_28 : memref<1x96xi32, #tpu.memory_space<vmem>> -> memref<96xi32, #tpu.memory_space<vmem>>
      %dma_start3A_30 = arith.constant 0 : i32
      %dma_start3A_31 = arith.constant 0 : i32
      %dma_start3A_32 = tpu.memref_slice %arg2[%dma_start3A_30, %dma_start3A_31] : memref<10000x128xf32, #tpu.memory_space<hbm>> -> memref<10000x128xf32, #tpu.memory_space<hbm>>
      tpu.enqueue_indirect_dma source(%dma_start3A_32 : memref<10000x128xf32, #tpu.memory_space<hbm>>) target(%arg10 : memref<96x128xf32, #tpu.memory_space<vmem>>) offsets(%dma_start3A_29 : memref<96xi32, #tpu.memory_space<vmem>>) semaphore(%arg14 : memref<!tpu.dma_semaphore, #tpu.memory_space<semaphore_mem>>)
      %dma_wait3A = arith.constant 0 : i32
      %dma_wait3A_33 = arith.constant 0 : i32
      %dma_wait3A_34 = tpu.memref_slice %arg7[%dma_wait3A, %dma_wait3A_33] : memref<8x96xi32, #tpu.memory_space<vmem>> -> memref<1x96xi32, #tpu.memory_space<vmem>>
      %dma_wait3A_35 = tpu.memref_squeeze %dma_wait3A_34 : memref<1x96xi32, #tpu.memory_space<vmem>> -> memref<96xi32, #tpu.memory_space<vmem>>
      %dma_wait3A_36 = arith.constant 0 : i32
      %dma_wait3A_37 = arith.constant 0 : i32
      %dma_wait3A_38 = tpu.memref_slice %arg2[%dma_wait3A_36, %dma_wait3A_37] : memref<10000x128xf32, #tpu.memory_space<hbm>> -> memref<10000x128xf32, #tpu.memory_space<hbm>>
      tpu.wait_indirect_dma semaphore(%arg13 : memref<!tpu.dma_semaphore, #tpu.memory_space<semaphore_mem>>) src(%dma_wait3A_38 : memref<10000x128xf32, #tpu.memory_space<hbm>>) dst(%arg9 : memref<96x128xf32, #tpu.memory_space<vmem>>)
      %dma_start3A_39 = arith.constant 2 : i32
      %dma_start3A_40 = arith.constant 0 : i32
      %dma_start3A_41 = tpu.memref_slice %arg7[%dma_start3A_39, %dma_start3A_40] : memref<8x96xi32, #tpu.memory_space<vmem>> -> memref<1x96xi32, #tpu.memory_space<vmem>>
      %dma_start3A_42 = tpu.memref_squeeze %dma_start3A_41 : memref<1x96xi32, #tpu.memory_space<vmem>> -> memref<96xi32, #tpu.memory_space<vmem>>
      %dma_start3A_43 = arith.constant 0 : i32
      %dma_start3A_44 = arith.constant 0 : i32
      %dma_start3A_45 = tpu.memref_slice %arg2[%dma_start3A_43, %dma_start3A_44] : memref<10000x128xf32, #tpu.memory_space<hbm>> -> memref<10000x128xf32, #tpu.memory_space<hbm>>
      tpu.enqueue_indirect_dma source(%dma_start3A_45 : memref<10000x128xf32, #tpu.memory_space<hbm>>) target(%arg11 : memref<96x128xf32, #tpu.memory_space<vmem>>) offsets(%dma_start3A_42 : memref<96xi32, #tpu.memory_space<vmem>>) semaphore(%arg15 : memref<!tpu.dma_semaphore, #tpu.memory_space<semaphore_mem>>)
      %dma_start3A_46 = arith.constant 0 : i32
      %dma_start3A_47 = arith.constant 0 : i32
      %dma_start3A_48 = tpu.memref_slice %arg8[%dma_start3A_46, %dma_start3A_47] : memref<8x96xi32, #tpu.memory_space<vmem>> -> memref<1x96xi32, #tpu.memory_space<vmem>>
      %dma_start3A_49 = tpu.memref_squeeze %dma_start3A_48 : memref<1x96xi32, #tpu.memory_space<vmem>> -> memref<96xi32, #tpu.memory_space<vmem>>
      %dma_start3A_50 = arith.constant 0 : i32
      %dma_start3A_51 = arith.constant 0 : i32
      %dma_start3A_52 = tpu.memref_slice %arg12[%dma_start3A_50, %dma_start3A_51] : memref<10112x128xf32, #tpu.memory_space<vmem_shared>> -> memref<10112x128xf32, #tpu.memory_space<vmem_shared>>
      tpu.enqueue_indirect_dma source(%arg9 : memref<96x128xf32, #tpu.memory_space<vmem>>) target(%dma_start3A_52 : memref<10112x128xf32, #tpu.memory_space<vmem_shared>>) offsets(%dma_start3A_49 : memref<96xi32, #tpu.memory_space<vmem>>) semaphore(%arg16 : memref<!tpu.dma_semaphore, #tpu.memory_space<semaphore_mem>>) {add = true}
      %dma_wait3A_53 = arith.constant 1 : i32
      %dma_wait3A_54 = arith.constant 0 : i32
      %dma_wait3A_55 = tpu.memref_slice %arg7[%dma_wait3A_53, %dma_wait3A_54] : memref<8x96xi32, #tpu.memory_space<vmem>> -> memref<1x96xi32, #tpu.memory_space<vmem>>
      %dma_wait3A_56 = tpu.memref_squeeze %dma_wait3A_55 : memref<1x96xi32, #tpu.memory_space<vmem>> -> memref<96xi32, #tpu.memory_space<vmem>>
      %dma_wait3A_57 = arith.constant 0 : i32
      %dma_wait3A_58 = arith.constant 0 : i32
      %dma_wait3A_59 = tpu.memref_slice %arg2[%dma_wait3A_57, %dma_wait3A_58] : memref<10000x128xf32, #tpu.memory_space<hbm>> -> memref<10000x128xf32, #tpu.memory_space<hbm>>
      tpu.wait_indirect_dma semaphore(%arg14 : memref<!tpu.dma_semaphore, #tpu.memory_space<semaphore_mem>>) src(%dma_wait3A_59 : memref<10000x128xf32, #tpu.memory_space<hbm>>) dst(%arg10 : memref<96x128xf32, #tpu.memory_space<vmem>>)
      %dma_wait3A_60 = arith.constant 0 : i32
      %dma_wait3A_61 = arith.constant 0 : i32
      %dma_wait3A_62 = tpu.memref_slice %arg8[%dma_wait3A_60, %dma_wait3A_61] : memref<8x96xi32, #tpu.memory_space<vmem>> -> memref<1x96xi32, #tpu.memory_space<vmem>>
      %dma_wait3A_63 = tpu.memref_squeeze %dma_wait3A_62 : memref<1x96xi32, #tpu.memory_space<vmem>> -> memref<96xi32, #tpu.memory_space<vmem>>
      %dma_wait3A_64 = arith.constant 0 : i32
      %dma_wait3A_65 = arith.constant 0 : i32
      %dma_wait3A_66 = tpu.memref_slice %arg12[%dma_wait3A_64, %dma_wait3A_65] : memref<10112x128xf32, #tpu.memory_space<vmem_shared>> -> memref<10112x128xf32, #tpu.memory_space<vmem_shared>>
      tpu.wait_indirect_dma semaphore(%arg16 : memref<!tpu.dma_semaphore, #tpu.memory_space<semaphore_mem>>) src(%arg9 : memref<96x128xf32, #tpu.memory_space<vmem>>) dst(%dma_wait3A_66 : memref<10112x128xf32, #tpu.memory_space<vmem_shared>>)
      %dma_start3A_67 = arith.constant 3 : i32
      %dma_start3A_68 = arith.constant 0 : i32
      %dma_start3A_69 = tpu.memref_slice %arg7[%dma_start3A_67, %dma_start3A_68] : memref<8x96xi32, #tpu.memory_space<vmem>> -> memref<1x96xi32, #tpu.memory_space<vmem>>
      %dma_start3A_70 = tpu.memref_squeeze %dma_start3A_69 : memref<1x96xi32, #tpu.memory_space<vmem>> -> memref<96xi32, #tpu.memory_space<vmem>>
      %dma_start3A_71 = arith.constant 0 : i32
      %dma_start3A_72 = arith.constant 0 : i32
      %dma_start3A_73 = tpu.memref_slice %arg2[%dma_start3A_71, %dma_start3A_72] : memref<10000x128xf32, #tpu.memory_space<hbm>> -> memref<10000x128xf32, #tpu.memory_space<hbm>>
      tpu.enqueue_indirect_dma source(%dma_start3A_73 : memref<10000x128xf32, #tpu.memory_space<hbm>>) target(%arg9 : memref<96x128xf32, #tpu.memory_space<vmem>>) offsets(%dma_start3A_70 : memref<96xi32, #tpu.memory_space<vmem>>) semaphore(%arg13 : memref<!tpu.dma_semaphore, #tpu.memory_space<semaphore_mem>>)
      %dma_start3A_74 = arith.constant 1 : i32
      %dma_start3A_75 = arith.constant 0 : i32
      %dma_start3A_76 = tpu.memref_slice %arg8[%dma_start3A_74, %dma_start3A_75] : memref<8x96xi32, #tpu.memory_space<vmem>> -> memref<1x96xi32, #tpu.memory_space<vmem>>
      %dma_start3A_77 = tpu.memref_squeeze %dma_start3A_76 : memref<1x96xi32, #tpu.memory_space<vmem>> -> memref<96xi32, #tpu.memory_space<vmem>>
      %dma_start3A_78 = arith.constant 0 : i32
      %dma_start3A_79 = arith.constant 0 : i32
      %dma_start3A_80 = tpu.memref_slice %arg12[%dma_start3A_78, %dma_start3A_79] : memref<10112x128xf32, #tpu.memory_space<vmem_shared>> -> memref<10112x128xf32, #tpu.memory_space<vmem_shared>>
      tpu.enqueue_indirect_dma source(%arg10 : memref<96x128xf32, #tpu.memory_space<vmem>>) target(%dma_start3A_80 : memref<10112x128xf32, #tpu.memory_space<vmem_shared>>) offsets(%dma_start3A_77 : memref<96xi32, #tpu.memory_space<vmem>>) semaphore(%arg17 : memref<!tpu.dma_semaphore, #tpu.memory_space<semaphore_mem>>) {add = true}
      %dma_wait3A_81 = arith.constant 2 : i32
      %dma_wait3A_82 = arith.constant 0 : i32
      %dma_wait3A_83 = tpu.memref_slice %arg7[%dma_wait3A_81, %dma_wait3A_82] : memref<8x96xi32, #tpu.memory_space<vmem>> -> memref<1x96xi32, #tpu.memory_space<vmem>>
      %dma_wait3A_84 = tpu.memref_squeeze %dma_wait3A_83 : memref<1x96xi32, #tpu.memory_space<vmem>> -> memref<96xi32, #tpu.memory_space<vmem>>
      %dma_wait3A_85 = arith.constant 0 : i32
      %dma_wait3A_86 = arith.constant 0 : i32
      %dma_wait3A_87 = tpu.memref_slice %arg2[%dma_wait3A_85, %dma_wait3A_86] : memref<10000x128xf32, #tpu.memory_space<hbm>> -> memref<10000x128xf32, #tpu.memory_space<hbm>>
      tpu.wait_indirect_dma semaphore(%arg15 : memref<!tpu.dma_semaphore, #tpu.memory_space<semaphore_mem>>) src(%dma_wait3A_87 : memref<10000x128xf32, #tpu.memory_space<hbm>>) dst(%arg11 : memref<96x128xf32, #tpu.memory_space<vmem>>)
      %dma_wait3A_88 = arith.constant 1 : i32
      %dma_wait3A_89 = arith.constant 0 : i32
      %dma_wait3A_90 = tpu.memref_slice %arg8[%dma_wait3A_88, %dma_wait3A_89] : memref<8x96xi32, #tpu.memory_space<vmem>> -> memref<1x96xi32, #tpu.memory_space<vmem>>
      %dma_wait3A_91 = tpu.memref_squeeze %dma_wait3A_90 : memref<1x96xi32, #tpu.memory_space<vmem>> -> memref<96xi32, #tpu.memory_space<vmem>>
      %dma_wait3A_92 = arith.constant 0 : i32
      %dma_wait3A_93 = arith.constant 0 : i32
      %dma_wait3A_94 = tpu.memref_slice %arg12[%dma_wait3A_92, %dma_wait3A_93] : memref<10112x128xf32, #tpu.memory_space<vmem_shared>> -> memref<10112x128xf32, #tpu.memory_space<vmem_shared>>
      tpu.wait_indirect_dma semaphore(%arg17 : memref<!tpu.dma_semaphore, #tpu.memory_space<semaphore_mem>>) src(%arg10 : memref<96x128xf32, #tpu.memory_space<vmem>>) dst(%dma_wait3A_94 : memref<10112x128xf32, #tpu.memory_space<vmem_shared>>)
      %dma_start3A_95 = arith.constant 4 : i32
      %dma_start3A_96 = arith.constant 0 : i32
      %dma_start3A_97 = tpu.memref_slice %arg7[%dma_start3A_95, %dma_start3A_96] : memref<8x96xi32, #tpu.memory_space<vmem>> -> memref<1x96xi32, #tpu.memory_space<vmem>>
      %dma_start3A_98 = tpu.memref_squeeze %dma_start3A_97 : memref<1x96xi32, #tpu.memory_space<vmem>> -> memref<96xi32, #tpu.memory_space<vmem>>
      %dma_start3A_99 = arith.constant 0 : i32
      %dma_start3A_100 = arith.constant 0 : i32
      %dma_start3A_101 = tpu.memref_slice %arg2[%dma_start3A_99, %dma_start3A_100] : memref<10000x128xf32, #tpu.memory_space<hbm>> -> memref<10000x128xf32, #tpu.memory_space<hbm>>
      tpu.enqueue_indirect_dma source(%dma_start3A_101 : memref<10000x128xf32, #tpu.memory_space<hbm>>) target(%arg10 : memref<96x128xf32, #tpu.memory_space<vmem>>) offsets(%dma_start3A_98 : memref<96xi32, #tpu.memory_space<vmem>>) semaphore(%arg14 : memref<!tpu.dma_semaphore, #tpu.memory_space<semaphore_mem>>)
      %dma_start3A_102 = arith.constant 2 : i32
      %dma_start3A_103 = arith.constant 0 : i32
      %dma_start3A_104 = tpu.memref_slice %arg8[%dma_start3A_102, %dma_start3A_103] : memref<8x96xi32, #tpu.memory_space<vmem>> -> memref<1x96xi32, #tpu.memory_space<vmem>>
      %dma_start3A_105 = tpu.memref_squeeze %dma_start3A_104 : memref<1x96xi32, #tpu.memory_space<vmem>> -> memref<96xi32, #tpu.memory_space<vmem>>
      %dma_start3A_106 = arith.constant 0 : i32
      %dma_start3A_107 = arith.constant 0 : i32
      %dma_start3A_108 = tpu.memref_slice %arg12[%dma_start3A_106, %dma_start3A_107] : memref<10112x128xf32, #tpu.memory_space<vmem_shared>> -> memref<10112x128xf32, #tpu.memory_space<vmem_shared>>
      tpu.enqueue_indirect_dma source(%arg11 : memref<96x128xf32, #tpu.memory_space<vmem>>) target(%dma_start3A_108 : memref<10112x128xf32, #tpu.memory_space<vmem_shared>>) offsets(%dma_start3A_105 : memref<96xi32, #tpu.memory_space<vmem>>) semaphore(%arg18 : memref<!tpu.dma_semaphore, #tpu.memory_space<semaphore_mem>>) {add = true}
      %dma_wait3A_109 = arith.constant 3 : i32
      %dma_wait3A_110 = arith.constant 0 : i32
      %dma_wait3A_111 = tpu.memref_slice %arg7[%dma_wait3A_109, %dma_wait3A_110] : memref<8x96xi32, #tpu.memory_space<vmem>> -> memref<1x96xi32, #tpu.memory_space<vmem>>
      %dma_wait3A_112 = tpu.memref_squeeze %dma_wait3A_111 : memref<1x96xi32, #tpu.memory_space<vmem>> -> memref<96xi32, #tpu.memory_space<vmem>>
      %dma_wait3A_113 = arith.constant 0 : i32
      %dma_wait3A_114 = arith.constant 0 : i32
      %dma_wait3A_115 = tpu.memref_slice %arg2[%dma_wait3A_113, %dma_wait3A_114] : memref<10000x128xf32, #tpu.memory_space<hbm>> -> memref<10000x128xf32, #tpu.memory_space<hbm>>
      tpu.wait_indirect_dma semaphore(%arg13 : memref<!tpu.dma_semaphore, #tpu.memory_space<semaphore_mem>>) src(%dma_wait3A_115 : memref<10000x128xf32, #tpu.memory_space<hbm>>) dst(%arg9 : memref<96x128xf32, #tpu.memory_space<vmem>>)
      %dma_wait3A_116 = arith.constant 2 : i32
      %dma_wait3A_117 = arith.constant 0 : i32
      %dma_wait3A_118 = tpu.memref_slice %arg8[%dma_wait3A_116, %dma_wait3A_117] : memref<8x96xi32, #tpu.memory_space<vmem>> -> memref<1x96xi32, #tpu.memory_space<vmem>>
      %dma_wait3A_119 = tpu.memref_squeeze %dma_wait3A_118 : memref<1x96xi32, #tpu.memory_space<vmem>> -> memref<96xi32, #tpu.memory_space<vmem>>
      %dma_wait3A_120 = arith.constant 0 : i32
      %dma_wait3A_121 = arith.constant 0 : i32
      %dma_wait3A_122 = tpu.memref_slice %arg12[%dma_wait3A_120, %dma_wait3A_121] : memref<10112x128xf32, #tpu.memory_space<vmem_shared>> -> memref<10112x128xf32, #tpu.memory_space<vmem_shared>>
      tpu.wait_indirect_dma semaphore(%arg18 : memref<!tpu.dma_semaphore, #tpu.memory_space<semaphore_mem>>) src(%arg11 : memref<96x128xf32, #tpu.memory_space<vmem>>) dst(%dma_wait3A_122 : memref<10112x128xf32, #tpu.memory_space<vmem_shared>>)
      %dma_start3A_123 = arith.constant 5 : i32
      %dma_start3A_124 = arith.constant 0 : i32
      %dma_start3A_125 = tpu.memref_slice %arg7[%dma_start3A_123, %dma_start3A_124] : memref<8x96xi32, #tpu.memory_space<vmem>> -> memref<1x96xi32, #tpu.memory_space<vmem>>
      %dma_start3A_126 = tpu.memref_squeeze %dma_start3A_125 : memref<1x96xi32, #tpu.memory_space<vmem>> -> memref<96xi32, #tpu.memory_space<vmem>>
      %dma_start3A_127 = arith.constant 0 : i32
      %dma_start3A_128 = arith.constant 0 : i32
      %dma_start3A_129 = tpu.memref_slice %arg2[%dma_start3A_127, %dma_start3A_128] : memref<10000x128xf32, #tpu.memory_space<hbm>> -> memref<10000x128xf32, #tpu.memory_space<hbm>>
      tpu.enqueue_indirect_dma source(%dma_start3A_129 : memref<10000x128xf32, #tpu.memory_space<hbm>>) target(%arg11 : memref<96x128xf32, #tpu.memory_space<vmem>>) offsets(%dma_start3A_126 : memref<96xi32, #tpu.memory_space<vmem>>) semaphore(%arg15 : memref<!tpu.dma_semaphore, #tpu.memory_space<semaphore_mem>>)
      %dma_start3A_130 = arith.constant 3 : i32
      %dma_start3A_131 = arith.constant 0 : i32
      %dma_start3A_132 = tpu.memref_slice %arg8[%dma_start3A_130, %dma_start3A_131] : memref<8x96xi32, #tpu.memory_space<vmem>> -> memref<1x96xi32, #tpu.memory_space<vmem>>
      %dma_start3A_133 = tpu.memref_squeeze %dma_start3A_132 : memref<1x96xi32, #tpu.memory_space<vmem>> -> memref<96xi32, #tpu.memory_space<vmem>>
      %dma_start3A_134 = arith.constant 0 : i32
      %dma_start3A_135 = arith.constant 0 : i32
      %dma_start3A_136 = tpu.memref_slice %arg12[%dma_start3A_134, %dma_start3A_135] : memref<10112x128xf32, #tpu.memory_space<vmem_shared>> -> memref<10112x128xf32, #tpu.memory_space<vmem_shared>>
      tpu.enqueue_indirect_dma source(%arg9 : memref<96x128xf32, #tpu.memory_space<vmem>>) target(%dma_start3A_136 : memref<10112x128xf32, #tpu.memory_space<vmem_shared>>) offsets(%dma_start3A_133 : memref<96xi32, #tpu.memory_space<vmem>>) semaphore(%arg16 : memref<!tpu.dma_semaphore, #tpu.memory_space<semaphore_mem>>) {add = true}
      %dma_wait3A_137 = arith.constant 4 : i32
      %dma_wait3A_138 = arith.constant 0 : i32
      %dma_wait3A_139 = tpu.memref_slice %arg7[%dma_wait3A_137, %dma_wait3A_138] : memref<8x96xi32, #tpu.memory_space<vmem>> -> memref<1x96xi32, #tpu.memory_space<vmem>>
      %dma_wait3A_140 = tpu.memref_squeeze %dma_wait3A_139 : memref<1x96xi32, #tpu.memory_space<vmem>> -> memref<96xi32, #tpu.memory_space<vmem>>
      %dma_wait3A_141 = arith.constant 0 : i32
      %dma_wait3A_142 = arith.constant 0 : i32
      %dma_wait3A_143 = tpu.memref_slice %arg2[%dma_wait3A_141, %dma_wait3A_142] : memref<10000x128xf32, #tpu.memory_space<hbm>> -> memref<10000x128xf32, #tpu.memory_space<hbm>>
      tpu.wait_indirect_dma semaphore(%arg14 : memref<!tpu.dma_semaphore, #tpu.memory_space<semaphore_mem>>) src(%dma_wait3A_143 : memref<10000x128xf32, #tpu.memory_space<hbm>>) dst(%arg10 : memref<96x128xf32, #tpu.memory_space<vmem>>)
      %dma_wait3A_144 = arith.constant 3 : i32
      %dma_wait3A_145 = arith.constant 0 : i32
      %dma_wait3A_146 = tpu.memref_slice %arg8[%dma_wait3A_144, %dma_wait3A_145] : memref<8x96xi32, #tpu.memory_space<vmem>> -> memref<1x96xi32, #tpu.memory_space<vmem>>
      %dma_wait3A_147 = tpu.memref_squeeze %dma_wait3A_146 : memref<1x96xi32, #tpu.memory_space<vmem>> -> memref<96xi32, #tpu.memory_space<vmem>>
      %dma_wait3A_148 = arith.constant 0 : i32
      %dma_wait3A_149 = arith.constant 0 : i32
      %dma_wait3A_150 = tpu.memref_slice %arg12[%dma_wait3A_148, %dma_wait3A_149] : memref<10112x128xf32, #tpu.memory_space<vmem_shared>> -> memref<10112x128xf32, #tpu.memory_space<vmem_shared>>
      tpu.wait_indirect_dma semaphore(%arg16 : memref<!tpu.dma_semaphore, #tpu.memory_space<semaphore_mem>>) src(%arg9 : memref<96x128xf32, #tpu.memory_space<vmem>>) dst(%dma_wait3A_150 : memref<10112x128xf32, #tpu.memory_space<vmem_shared>>)
      %dma_start3A_151 = arith.constant 6 : i32
      %dma_start3A_152 = arith.constant 0 : i32
      %dma_start3A_153 = tpu.memref_slice %arg7[%dma_start3A_151, %dma_start3A_152] : memref<8x96xi32, #tpu.memory_space<vmem>> -> memref<1x96xi32, #tpu.memory_space<vmem>>
      %dma_start3A_154 = tpu.memref_squeeze %dma_start3A_153 : memref<1x96xi32, #tpu.memory_space<vmem>> -> memref<96xi32, #tpu.memory_space<vmem>>
      %dma_start3A_155 = arith.constant 0 : i32
      %dma_start3A_156 = arith.constant 0 : i32
      %dma_start3A_157 = tpu.memref_slice %arg2[%dma_start3A_155, %dma_start3A_156] : memref<10000x128xf32, #tpu.memory_space<hbm>> -> memref<10000x128xf32, #tpu.memory_space<hbm>>
      tpu.enqueue_indirect_dma source(%dma_start3A_157 : memref<10000x128xf32, #tpu.memory_space<hbm>>) target(%arg9 : memref<96x128xf32, #tpu.memory_space<vmem>>) offsets(%dma_start3A_154 : memref<96xi32, #tpu.memory_space<vmem>>) semaphore(%arg13 : memref<!tpu.dma_semaphore, #tpu.memory_space<semaphore_mem>>)
      %dma_start3A_158 = arith.constant 4 : i32
      %dma_start3A_159 = arith.constant 0 : i32
      %dma_start3A_160 = tpu.memref_slice %arg8[%dma_start3A_158, %dma_start3A_159] : memref<8x96xi32, #tpu.memory_space<vmem>> -> memref<1x96xi32, #tpu.memory_space<vmem>>
      %dma_start3A_161 = tpu.memref_squeeze %dma_start3A_160 : memref<1x96xi32, #tpu.memory_space<vmem>> -> memref<96xi32, #tpu.memory_space<vmem>>
      %dma_start3A_162 = arith.constant 0 : i32
      %dma_start3A_163 = arith.constant 0 : i32
      %dma_start3A_164 = tpu.memref_slice %arg12[%dma_start3A_162, %dma_start3A_163] : memref<10112x128xf32, #tpu.memory_space<vmem_shared>> -> memref<10112x128xf32, #tpu.memory_space<vmem_shared>>
      tpu.enqueue_indirect_dma source(%arg10 : memref<96x128xf32, #tpu.memory_space<vmem>>) target(%dma_start3A_164 : memref<10112x128xf32, #tpu.memory_space<vmem_shared>>) offsets(%dma_start3A_161 : memref<96xi32, #tpu.memory_space<vmem>>) semaphore(%arg17 : memref<!tpu.dma_semaphore, #tpu.memory_space<semaphore_mem>>) {add = true}
      %dma_wait3A_165 = arith.constant 5 : i32
      %dma_wait3A_166 = arith.constant 0 : i32
      %dma_wait3A_167 = tpu.memref_slice %arg7[%dma_wait3A_165, %dma_wait3A_166] : memref<8x96xi32, #tpu.memory_space<vmem>> -> memref<1x96xi32, #tpu.memory_space<vmem>>
      %dma_wait3A_168 = tpu.memref_squeeze %dma_wait3A_167 : memref<1x96xi32, #tpu.memory_space<vmem>> -> memref<96xi32, #tpu.memory_space<vmem>>
      %dma_wait3A_169 = arith.constant 0 : i32
      %dma_wait3A_170 = arith.constant 0 : i32
      %dma_wait3A_171 = tpu.memref_slice %arg2[%dma_wait3A_169, %dma_wait3A_170] : memref<10000x128xf32, #tpu.memory_space<hbm>> -> memref<10000x128xf32, #tpu.memory_space<hbm>>
      tpu.wait_indirect_dma semaphore(%arg15 : memref<!tpu.dma_semaphore, #tpu.memory_space<semaphore_mem>>) src(%dma_wait3A_171 : memref<10000x128xf32, #tpu.memory_space<hbm>>) dst(%arg11 : memref<96x128xf32, #tpu.memory_space<vmem>>)
      %dma_wait3A_172 = arith.constant 4 : i32
      %dma_wait3A_173 = arith.constant 0 : i32
      %dma_wait3A_174 = tpu.memref_slice %arg8[%dma_wait3A_172, %dma_wait3A_173] : memref<8x96xi32, #tpu.memory_space<vmem>> -> memref<1x96xi32, #tpu.memory_space<vmem>>
      %dma_wait3A_175 = tpu.memref_squeeze %dma_wait3A_174 : memref<1x96xi32, #tpu.memory_space<vmem>> -> memref<96xi32, #tpu.memory_space<vmem>>
      %dma_wait3A_176 = arith.constant 0 : i32
      %dma_wait3A_177 = arith.constant 0 : i32
      %dma_wait3A_178 = tpu.memref_slice %arg12[%dma_wait3A_176, %dma_wait3A_177] : memref<10112x128xf32, #tpu.memory_space<vmem_shared>> -> memref<10112x128xf32, #tpu.memory_space<vmem_shared>>
      tpu.wait_indirect_dma semaphore(%arg17 : memref<!tpu.dma_semaphore, #tpu.memory_space<semaphore_mem>>) src(%arg10 : memref<96x128xf32, #tpu.memory_space<vmem>>) dst(%dma_wait3A_178 : memref<10112x128xf32, #tpu.memory_space<vmem_shared>>)
      %dma_start3A_179 = arith.constant 7 : i32
      %dma_start3A_180 = arith.constant 0 : i32
      %dma_start3A_181 = tpu.memref_slice %arg7[%dma_start3A_179, %dma_start3A_180] : memref<8x96xi32, #tpu.memory_space<vmem>> -> memref<1x96xi32, #tpu.memory_space<vmem>>
      %dma_start3A_182 = tpu.memref_squeeze %dma_start3A_181 : memref<1x96xi32, #tpu.memory_space<vmem>> -> memref<96xi32, #tpu.memory_space<vmem>>
      %dma_start3A_183 = arith.constant 0 : i32
      %dma_start3A_184 = arith.constant 0 : i32
      %dma_start3A_185 = tpu.memref_slice %arg2[%dma_start3A_183, %dma_start3A_184] : memref<10000x128xf32, #tpu.memory_space<hbm>> -> memref<10000x128xf32, #tpu.memory_space<hbm>>
      tpu.enqueue_indirect_dma source(%dma_start3A_185 : memref<10000x128xf32, #tpu.memory_space<hbm>>) target(%arg10 : memref<96x128xf32, #tpu.memory_space<vmem>>) offsets(%dma_start3A_182 : memref<96xi32, #tpu.memory_space<vmem>>) semaphore(%arg14 : memref<!tpu.dma_semaphore, #tpu.memory_space<semaphore_mem>>)
      %dma_start3A_186 = arith.constant 5 : i32
      %dma_start3A_187 = arith.constant 0 : i32
      %dma_start3A_188 = tpu.memref_slice %arg8[%dma_start3A_186, %dma_start3A_187] : memref<8x96xi32, #tpu.memory_space<vmem>> -> memref<1x96xi32, #tpu.memory_space<vmem>>
      %dma_start3A_189 = tpu.memref_squeeze %dma_start3A_188 : memref<1x96xi32, #tpu.memory_space<vmem>> -> memref<96xi32, #tpu.memory_space<vmem>>
      %dma_start3A_190 = arith.constant 0 : i32
      %dma_start3A_191 = arith.constant 0 : i32
      %dma_start3A_192 = tpu.memref_slice %arg12[%dma_start3A_190, %dma_start3A_191] : memref<10112x128xf32, #tpu.memory_space<vmem_shared>> -> memref<10112x128xf32, #tpu.memory_space<vmem_shared>>
      tpu.enqueue_indirect_dma source(%arg11 : memref<96x128xf32, #tpu.memory_space<vmem>>) target(%dma_start3A_192 : memref<10112x128xf32, #tpu.memory_space<vmem_shared>>) offsets(%dma_start3A_189 : memref<96xi32, #tpu.memory_space<vmem>>) semaphore(%arg18 : memref<!tpu.dma_semaphore, #tpu.memory_space<semaphore_mem>>) {add = true}
      %dma_wait3A_193 = arith.constant 6 : i32
      %dma_wait3A_194 = arith.constant 0 : i32
      %dma_wait3A_195 = tpu.memref_slice %arg7[%dma_wait3A_193, %dma_wait3A_194] : memref<8x96xi32, #tpu.memory_space<vmem>> -> memref<1x96xi32, #tpu.memory_space<vmem>>
      %dma_wait3A_196 = tpu.memref_squeeze %dma_wait3A_195 : memref<1x96xi32, #tpu.memory_space<vmem>> -> memref<96xi32, #tpu.memory_space<vmem>>
      %dma_wait3A_197 = arith.constant 0 : i32
      %dma_wait3A_198 = arith.constant 0 : i32
      %dma_wait3A_199 = tpu.memref_slice %arg2[%dma_wait3A_197, %dma_wait3A_198] : memref<10000x128xf32, #tpu.memory_space<hbm>> -> memref<10000x128xf32, #tpu.memory_space<hbm>>
      tpu.wait_indirect_dma semaphore(%arg13 : memref<!tpu.dma_semaphore, #tpu.memory_space<semaphore_mem>>) src(%dma_wait3A_199 : memref<10000x128xf32, #tpu.memory_space<hbm>>) dst(%arg9 : memref<96x128xf32, #tpu.memory_space<vmem>>)
      %dma_start3A_200 = arith.constant 6 : i32
      %dma_start3A_201 = arith.constant 0 : i32
      %dma_start3A_202 = tpu.memref_slice %arg8[%dma_start3A_200, %dma_start3A_201] : memref<8x96xi32, #tpu.memory_space<vmem>> -> memref<1x96xi32, #tpu.memory_space<vmem>>
      %dma_start3A_203 = tpu.memref_squeeze %dma_start3A_202 : memref<1x96xi32, #tpu.memory_space<vmem>> -> memref<96xi32, #tpu.memory_space<vmem>>
      %dma_start3A_204 = arith.constant 0 : i32
      %dma_start3A_205 = arith.constant 0 : i32
      %dma_start3A_206 = tpu.memref_slice %arg12[%dma_start3A_204, %dma_start3A_205] : memref<10112x128xf32, #tpu.memory_space<vmem_shared>> -> memref<10112x128xf32, #tpu.memory_space<vmem_shared>>
      tpu.enqueue_indirect_dma source(%arg9 : memref<96x128xf32, #tpu.memory_space<vmem>>) target(%dma_start3A_206 : memref<10112x128xf32, #tpu.memory_space<vmem_shared>>) offsets(%dma_start3A_203 : memref<96xi32, #tpu.memory_space<vmem>>) semaphore(%arg16 : memref<!tpu.dma_semaphore, #tpu.memory_space<semaphore_mem>>) {add = true}
      %dma_wait3A_207 = arith.constant 7 : i32
      %dma_wait3A_208 = arith.constant 0 : i32
      %dma_wait3A_209 = tpu.memref_slice %arg7[%dma_wait3A_207, %dma_wait3A_208] : memref<8x96xi32, #tpu.memory_space<vmem>> -> memref<1x96xi32, #tpu.memory_space<vmem>>
      %dma_wait3A_210 = tpu.memref_squeeze %dma_wait3A_209 : memref<1x96xi32, #tpu.memory_space<vmem>> -> memref<96xi32, #tpu.memory_space<vmem>>
      %dma_wait3A_211 = arith.constant 0 : i32
      %dma_wait3A_212 = arith.constant 0 : i32
      %dma_wait3A_213 = tpu.memref_slice %arg2[%dma_wait3A_211, %dma_wait3A_212] : memref<10000x128xf32, #tpu.memory_space<hbm>> -> memref<10000x128xf32, #tpu.memory_space<hbm>>
      tpu.wait_indirect_dma semaphore(%arg14 : memref<!tpu.dma_semaphore, #tpu.memory_space<semaphore_mem>>) src(%dma_wait3A_213 : memref<10000x128xf32, #tpu.memory_space<hbm>>) dst(%arg10 : memref<96x128xf32, #tpu.memory_space<vmem>>)
      %dma_start3A_214 = arith.constant 7 : i32
      %dma_start3A_215 = arith.constant 0 : i32
      %dma_start3A_216 = tpu.memref_slice %arg8[%dma_start3A_214, %dma_start3A_215] : memref<8x96xi32, #tpu.memory_space<vmem>> -> memref<1x96xi32, #tpu.memory_space<vmem>>
      %dma_start3A_217 = tpu.memref_squeeze %dma_start3A_216 : memref<1x96xi32, #tpu.memory_space<vmem>> -> memref<96xi32, #tpu.memory_space<vmem>>
      %dma_start3A_218 = arith.constant 0 : i32
      %dma_start3A_219 = arith.constant 0 : i32
      %dma_start3A_220 = tpu.memref_slice %arg12[%dma_start3A_218, %dma_start3A_219] : memref<10112x128xf32, #tpu.memory_space<vmem_shared>> -> memref<10112x128xf32, #tpu.memory_space<vmem_shared>>
      tpu.enqueue_indirect_dma source(%arg10 : memref<96x128xf32, #tpu.memory_space<vmem>>) target(%dma_start3A_220 : memref<10112x128xf32, #tpu.memory_space<vmem_shared>>) offsets(%dma_start3A_217 : memref<96xi32, #tpu.memory_space<vmem>>) semaphore(%arg17 : memref<!tpu.dma_semaphore, #tpu.memory_space<semaphore_mem>>) {add = true}
      %dma_wait3A_221 = arith.constant 5 : i32
      %dma_wait3A_222 = arith.constant 0 : i32
      %dma_wait3A_223 = tpu.memref_slice %arg8[%dma_wait3A_221, %dma_wait3A_222] : memref<8x96xi32, #tpu.memory_space<vmem>> -> memref<1x96xi32, #tpu.memory_space<vmem>>
      %dma_wait3A_224 = tpu.memref_squeeze %dma_wait3A_223 : memref<1x96xi32, #tpu.memory_space<vmem>> -> memref<96xi32, #tpu.memory_space<vmem>>
      %dma_wait3A_225 = arith.constant 0 : i32
      %dma_wait3A_226 = arith.constant 0 : i32
      %dma_wait3A_227 = tpu.memref_slice %arg12[%dma_wait3A_225, %dma_wait3A_226] : memref<10112x128xf32, #tpu.memory_space<vmem_shared>> -> memref<10112x128xf32, #tpu.memory_space<vmem_shared>>
      tpu.wait_indirect_dma semaphore(%arg18 : memref<!tpu.dma_semaphore, #tpu.memory_space<semaphore_mem>>) src(%arg11 : memref<96x128xf32, #tpu.memory_space<vmem>>) dst(%dma_wait3A_227 : memref<10112x128xf32, #tpu.memory_space<vmem_shared>>)
      %dma_wait3A_228 = arith.constant 6 : i32
      %dma_wait3A_229 = arith.constant 0 : i32
      %dma_wait3A_230 = tpu.memref_slice %arg8[%dma_wait3A_228, %dma_wait3A_229] : memref<8x96xi32, #tpu.memory_space<vmem>> -> memref<1x96xi32, #tpu.memory_space<vmem>>
      %dma_wait3A_231 = tpu.memref_squeeze %dma_wait3A_230 : memref<1x96xi32, #tpu.memory_space<vmem>> -> memref<96xi32, #tpu.memory_space<vmem>>
      %dma_wait3A_232 = arith.constant 0 : i32
      %dma_wait3A_233 = arith.constant 0 : i32
      %dma_wait3A_234 = tpu.memref_slice %arg12[%dma_wait3A_232, %dma_wait3A_233] : memref<10112x128xf32, #tpu.memory_space<vmem_shared>> -> memref<10112x128xf32, #tpu.memory_space<vmem_shared>>
      tpu.wait_indirect_dma semaphore(%arg16 : memref<!tpu.dma_semaphore, #tpu.memory_space<semaphore_mem>>) src(%arg9 : memref<96x128xf32, #tpu.memory_space<vmem>>) dst(%dma_wait3A_234 : memref<10112x128xf32, #tpu.memory_space<vmem_shared>>)
      %dma_wait3A_235 = arith.constant 7 : i32
      %dma_wait3A_236 = arith.constant 0 : i32
      %dma_wait3A_237 = tpu.memref_slice %arg8[%dma_wait3A_235, %dma_wait3A_236] : memref<8x96xi32, #tpu.memory_space<vmem>> -> memref<1x96xi32, #tpu.memory_space<vmem>>
      %dma_wait3A_238 = tpu.memref_squeeze %dma_wait3A_237 : memref<1x96xi32, #tpu.memory_space<vmem>> -> memref<96xi32, #tpu.memory_space<vmem>>
      %dma_wait3A_239 = arith.constant 0 : i32
      %dma_wait3A_240 = arith.constant 0 : i32
      %dma_wait3A_241 = tpu.memref_slice %arg12[%dma_wait3A_239, %dma_wait3A_240] : memref<10112x128xf32, #tpu.memory_space<vmem_shared>> -> memref<10112x128xf32, #tpu.memory_space<vmem_shared>>
      tpu.wait_indirect_dma semaphore(%arg17 : memref<!tpu.dma_semaphore, #tpu.memory_space<semaphore_mem>>) src(%arg10 : memref<96x128xf32, #tpu.memory_space<vmem>>) dst(%dma_wait3A_241 : memref<10112x128xf32, #tpu.memory_space<vmem_shared>>)
    }
    %while3A_11 = arith.constant 1 : i32
    scf.for %while3A_15 = %while3A_9 to %while3A_5 step %while3A_11  : i32 {
      %mul3A_16 = arith.constant 8 : i32
      %mul3A_17 = arith.muli %while3A_15, %mul3A_16 : i32
      "tpu.region"() ({
        %run_scoped3A = tpu.sem_alloc : memref<!tpu.dma_semaphore, #tpu.memory_space<semaphore_mem>>
        %dma_start3A_242 = arith.constant 0 : i32
        %dma_start3A_243 = tpu.memref_slice %arg3[%arg0, %arg1, %mul3A_17, %dma_start3A_242] : memref<2x16x216x96xi32, #tpu.memory_space<hbm>> -> memref<1x1x8x96xi32, #tpu.memory_space<hbm>>
        %dma_start3A_244 = tpu.memref_squeeze %dma_start3A_243 : memref<1x1x8x96xi32, #tpu.memory_space<hbm>> -> memref<8x96xi32, #tpu.memory_space<hbm>>
        %dma_start3A_245 = arith.constant 0 : i32
        %dma_start3A_246 = tpu.memref_slice %arg3[%arg0, %arg1, %mul3A_17, %dma_start3A_245] : memref<2x16x216x96xi32, #tpu.memory_space<hbm>> -> memref<1x1x8x96xi32, #tpu.memory_space<hbm>>
        %dma_start3A_247 = tpu.memref_squeeze %dma_start3A_246 : memref<1x1x8x96xi32, #tpu.memory_space<hbm>> -> memref<8x96xi32, #tpu.memory_space<hbm>>
        tpu.enqueue_dma source(%dma_start3A_247 : memref<8x96xi32, #tpu.memory_space<hbm>>) target(%arg7 : memref<8x96xi32, #tpu.memory_space<vmem>>) target_semaphore(%run_scoped3A : memref<!tpu.dma_semaphore, #tpu.memory_space<semaphore_mem>>)
        %dma_wait3A_248 = arith.constant 0 : i32
        %dma_wait3A_249 = tpu.memref_slice %arg3[%arg0, %arg1, %mul3A_17, %dma_wait3A_248] : memref<2x16x216x96xi32, #tpu.memory_space<hbm>> -> memref<1x1x8x96xi32, #tpu.memory_space<hbm>>
        %dma_wait3A_250 = tpu.memref_squeeze %dma_wait3A_249 : memref<1x1x8x96xi32, #tpu.memory_space<hbm>> -> memref<8x96xi32, #tpu.memory_space<hbm>>
        %dma_wait3A_251 = arith.constant 0 : i32
        %dma_wait3A_252 = tpu.memref_slice %arg3[%arg0, %arg1, %mul3A_17, %dma_wait3A_251] : memref<2x16x216x96xi32, #tpu.memory_space<hbm>> -> memref<1x1x8x96xi32, #tpu.memory_space<hbm>>
        %dma_wait3A_253 = tpu.memref_squeeze %dma_wait3A_252 : memref<1x1x8x96xi32, #tpu.memory_space<hbm>> -> memref<8x96xi32, #tpu.memory_space<hbm>>
        tpu.wait_dma2 semaphore(%run_scoped3A : memref<!tpu.dma_semaphore, #tpu.memory_space<semaphore_mem>>) src(%dma_wait3A_253 : memref<8x96xi32, #tpu.memory_space<hbm>>) dst(%arg7 : memref<8x96xi32, #tpu.memory_space<vmem>>)
        tpu.yield
      }) : () -> ()
      %mul3A_18 = arith.constant 8 : i32
      %mul3A_19 = arith.muli %while3A_15, %mul3A_18 : i32
      "tpu.region"() ({
        %run_scoped3A = tpu.sem_alloc : memref<!tpu.dma_semaphore, #tpu.memory_space<semaphore_mem>>
        %dma_start3A_242 = arith.constant 0 : i32
        %dma_start3A_243 = tpu.memref_slice %arg4[%arg0, %arg1, %mul3A_19, %dma_start3A_242] : memref<2x16x216x96xi32, #tpu.memory_space<hbm>> -> memref<1x1x8x96xi32, #tpu.memory_space<hbm>>
        %dma_start3A_244 = tpu.memref_squeeze %dma_start3A_243 : memref<1x1x8x96xi32, #tpu.memory_space<hbm>> -> memref<8x96xi32, #tpu.memory_space<hbm>>
        %dma_start3A_245 = arith.constant 0 : i32
        %dma_start3A_246 = tpu.memref_slice %arg4[%arg0, %arg1, %mul3A_19, %dma_start3A_245] : memref<2x16x216x96xi32, #tpu.memory_space<hbm>> -> memref<1x1x8x96xi32, #tpu.memory_space<hbm>>
        %dma_start3A_247 = tpu.memref_squeeze %dma_start3A_246 : memref<1x1x8x96xi32, #tpu.memory_space<hbm>> -> memref<8x96xi32, #tpu.memory_space<hbm>>
        tpu.enqueue_dma source(%dma_start3A_247 : memref<8x96xi32, #tpu.memory_space<hbm>>) target(%arg8 : memref<8x96xi32, #tpu.memory_space<vmem>>) target_semaphore(%run_scoped3A : memref<!tpu.dma_semaphore, #tpu.memory_space<semaphore_mem>>)
        %dma_wait3A_248 = arith.constant 0 : i32
        %dma_wait3A_249 = tpu.memref_slice %arg4[%arg0, %arg1, %mul3A_19, %dma_wait3A_248] : memref<2x16x216x96xi32, #tpu.memory_space<hbm>> -> memref<1x1x8x96xi32, #tpu.memory_space<hbm>>
        %dma_wait3A_250 = tpu.memref_squeeze %dma_wait3A_249 : memref<1x1x8x96xi32, #tpu.memory_space<hbm>> -> memref<8x96xi32, #tpu.memory_space<hbm>>
        %dma_wait3A_251 = arith.constant 0 : i32
        %dma_wait3A_252 = tpu.memref_slice %arg4[%arg0, %arg1, %mul3A_19, %dma_wait3A_251] : memref<2x16x216x96xi32, #tpu.memory_space<hbm>> -> memref<1x1x8x96xi32, #tpu.memory_space<hbm>>
        %dma_wait3A_253 = tpu.memref_squeeze %dma_wait3A_252 : memref<1x1x8x96xi32, #tpu.memory_space<hbm>> -> memref<8x96xi32, #tpu.memory_space<hbm>>
        tpu.wait_dma2 semaphore(%run_scoped3A : memref<!tpu.dma_semaphore, #tpu.memory_space<semaphore_mem>>) src(%dma_wait3A_253 : memref<8x96xi32, #tpu.memory_space<hbm>>) dst(%arg8 : memref<8x96xi32, #tpu.memory_space<vmem>>)
        tpu.yield
      }) : () -> ()
      %dma_start3A = arith.constant 0 : i32
      %dma_start3A_20 = arith.constant 0 : i32
      %dma_start3A_21 = tpu.memref_slice %arg7[%dma_start3A, %dma_start3A_20] : memref<8x96xi32, #tpu.memory_space<vmem>> -> memref<1x96xi32, #tpu.memory_space<vmem>>
      %dma_start3A_22 = tpu.memref_squeeze %dma_start3A_21 : memref<1x96xi32, #tpu.memory_space<vmem>> -> memref<96xi32, #tpu.memory_space<vmem>>
      %dma_start3A_23 = arith.constant 0 : i32
      %dma_start3A_24 = arith.constant 0 : i32
      %dma_start3A_25 = tpu.memref_slice %arg2[%dma_start3A_23, %dma_start3A_24] : memref<10000x128xf32, #tpu.memory_space<hbm>> -> memref<10000x128xf32, #tpu.memory_space<hbm>>
      tpu.enqueue_indirect_dma source(%dma_start3A_25 : memref<10000x128xf32, #tpu.memory_space<hbm>>) target(%arg9 : memref<96x128xf32, #tpu.memory_space<vmem>>) offsets(%dma_start3A_22 : memref<96xi32, #tpu.memory_space<vmem>>) semaphore(%arg13 : memref<!tpu.dma_semaphore, #tpu.memory_space<semaphore_mem>>)
      %dma_start3A_26 = arith.constant 1 : i32
      %dma_start3A_27 = arith.constant 0 : i32
      %dma_start3A_28 = tpu.memref_slice %arg7[%dma_start3A_26, %dma_start3A_27] : memref<8x96xi32, #tpu.memory_space<vmem>> -> memref<1x96xi32, #tpu.memory_space<vmem>>
      %dma_start3A_29 = tpu.memref_squeeze %dma_start3A_28 : memref<1x96xi32, #tpu.memory_space<vmem>> -> memref<96xi32, #tpu.memory_space<vmem>>
      %dma_start3A_30 = arith.constant 0 : i32
      %dma_start3A_31 = arith.constant 0 : i32
      %dma_start3A_32 = tpu.memref_slice %arg2[%dma_start3A_30, %dma_start3A_31] : memref<10000x128xf32, #tpu.memory_space<hbm>> -> memref<10000x128xf32, #tpu.memory_space<hbm>>
      tpu.enqueue_indirect_dma source(%dma_start3A_32 : memref<10000x128xf32, #tpu.memory_space<hbm>>) target(%arg10 : memref<96x128xf32, #tpu.memory_space<vmem>>) offsets(%dma_start3A_29 : memref<96xi32, #tpu.memory_space<vmem>>) semaphore(%arg14 : memref<!tpu.dma_semaphore, #tpu.memory_space<semaphore_mem>>)
      %dma_wait3A = arith.constant 0 : i32
      %dma_wait3A_33 = arith.constant 0 : i32
      %dma_wait3A_34 = tpu.memref_slice %arg7[%dma_wait3A, %dma_wait3A_33] : memref<8x96xi32, #tpu.memory_space<vmem>> -> memref<1x96xi32, #tpu.memory_space<vmem>>
      %dma_wait3A_35 = tpu.memref_squeeze %dma_wait3A_34 : memref<1x96xi32, #tpu.memory_space<vmem>> -> memref<96xi32, #tpu.memory_space<vmem>>
      %dma_wait3A_36 = arith.constant 0 : i32
      %dma_wait3A_37 = arith.constant 0 : i32
      %dma_wait3A_38 = tpu.memref_slice %arg2[%dma_wait3A_36, %dma_wait3A_37] : memref<10000x128xf32, #tpu.memory_space<hbm>> -> memref<10000x128xf32, #tpu.memory_space<hbm>>
      tpu.wait_indirect_dma semaphore(%arg13 : memref<!tpu.dma_semaphore, #tpu.memory_space<semaphore_mem>>) src(%dma_wait3A_38 : memref<10000x128xf32, #tpu.memory_space<hbm>>) dst(%arg9 : memref<96x128xf32, #tpu.memory_space<vmem>>)
      %dma_start3A_39 = arith.constant 2 : i32
      %dma_start3A_40 = arith.constant 0 : i32
      %dma_start3A_41 = tpu.memref_slice %arg7[%dma_start3A_39, %dma_start3A_40] : memref<8x96xi32, #tpu.memory_space<vmem>> -> memref<1x96xi32, #tpu.memory_space<vmem>>
      %dma_start3A_42 = tpu.memref_squeeze %dma_start3A_41 : memref<1x96xi32, #tpu.memory_space<vmem>> -> memref<96xi32, #tpu.memory_space<vmem>>
      %dma_start3A_43 = arith.constant 0 : i32
      %dma_start3A_44 = arith.constant 0 : i32
      %dma_start3A_45 = tpu.memref_slice %arg2[%dma_start3A_43, %dma_start3A_44] : memref<10000x128xf32, #tpu.memory_space<hbm>> -> memref<10000x128xf32, #tpu.memory_space<hbm>>
      tpu.enqueue_indirect_dma source(%dma_start3A_45 : memref<10000x128xf32, #tpu.memory_space<hbm>>) target(%arg11 : memref<96x128xf32, #tpu.memory_space<vmem>>) offsets(%dma_start3A_42 : memref<96xi32, #tpu.memory_space<vmem>>) semaphore(%arg15 : memref<!tpu.dma_semaphore, #tpu.memory_space<semaphore_mem>>)
      %dma_start3A_46 = arith.constant 0 : i32
      %dma_start3A_47 = arith.constant 0 : i32
      %dma_start3A_48 = tpu.memref_slice %arg8[%dma_start3A_46, %dma_start3A_47] : memref<8x96xi32, #tpu.memory_space<vmem>> -> memref<1x96xi32, #tpu.memory_space<vmem>>
      %dma_start3A_49 = tpu.memref_squeeze %dma_start3A_48 : memref<1x96xi32, #tpu.memory_space<vmem>> -> memref<96xi32, #tpu.memory_space<vmem>>
      %dma_start3A_50 = arith.constant 0 : i32
      %dma_start3A_51 = arith.constant 0 : i32
      %dma_start3A_52 = tpu.memref_slice %arg12[%dma_start3A_50, %dma_start3A_51] : memref<10112x128xf32, #tpu.memory_space<vmem_shared>> -> memref<10112x128xf32, #tpu.memory_space<vmem_shared>>
      tpu.enqueue_indirect_dma source(%arg9 : memref<96x128xf32, #tpu.memory_space<vmem>>) target(%dma_start3A_52 : memref<10112x128xf32, #tpu.memory_space<vmem_shared>>) offsets(%dma_start3A_49 : memref<96xi32, #tpu.memory_space<vmem>>) semaphore(%arg16 : memref<!tpu.dma_semaphore, #tpu.memory_space<semaphore_mem>>) {add = true}
      %dma_wait3A_53 = arith.constant 1 : i32
      %dma_wait3A_54 = arith.constant 0 : i32
      %dma_wait3A_55 = tpu.memref_slice %arg7[%dma_wait3A_53, %dma_wait3A_54] : memref<8x96xi32, #tpu.memory_space<vmem>> -> memref<1x96xi32, #tpu.memory_space<vmem>>
      %dma_wait3A_56 = tpu.memref_squeeze %dma_wait3A_55 : memref<1x96xi32, #tpu.memory_space<vmem>> -> memref<96xi32, #tpu.memory_space<vmem>>
      %dma_wait3A_57 = arith.constant 0 : i32
      %dma_wait3A_58 = arith.constant 0 : i32
      %dma_wait3A_59 = tpu.memref_slice %arg2[%dma_wait3A_57, %dma_wait3A_58] : memref<10000x128xf32, #tpu.memory_space<hbm>> -> memref<10000x128xf32, #tpu.memory_space<hbm>>
      tpu.wait_indirect_dma semaphore(%arg14 : memref<!tpu.dma_semaphore, #tpu.memory_space<semaphore_mem>>) src(%dma_wait3A_59 : memref<10000x128xf32, #tpu.memory_space<hbm>>) dst(%arg10 : memref<96x128xf32, #tpu.memory_space<vmem>>)
      %dma_wait3A_60 = arith.constant 0 : i32
      %dma_wait3A_61 = arith.constant 0 : i32
      %dma_wait3A_62 = tpu.memref_slice %arg8[%dma_wait3A_60, %dma_wait3A_61] : memref<8x96xi32, #tpu.memory_space<vmem>> -> memref<1x96xi32, #tpu.memory_space<vmem>>
      %dma_wait3A_63 = tpu.memref_squeeze %dma_wait3A_62 : memref<1x96xi32, #tpu.memory_space<vmem>> -> memref<96xi32, #tpu.memory_space<vmem>>
      %dma_wait3A_64 = arith.constant 0 : i32
      %dma_wait3A_65 = arith.constant 0 : i32
      %dma_wait3A_66 = tpu.memref_slice %arg12[%dma_wait3A_64, %dma_wait3A_65] : memref<10112x128xf32, #tpu.memory_space<vmem_shared>> -> memref<10112x128xf32, #tpu.memory_space<vmem_shared>>
      tpu.wait_indirect_dma semaphore(%arg16 : memref<!tpu.dma_semaphore, #tpu.memory_space<semaphore_mem>>) src(%arg9 : memref<96x128xf32, #tpu.memory_space<vmem>>) dst(%dma_wait3A_66 : memref<10112x128xf32, #tpu.memory_space<vmem_shared>>)
      %dma_start3A_67 = arith.constant 3 : i32
      %dma_start3A_68 = arith.constant 0 : i32
      %dma_start3A_69 = tpu.memref_slice %arg7[%dma_start3A_67, %dma_start3A_68] : memref<8x96xi32, #tpu.memory_space<vmem>> -> memref<1x96xi32, #tpu.memory_space<vmem>>
      %dma_start3A_70 = tpu.memref_squeeze %dma_start3A_69 : memref<1x96xi32, #tpu.memory_space<vmem>> -> memref<96xi32, #tpu.memory_space<vmem>>
      %dma_start3A_71 = arith.constant 0 : i32
      %dma_start3A_72 = arith.constant 0 : i32
      %dma_start3A_73 = tpu.memref_slice %arg2[%dma_start3A_71, %dma_start3A_72] : memref<10000x128xf32, #tpu.memory_space<hbm>> -> memref<10000x128xf32, #tpu.memory_space<hbm>>
      tpu.enqueue_indirect_dma source(%dma_start3A_73 : memref<10000x128xf32, #tpu.memory_space<hbm>>) target(%arg9 : memref<96x128xf32, #tpu.memory_space<vmem>>) offsets(%dma_start3A_70 : memref<96xi32, #tpu.memory_space<vmem>>) semaphore(%arg13 : memref<!tpu.dma_semaphore, #tpu.memory_space<semaphore_mem>>)
      %dma_start3A_74 = arith.constant 1 : i32
      %dma_start3A_75 = arith.constant 0 : i32
      %dma_start3A_76 = tpu.memref_slice %arg8[%dma_start3A_74, %dma_start3A_75] : memref<8x96xi32, #tpu.memory_space<vmem>> -> memref<1x96xi32, #tpu.memory_space<vmem>>
      %dma_start3A_77 = tpu.memref_squeeze %dma_start3A_76 : memref<1x96xi32, #tpu.memory_space<vmem>> -> memref<96xi32, #tpu.memory_space<vmem>>
      %dma_start3A_78 = arith.constant 0 : i32
      %dma_start3A_79 = arith.constant 0 : i32
      %dma_start3A_80 = tpu.memref_slice %arg12[%dma_start3A_78, %dma_start3A_79] : memref<10112x128xf32, #tpu.memory_space<vmem_shared>> -> memref<10112x128xf32, #tpu.memory_space<vmem_shared>>
      tpu.enqueue_indirect_dma source(%arg10 : memref<96x128xf32, #tpu.memory_space<vmem>>) target(%dma_start3A_80 : memref<10112x128xf32, #tpu.memory_space<vmem_shared>>) offsets(%dma_start3A_77 : memref<96xi32, #tpu.memory_space<vmem>>) semaphore(%arg17 : memref<!tpu.dma_semaphore, #tpu.memory_space<semaphore_mem>>) {add = true}
      %dma_wait3A_81 = arith.constant 2 : i32
      %dma_wait3A_82 = arith.constant 0 : i32
      %dma_wait3A_83 = tpu.memref_slice %arg7[%dma_wait3A_81, %dma_wait3A_82] : memref<8x96xi32, #tpu.memory_space<vmem>> -> memref<1x96xi32, #tpu.memory_space<vmem>>
      %dma_wait3A_84 = tpu.memref_squeeze %dma_wait3A_83 : memref<1x96xi32, #tpu.memory_space<vmem>> -> memref<96xi32, #tpu.memory_space<vmem>>
      %dma_wait3A_85 = arith.constant 0 : i32
      %dma_wait3A_86 = arith.constant 0 : i32
      %dma_wait3A_87 = tpu.memref_slice %arg2[%dma_wait3A_85, %dma_wait3A_86] : memref<10000x128xf32, #tpu.memory_space<hbm>> -> memref<10000x128xf32, #tpu.memory_space<hbm>>
      tpu.wait_indirect_dma semaphore(%arg15 : memref<!tpu.dma_semaphore, #tpu.memory_space<semaphore_mem>>) src(%dma_wait3A_87 : memref<10000x128xf32, #tpu.memory_space<hbm>>) dst(%arg11 : memref<96x128xf32, #tpu.memory_space<vmem>>)
      %dma_wait3A_88 = arith.constant 1 : i32
      %dma_wait3A_89 = arith.constant 0 : i32
      %dma_wait3A_90 = tpu.memref_slice %arg8[%dma_wait3A_88, %dma_wait3A_89] : memref<8x96xi32, #tpu.memory_space<vmem>> -> memref<1x96xi32, #tpu.memory_space<vmem>>
      %dma_wait3A_91 = tpu.memref_squeeze %dma_wait3A_90 : memref<1x96xi32, #tpu.memory_space<vmem>> -> memref<96xi32, #tpu.memory_space<vmem>>
      %dma_wait3A_92 = arith.constant 0 : i32
      %dma_wait3A_93 = arith.constant 0 : i32
      %dma_wait3A_94 = tpu.memref_slice %arg12[%dma_wait3A_92, %dma_wait3A_93] : memref<10112x128xf32, #tpu.memory_space<vmem_shared>> -> memref<10112x128xf32, #tpu.memory_space<vmem_shared>>
      tpu.wait_indirect_dma semaphore(%arg17 : memref<!tpu.dma_semaphore, #tpu.memory_space<semaphore_mem>>) src(%arg10 : memref<96x128xf32, #tpu.memory_space<vmem>>) dst(%dma_wait3A_94 : memref<10112x128xf32, #tpu.memory_space<vmem_shared>>)
      %dma_start3A_95 = arith.constant 4 : i32
      %dma_start3A_96 = arith.constant 0 : i32
      %dma_start3A_97 = tpu.memref_slice %arg7[%dma_start3A_95, %dma_start3A_96] : memref<8x96xi32, #tpu.memory_space<vmem>> -> memref<1x96xi32, #tpu.memory_space<vmem>>
      %dma_start3A_98 = tpu.memref_squeeze %dma_start3A_97 : memref<1x96xi32, #tpu.memory_space<vmem>> -> memref<96xi32, #tpu.memory_space<vmem>>
      %dma_start3A_99 = arith.constant 0 : i32
      %dma_start3A_100 = arith.constant 0 : i32
      %dma_start3A_101 = tpu.memref_slice %arg2[%dma_start3A_99, %dma_start3A_100] : memref<10000x128xf32, #tpu.memory_space<hbm>> -> memref<10000x128xf32, #tpu.memory_space<hbm>>
      tpu.enqueue_indirect_dma source(%dma_start3A_101 : memref<10000x128xf32, #tpu.memory_space<hbm>>) target(%arg10 : memref<96x128xf32, #tpu.memory_space<vmem>>) offsets(%dma_start3A_98 : memref<96xi32, #tpu.memory_space<vmem>>) semaphore(%arg14 : memref<!tpu.dma_semaphore, #tpu.memory_space<semaphore_mem>>)
      %dma_start3A_102 = arith.constant 2 : i32
      %dma_start3A_103 = arith.constant 0 : i32
      %dma_start3A_104 = tpu.memref_slice %arg8[%dma_start3A_102, %dma_start3A_103] : memref<8x96xi32, #tpu.memory_space<vmem>> -> memref<1x96xi32, #tpu.memory_space<vmem>>
      %dma_start3A_105 = tpu.memref_squeeze %dma_start3A_104 : memref<1x96xi32, #tpu.memory_space<vmem>> -> memref<96xi32, #tpu.memory_space<vmem>>
      %dma_start3A_106 = arith.constant 0 : i32
      %dma_start3A_107 = arith.constant 0 : i32
      %dma_start3A_108 = tpu.memref_slice %arg12[%dma_start3A_106, %dma_start3A_107] : memref<10112x128xf32, #tpu.memory_space<vmem_shared>> -> memref<10112x128xf32, #tpu.memory_space<vmem_shared>>
      tpu.enqueue_indirect_dma source(%arg11 : memref<96x128xf32, #tpu.memory_space<vmem>>) target(%dma_start3A_108 : memref<10112x128xf32, #tpu.memory_space<vmem_shared>>) offsets(%dma_start3A_105 : memref<96xi32, #tpu.memory_space<vmem>>) semaphore(%arg18 : memref<!tpu.dma_semaphore, #tpu.memory_space<semaphore_mem>>) {add = true}
      %dma_wait3A_109 = arith.constant 3 : i32
      %dma_wait3A_110 = arith.constant 0 : i32
      %dma_wait3A_111 = tpu.memref_slice %arg7[%dma_wait3A_109, %dma_wait3A_110] : memref<8x96xi32, #tpu.memory_space<vmem>> -> memref<1x96xi32, #tpu.memory_space<vmem>>
      %dma_wait3A_112 = tpu.memref_squeeze %dma_wait3A_111 : memref<1x96xi32, #tpu.memory_space<vmem>> -> memref<96xi32, #tpu.memory_space<vmem>>
      %dma_wait3A_113 = arith.constant 0 : i32
      %dma_wait3A_114 = arith.constant 0 : i32
      %dma_wait3A_115 = tpu.memref_slice %arg2[%dma_wait3A_113, %dma_wait3A_114] : memref<10000x128xf32, #tpu.memory_space<hbm>> -> memref<10000x128xf32, #tpu.memory_space<hbm>>
      tpu.wait_indirect_dma semaphore(%arg13 : memref<!tpu.dma_semaphore, #tpu.memory_space<semaphore_mem>>) src(%dma_wait3A_115 : memref<10000x128xf32, #tpu.memory_space<hbm>>) dst(%arg9 : memref<96x128xf32, #tpu.memory_space<vmem>>)
      %dma_wait3A_116 = arith.constant 2 : i32
      %dma_wait3A_117 = arith.constant 0 : i32
      %dma_wait3A_118 = tpu.memref_slice %arg8[%dma_wait3A_116, %dma_wait3A_117] : memref<8x96xi32, #tpu.memory_space<vmem>> -> memref<1x96xi32, #tpu.memory_space<vmem>>
      %dma_wait3A_119 = tpu.memref_squeeze %dma_wait3A_118 : memref<1x96xi32, #tpu.memory_space<vmem>> -> memref<96xi32, #tpu.memory_space<vmem>>
      %dma_wait3A_120 = arith.constant 0 : i32
      %dma_wait3A_121 = arith.constant 0 : i32
      %dma_wait3A_122 = tpu.memref_slice %arg12[%dma_wait3A_120, %dma_wait3A_121] : memref<10112x128xf32, #tpu.memory_space<vmem_shared>> -> memref<10112x128xf32, #tpu.memory_space<vmem_shared>>
      tpu.wait_indirect_dma semaphore(%arg18 : memref<!tpu.dma_semaphore, #tpu.memory_space<semaphore_mem>>) src(%arg11 : memref<96x128xf32, #tpu.memory_space<vmem>>) dst(%dma_wait3A_122 : memref<10112x128xf32, #tpu.memory_space<vmem_shared>>)
      %dma_start3A_123 = arith.constant 5 : i32
      %dma_start3A_124 = arith.constant 0 : i32
      %dma_start3A_125 = tpu.memref_slice %arg7[%dma_start3A_123, %dma_start3A_124] : memref<8x96xi32, #tpu.memory_space<vmem>> -> memref<1x96xi32, #tpu.memory_space<vmem>>
      %dma_start3A_126 = tpu.memref_squeeze %dma_start3A_125 : memref<1x96xi32, #tpu.memory_space<vmem>> -> memref<96xi32, #tpu.memory_space<vmem>>
      %dma_start3A_127 = arith.constant 0 : i32
      %dma_start3A_128 = arith.constant 0 : i32
      %dma_start3A_129 = tpu.memref_slice %arg2[%dma_start3A_127, %dma_start3A_128] : memref<10000x128xf32, #tpu.memory_space<hbm>> -> memref<10000x128xf32, #tpu.memory_space<hbm>>
      tpu.enqueue_indirect_dma source(%dma_start3A_129 : memref<10000x128xf32, #tpu.memory_space<hbm>>) target(%arg11 : memref<96x128xf32, #tpu.memory_space<vmem>>) offsets(%dma_start3A_126 : memref<96xi32, #tpu.memory_space<vmem>>) semaphore(%arg15 : memref<!tpu.dma_semaphore, #tpu.memory_space<semaphore_mem>>)
      %dma_start3A_130 = arith.constant 3 : i32
      %dma_start3A_131 = arith.constant 0 : i32
      %dma_start3A_132 = tpu.memref_slice %arg8[%dma_start3A_130, %dma_start3A_131] : memref<8x96xi32, #tpu.memory_space<vmem>> -> memref<1x96xi32, #tpu.memory_space<vmem>>
      %dma_start3A_133 = tpu.memref_squeeze %dma_start3A_132 : memref<1x96xi32, #tpu.memory_space<vmem>> -> memref<96xi32, #tpu.memory_space<vmem>>
      %dma_start3A_134 = arith.constant 0 : i32
      %dma_start3A_135 = arith.constant 0 : i32
      %dma_start3A_136 = tpu.memref_slice %arg12[%dma_start3A_134, %dma_start3A_135] : memref<10112x128xf32, #tpu.memory_space<vmem_shared>> -> memref<10112x128xf32, #tpu.memory_space<vmem_shared>>
      tpu.enqueue_indirect_dma source(%arg9 : memref<96x128xf32, #tpu.memory_space<vmem>>) target(%dma_start3A_136 : memref<10112x128xf32, #tpu.memory_space<vmem_shared>>) offsets(%dma_start3A_133 : memref<96xi32, #tpu.memory_space<vmem>>) semaphore(%arg16 : memref<!tpu.dma_semaphore, #tpu.memory_space<semaphore_mem>>) {add = true}
      %dma_wait3A_137 = arith.constant 4 : i32
      %dma_wait3A_138 = arith.constant 0 : i32
      %dma_wait3A_139 = tpu.memref_slice %arg7[%dma_wait3A_137, %dma_wait3A_138] : memref<8x96xi32, #tpu.memory_space<vmem>> -> memref<1x96xi32, #tpu.memory_space<vmem>>
      %dma_wait3A_140 = tpu.memref_squeeze %dma_wait3A_139 : memref<1x96xi32, #tpu.memory_space<vmem>> -> memref<96xi32, #tpu.memory_space<vmem>>
      %dma_wait3A_141 = arith.constant 0 : i32
      %dma_wait3A_142 = arith.constant 0 : i32
      %dma_wait3A_143 = tpu.memref_slice %arg2[%dma_wait3A_141, %dma_wait3A_142] : memref<10000x128xf32, #tpu.memory_space<hbm>> -> memref<10000x128xf32, #tpu.memory_space<hbm>>
      tpu.wait_indirect_dma semaphore(%arg14 : memref<!tpu.dma_semaphore, #tpu.memory_space<semaphore_mem>>) src(%dma_wait3A_143 : memref<10000x128xf32, #tpu.memory_space<hbm>>) dst(%arg10 : memref<96x128xf32, #tpu.memory_space<vmem>>)
      %dma_wait3A_144 = arith.constant 3 : i32
      %dma_wait3A_145 = arith.constant 0 : i32
      %dma_wait3A_146 = tpu.memref_slice %arg8[%dma_wait3A_144, %dma_wait3A_145] : memref<8x96xi32, #tpu.memory_space<vmem>> -> memref<1x96xi32, #tpu.memory_space<vmem>>
      %dma_wait3A_147 = tpu.memref_squeeze %dma_wait3A_146 : memref<1x96xi32, #tpu.memory_space<vmem>> -> memref<96xi32, #tpu.memory_space<vmem>>
      %dma_wait3A_148 = arith.constant 0 : i32
      %dma_wait3A_149 = arith.constant 0 : i32
      %dma_wait3A_150 = tpu.memref_slice %arg12[%dma_wait3A_148, %dma_wait3A_149] : memref<10112x128xf32, #tpu.memory_space<vmem_shared>> -> memref<10112x128xf32, #tpu.memory_space<vmem_shared>>
      tpu.wait_indirect_dma semaphore(%arg16 : memref<!tpu.dma_semaphore, #tpu.memory_space<semaphore_mem>>) src(%arg9 : memref<96x128xf32, #tpu.memory_space<vmem>>) dst(%dma_wait3A_150 : memref<10112x128xf32, #tpu.memory_space<vmem_shared>>)
      %dma_start3A_151 = arith.constant 6 : i32
      %dma_start3A_152 = arith.constant 0 : i32
      %dma_start3A_153 = tpu.memref_slice %arg7[%dma_start3A_151, %dma_start3A_152] : memref<8x96xi32, #tpu.memory_space<vmem>> -> memref<1x96xi32, #tpu.memory_space<vmem>>
      %dma_start3A_154 = tpu.memref_squeeze %dma_start3A_153 : memref<1x96xi32, #tpu.memory_space<vmem>> -> memref<96xi32, #tpu.memory_space<vmem>>
      %dma_start3A_155 = arith.constant 0 : i32
      %dma_start3A_156 = arith.constant 0 : i32
      %dma_start3A_157 = tpu.memref_slice %arg2[%dma_start3A_155, %dma_start3A_156] : memref<10000x128xf32, #tpu.memory_space<hbm>> -> memref<10000x128xf32, #tpu.memory_space<hbm>>
      tpu.enqueue_indirect_dma source(%dma_start3A_157 : memref<10000x128xf32, #tpu.memory_space<hbm>>) target(%arg9 : memref<96x128xf32, #tpu.memory_space<vmem>>) offsets(%dma_start3A_154 : memref<96xi32, #tpu.memory_space<vmem>>) semaphore(%arg13 : memref<!tpu.dma_semaphore, #tpu.memory_space<semaphore_mem>>)
      %dma_start3A_158 = arith.constant 4 : i32
      %dma_start3A_159 = arith.constant 0 : i32
      %dma_start3A_160 = tpu.memref_slice %arg8[%dma_start3A_158, %dma_start3A_159] : memref<8x96xi32, #tpu.memory_space<vmem>> -> memref<1x96xi32, #tpu.memory_space<vmem>>
      %dma_start3A_161 = tpu.memref_squeeze %dma_start3A_160 : memref<1x96xi32, #tpu.memory_space<vmem>> -> memref<96xi32, #tpu.memory_space<vmem>>
      %dma_start3A_162 = arith.constant 0 : i32
      %dma_start3A_163 = arith.constant 0 : i32
      %dma_start3A_164 = tpu.memref_slice %arg12[%dma_start3A_162, %dma_start3A_163] : memref<10112x128xf32, #tpu.memory_space<vmem_shared>> -> memref<10112x128xf32, #tpu.memory_space<vmem_shared>>
      tpu.enqueue_indirect_dma source(%arg10 : memref<96x128xf32, #tpu.memory_space<vmem>>) target(%dma_start3A_164 : memref<10112x128xf32, #tpu.memory_space<vmem_shared>>) offsets(%dma_start3A_161 : memref<96xi32, #tpu.memory_space<vmem>>) semaphore(%arg17 : memref<!tpu.dma_semaphore, #tpu.memory_space<semaphore_mem>>) {add = true}
      %dma_wait3A_165 = arith.constant 5 : i32
      %dma_wait3A_166 = arith.constant 0 : i32
      %dma_wait3A_167 = tpu.memref_slice %arg7[%dma_wait3A_165, %dma_wait3A_166] : memref<8x96xi32, #tpu.memory_space<vmem>> -> memref<1x96xi32, #tpu.memory_space<vmem>>
      %dma_wait3A_168 = tpu.memref_squeeze %dma_wait3A_167 : memref<1x96xi32, #tpu.memory_space<vmem>> -> memref<96xi32, #tpu.memory_space<vmem>>
      %dma_wait3A_169 = arith.constant 0 : i32
      %dma_wait3A_170 = arith.constant 0 : i32
      %dma_wait3A_171 = tpu.memref_slice %arg2[%dma_wait3A_169, %dma_wait3A_170] : memref<10000x128xf32, #tpu.memory_space<hbm>> -> memref<10000x128xf32, #tpu.memory_space<hbm>>
      tpu.wait_indirect_dma semaphore(%arg15 : memref<!tpu.dma_semaphore, #tpu.memory_space<semaphore_mem>>) src(%dma_wait3A_171 : memref<10000x128xf32, #tpu.memory_space<hbm>>) dst(%arg11 : memref<96x128xf32, #tpu.memory_space<vmem>>)
      %dma_wait3A_172 = arith.constant 4 : i32
      %dma_wait3A_173 = arith.constant 0 : i32
      %dma_wait3A_174 = tpu.memref_slice %arg8[%dma_wait3A_172, %dma_wait3A_173] : memref<8x96xi32, #tpu.memory_space<vmem>> -> memref<1x96xi32, #tpu.memory_space<vmem>>
      %dma_wait3A_175 = tpu.memref_squeeze %dma_wait3A_174 : memref<1x96xi32, #tpu.memory_space<vmem>> -> memref<96xi32, #tpu.memory_space<vmem>>
      %dma_wait3A_176 = arith.constant 0 : i32
      %dma_wait3A_177 = arith.constant 0 : i32
      %dma_wait3A_178 = tpu.memref_slice %arg12[%dma_wait3A_176, %dma_wait3A_177] : memref<10112x128xf32, #tpu.memory_space<vmem_shared>> -> memref<10112x128xf32, #tpu.memory_space<vmem_shared>>
      tpu.wait_indirect_dma semaphore(%arg17 : memref<!tpu.dma_semaphore, #tpu.memory_space<semaphore_mem>>) src(%arg10 : memref<96x128xf32, #tpu.memory_space<vmem>>) dst(%dma_wait3A_178 : memref<10112x128xf32, #tpu.memory_space<vmem_shared>>)
      %dma_start3A_179 = arith.constant 7 : i32
      %dma_start3A_180 = arith.constant 0 : i32
      %dma_start3A_181 = tpu.memref_slice %arg7[%dma_start3A_179, %dma_start3A_180] : memref<8x96xi32, #tpu.memory_space<vmem>> -> memref<1x96xi32, #tpu.memory_space<vmem>>
      %dma_start3A_182 = tpu.memref_squeeze %dma_start3A_181 : memref<1x96xi32, #tpu.memory_space<vmem>> -> memref<96xi32, #tpu.memory_space<vmem>>
      %dma_start3A_183 = arith.constant 0 : i32
      %dma_start3A_184 = arith.constant 0 : i32
      %dma_start3A_185 = tpu.memref_slice %arg2[%dma_start3A_183, %dma_start3A_184] : memref<10000x128xf32, #tpu.memory_space<hbm>> -> memref<10000x128xf32, #tpu.memory_space<hbm>>
      tpu.enqueue_indirect_dma source(%dma_start3A_185 : memref<10000x128xf32, #tpu.memory_space<hbm>>) target(%arg10 : memref<96x128xf32, #tpu.memory_space<vmem>>) offsets(%dma_start3A_182 : memref<96xi32, #tpu.memory_space<vmem>>) semaphore(%arg14 : memref<!tpu.dma_semaphore, #tpu.memory_space<semaphore_mem>>)
      %dma_start3A_186 = arith.constant 5 : i32
      %dma_start3A_187 = arith.constant 0 : i32
      %dma_start3A_188 = tpu.memref_slice %arg8[%dma_start3A_186, %dma_start3A_187] : memref<8x96xi32, #tpu.memory_space<vmem>> -> memref<1x96xi32, #tpu.memory_space<vmem>>
      %dma_start3A_189 = tpu.memref_squeeze %dma_start3A_188 : memref<1x96xi32, #tpu.memory_space<vmem>> -> memref<96xi32, #tpu.memory_space<vmem>>
      %dma_start3A_190 = arith.constant 0 : i32
      %dma_start3A_191 = arith.constant 0 : i32
      %dma_start3A_192 = tpu.memref_slice %arg12[%dma_start3A_190, %dma_start3A_191] : memref<10112x128xf32, #tpu.memory_space<vmem_shared>> -> memref<10112x128xf32, #tpu.memory_space<vmem_shared>>
      tpu.enqueue_indirect_dma source(%arg11 : memref<96x128xf32, #tpu.memory_space<vmem>>) target(%dma_start3A_192 : memref<10112x128xf32, #tpu.memory_space<vmem_shared>>) offsets(%dma_start3A_189 : memref<96xi32, #tpu.memory_space<vmem>>) semaphore(%arg18 : memref<!tpu.dma_semaphore, #tpu.memory_space<semaphore_mem>>) {add = true}
      %dma_wait3A_193 = arith.constant 6 : i32
      %dma_wait3A_194 = arith.constant 0 : i32
      %dma_wait3A_195 = tpu.memref_slice %arg7[%dma_wait3A_193, %dma_wait3A_194] : memref<8x96xi32, #tpu.memory_space<vmem>> -> memref<1x96xi32, #tpu.memory_space<vmem>>
      %dma_wait3A_196 = tpu.memref_squeeze %dma_wait3A_195 : memref<1x96xi32, #tpu.memory_space<vmem>> -> memref<96xi32, #tpu.memory_space<vmem>>
      %dma_wait3A_197 = arith.constant 0 : i32
      %dma_wait3A_198 = arith.constant 0 : i32
      %dma_wait3A_199 = tpu.memref_slice %arg2[%dma_wait3A_197, %dma_wait3A_198] : memref<10000x128xf32, #tpu.memory_space<hbm>> -> memref<10000x128xf32, #tpu.memory_space<hbm>>
      tpu.wait_indirect_dma semaphore(%arg13 : memref<!tpu.dma_semaphore, #tpu.memory_space<semaphore_mem>>) src(%dma_wait3A_199 : memref<10000x128xf32, #tpu.memory_space<hbm>>) dst(%arg9 : memref<96x128xf32, #tpu.memory_space<vmem>>)
      %dma_start3A_200 = arith.constant 6 : i32
      %dma_start3A_201 = arith.constant 0 : i32
      %dma_start3A_202 = tpu.memref_slice %arg8[%dma_start3A_200, %dma_start3A_201] : memref<8x96xi32, #tpu.memory_space<vmem>> -> memref<1x96xi32, #tpu.memory_space<vmem>>
      %dma_start3A_203 = tpu.memref_squeeze %dma_start3A_202 : memref<1x96xi32, #tpu.memory_space<vmem>> -> memref<96xi32, #tpu.memory_space<vmem>>
      %dma_start3A_204 = arith.constant 0 : i32
      %dma_start3A_205 = arith.constant 0 : i32
      %dma_start3A_206 = tpu.memref_slice %arg12[%dma_start3A_204, %dma_start3A_205] : memref<10112x128xf32, #tpu.memory_space<vmem_shared>> -> memref<10112x128xf32, #tpu.memory_space<vmem_shared>>
      tpu.enqueue_indirect_dma source(%arg9 : memref<96x128xf32, #tpu.memory_space<vmem>>) target(%dma_start3A_206 : memref<10112x128xf32, #tpu.memory_space<vmem_shared>>) offsets(%dma_start3A_203 : memref<96xi32, #tpu.memory_space<vmem>>) semaphore(%arg16 : memref<!tpu.dma_semaphore, #tpu.memory_space<semaphore_mem>>) {add = true}
      %dma_wait3A_207 = arith.constant 7 : i32
      %dma_wait3A_208 = arith.constant 0 : i32
      %dma_wait3A_209 = tpu.memref_slice %arg7[%dma_wait3A_207, %dma_wait3A_208] : memref<8x96xi32, #tpu.memory_space<vmem>> -> memref<1x96xi32, #tpu.memory_space<vmem>>
      %dma_wait3A_210 = tpu.memref_squeeze %dma_wait3A_209 : memref<1x96xi32, #tpu.memory_space<vmem>> -> memref<96xi32, #tpu.memory_space<vmem>>
      %dma_wait3A_211 = arith.constant 0 : i32
      %dma_wait3A_212 = arith.constant 0 : i32
      %dma_wait3A_213 = tpu.memref_slice %arg2[%dma_wait3A_211, %dma_wait3A_212] : memref<10000x128xf32, #tpu.memory_space<hbm>> -> memref<10000x128xf32, #tpu.memory_space<hbm>>
      tpu.wait_indirect_dma semaphore(%arg14 : memref<!tpu.dma_semaphore, #tpu.memory_space<semaphore_mem>>) src(%dma_wait3A_213 : memref<10000x128xf32, #tpu.memory_space<hbm>>) dst(%arg10 : memref<96x128xf32, #tpu.memory_space<vmem>>)
      %dma_start3A_214 = arith.constant 7 : i32
      %dma_start3A_215 = arith.constant 0 : i32
      %dma_start3A_216 = tpu.memref_slice %arg8[%dma_start3A_214, %dma_start3A_215] : memref<8x96xi32, #tpu.memory_space<vmem>> -> memref<1x96xi32, #tpu.memory_space<vmem>>
      %dma_start3A_217 = tpu.memref_squeeze %dma_start3A_216 : memref<1x96xi32, #tpu.memory_space<vmem>> -> memref<96xi32, #tpu.memory_space<vmem>>
      %dma_start3A_218 = arith.constant 0 : i32
      %dma_start3A_219 = arith.constant 0 : i32
      %dma_start3A_220 = tpu.memref_slice %arg12[%dma_start3A_218, %dma_start3A_219] : memref<10112x128xf32, #tpu.memory_space<vmem_shared>> -> memref<10112x128xf32, #tpu.memory_space<vmem_shared>>
      tpu.enqueue_indirect_dma source(%arg10 : memref<96x128xf32, #tpu.memory_space<vmem>>) target(%dma_start3A_220 : memref<10112x128xf32, #tpu.memory_space<vmem_shared>>) offsets(%dma_start3A_217 : memref<96xi32, #tpu.memory_space<vmem>>) semaphore(%arg17 : memref<!tpu.dma_semaphore, #tpu.memory_space<semaphore_mem>>) {add = true}
      %dma_wait3A_221 = arith.constant 5 : i32
      %dma_wait3A_222 = arith.constant 0 : i32
      %dma_wait3A_223 = tpu.memref_slice %arg8[%dma_wait3A_221, %dma_wait3A_222] : memref<8x96xi32, #tpu.memory_space<vmem>> -> memref<1x96xi32, #tpu.memory_space<vmem>>
      %dma_wait3A_224 = tpu.memref_squeeze %dma_wait3A_223 : memref<1x96xi32, #tpu.memory_space<vmem>> -> memref<96xi32, #tpu.memory_space<vmem>>
      %dma_wait3A_225 = arith.constant 0 : i32
      %dma_wait3A_226 = arith.constant 0 : i32
      %dma_wait3A_227 = tpu.memref_slice %arg12[%dma_wait3A_225, %dma_wait3A_226] : memref<10112x128xf32, #tpu.memory_space<vmem_shared>> -> memref<10112x128xf32, #tpu.memory_space<vmem_shared>>
      tpu.wait_indirect_dma semaphore(%arg18 : memref<!tpu.dma_semaphore, #tpu.memory_space<semaphore_mem>>) src(%arg11 : memref<96x128xf32, #tpu.memory_space<vmem>>) dst(%dma_wait3A_227 : memref<10112x128xf32, #tpu.memory_space<vmem_shared>>)
      %dma_wait3A_228 = arith.constant 6 : i32
      %dma_wait3A_229 = arith.constant 0 : i32
      %dma_wait3A_230 = tpu.memref_slice %arg8[%dma_wait3A_228, %dma_wait3A_229] : memref<8x96xi32, #tpu.memory_space<vmem>> -> memref<1x96xi32, #tpu.memory_space<vmem>>
      %dma_wait3A_231 = tpu.memref_squeeze %dma_wait3A_230 : memref<1x96xi32, #tpu.memory_space<vmem>> -> memref<96xi32, #tpu.memory_space<vmem>>
      %dma_wait3A_232 = arith.constant 0 : i32
      %dma_wait3A_233 = arith.constant 0 : i32
      %dma_wait3A_234 = tpu.memref_slice %arg12[%dma_wait3A_232, %dma_wait3A_233] : memref<10112x128xf32, #tpu.memory_space<vmem_shared>> -> memref<10112x128xf32, #tpu.memory_space<vmem_shared>>
      tpu.wait_indirect_dma semaphore(%arg16 : memref<!tpu.dma_semaphore, #tpu.memory_space<semaphore_mem>>) src(%arg9 : memref<96x128xf32, #tpu.memory_space<vmem>>) dst(%dma_wait3A_234 : memref<10112x128xf32, #tpu.memory_space<vmem_shared>>)
      %dma_wait3A_235 = arith.constant 7 : i32
      %dma_wait3A_236 = arith.constant 0 : i32
      %dma_wait3A_237 = tpu.memref_slice %arg8[%dma_wait3A_235, %dma_wait3A_236] : memref<8x96xi32, #tpu.memory_space<vmem>> -> memref<1x96xi32, #tpu.memory_space<vmem>>
      %dma_wait3A_238 = tpu.memref_squeeze %dma_wait3A_237 : memref<1x96xi32, #tpu.memory_space<vmem>> -> memref<96xi32, #tpu.memory_space<vmem>>
      %dma_wait3A_239 = arith.constant 0 : i32
      %dma_wait3A_240 = arith.constant 0 : i32
      %dma_wait3A_241 = tpu.memref_slice %arg12[%dma_wait3A_239, %dma_wait3A_240] : memref<10112x128xf32, #tpu.memory_space<vmem_shared>> -> memref<10112x128xf32, #tpu.memory_space<vmem_shared>>
      tpu.wait_indirect_dma semaphore(%arg17 : memref<!tpu.dma_semaphore, #tpu.memory_space<semaphore_mem>>) src(%arg10 : memref<96x128xf32, #tpu.memory_space<vmem>>) dst(%dma_wait3A_241 : memref<10112x128xf32, #tpu.memory_space<vmem_shared>>)
    }
    %barrier3A_12 = arith.constant 0 : index
    tpu.barrier barrier_id(%barrier3A_12)
    %mul3A_13 = arith.constant 632 : i32
    %mul3A_14 = arith.muli %arg1, %mul3A_13 : i32
    "tpu.region"() ({
      %run_scoped3A = tpu.sem_alloc : memref<!tpu.dma_semaphore, #tpu.memory_space<semaphore_mem>>
      %dma_start3A = arith.constant 0 : i32
      %dma_start3A_15 = arith.constant 0 : i32
      %dma_start3A_16 = tpu.memref_slice %arg6[%arg0, %arg1, %dma_start3A, %dma_start3A_15] : memref<2x16x632x128xf32, #tpu.memory_space<hbm>> -> memref<1x1x632x128xf32, #tpu.memory_space<hbm>>
      %dma_start3A_17 = tpu.memref_squeeze %dma_start3A_16 : memref<1x1x632x128xf32, #tpu.memory_space<hbm>> -> memref<632x128xf32, #tpu.memory_space<hbm>>
      %dma_start3A_18 = arith.constant 0 : i32
      %dma_start3A_19 = tpu.memref_slice %arg12[%mul3A_14, %dma_start3A_18] : memref<10112x128xf32, #tpu.memory_space<vmem_shared>> -> memref<632x128xf32, #tpu.memory_space<vmem_shared>>
      tpu.enqueue_dma source(%dma_start3A_19 : memref<632x128xf32, #tpu.memory_space<vmem_shared>>) target(%dma_start3A_17 : memref<632x128xf32, #tpu.memory_space<hbm>>) target_semaphore(%run_scoped3A : memref<!tpu.dma_semaphore, #tpu.memory_space<semaphore_mem>>)
      %dma_wait3A = arith.constant 0 : i32
      %dma_wait3A_20 = arith.constant 0 : i32
      %dma_wait3A_21 = tpu.memref_slice %arg6[%arg0, %arg1, %dma_wait3A, %dma_wait3A_20] : memref<2x16x632x128xf32, #tpu.memory_space<hbm>> -> memref<1x1x632x128xf32, #tpu.memory_space<hbm>>
      %dma_wait3A_22 = tpu.memref_squeeze %dma_wait3A_21 : memref<1x1x632x128xf32, #tpu.memory_space<hbm>> -> memref<632x128xf32, #tpu.memory_space<hbm>>
      %dma_wait3A_23 = arith.constant 0 : i32
      %dma_wait3A_24 = tpu.memref_slice %arg12[%mul3A_14, %dma_wait3A_23] : memref<10112x128xf32, #tpu.memory_space<vmem_shared>> -> memref<632x128xf32, #tpu.memory_space<vmem_shared>>
      tpu.wait_dma2 semaphore(%run_scoped3A : memref<!tpu.dma_semaphore, #tpu.memory_space<semaphore_mem>>) src(%dma_wait3A_24 : memref<632x128xf32, #tpu.memory_space<vmem_shared>>) dst(%dma_wait3A_22 : memref<632x128xf32, #tpu.memory_space<hbm>>)
      tpu.yield
    }) : () -> ()
    return
  }
}

#map = affine_map<(d0, d1) -> (0, 0)>
#map1 = affine_map<(d0, d1) -> (0, 0, 0, 0)>
module attributes {stable_mosaic.version = 14 : i64} {
  func.func @_sc_prop_body(%arg0: i32, %arg1: i32, %arg2: memref<10000x128xf32, #tpu.memory_space<hbm>>, %arg3: memref<2x16x216x96xi32, #tpu.memory_space<hbm>>, %arg4: memref<2x16x216x96xi32, #tpu.memory_space<hbm>>, %arg5: memref<632x128xf32, #tpu.memory_space<hbm>>, %arg6: memref<2x16x632x128xf32, #tpu.memory_space<hbm>>, %arg7: memref<8x96xi32, #tpu.memory_space<vmem>>, %arg8: memref<8x96xi32, #tpu.memory_space<vmem>>, %arg9: memref<96x128xf32, #tpu.memory_space<vmem>>, %arg10: memref<96x128xf32, #tpu.memory_space<vmem>>, %arg11: memref<96x128xf32, #tpu.memory_space<vmem>>, %arg12: memref<10112x128xf32, #tpu.memory_space<vmem_shared>>, %arg13: memref<!tpu.dma_semaphore, #tpu.memory_space<semaphore_mem>>, %arg14: memref<!tpu.dma_semaphore, #tpu.memory_space<semaphore_mem>>, %arg15: memref<!tpu.dma_semaphore, #tpu.memory_space<semaphore_mem>>, %arg16: memref<!tpu.dma_semaphore, #tpu.memory_space<semaphore_mem>>, %arg17: memref<!tpu.dma_semaphore, #tpu.memory_space<semaphore_mem>>, %arg18: memref<!tpu.dma_semaphore, #tpu.memory_space<semaphore_mem>>) attributes {dimension_semantics = [#tpu.dimension_semantics<core_parallel>, #tpu.dimension_semantics<subcore_parallel>], iteration_bounds = array<i64: 2, 16>, scalar_prefetch = 0 : i64, scratch_operands = 12 : i64, tpu.core_type = #tpu.core_type<sc_vector_subcore>, window_params = [{transform_indices = #map}, {transform_indices = #map1}, {transform_indices = #map1}, {transform_indices = #map}, {transform_indices = #map1}]} {
    %mul3A = arith.constant 632 : i32
    %mul3A_0 = arith.muli %arg1, %mul3A : i32
    "tpu.region"() ({
      %run_scoped3A = tpu.sem_alloc : memref<!tpu.dma_semaphore, #tpu.memory_space<semaphore_mem>>
      %dma_start3A = arith.constant 0 : i32
      %dma_start3A_15 = tpu.memref_slice %arg12[%mul3A_0, %dma_start3A] : memref<10112x128xf32, #tpu.memory_space<vmem_shared>> -> memref<632x128xf32, #tpu.memory_space<vmem_shared>>
      tpu.enqueue_dma source(%arg5 : memref<632x128xf32, #tpu.memory_space<hbm>>) target(%dma_start3A_15 : memref<632x128xf32, #tpu.memory_space<vmem_shared>>) target_semaphore(%run_scoped3A : memref<!tpu.dma_semaphore, #tpu.memory_space<semaphore_mem>>)
      %dma_wait3A = arith.constant 0 : i32
      %dma_wait3A_16 = tpu.memref_slice %arg12[%mul3A_0, %dma_wait3A] : memref<10112x128xf32, #tpu.memory_space<vmem_shared>> -> memref<632x128xf32, #tpu.memory_space<vmem_shared>>
      tpu.wait_dma2 semaphore(%run_scoped3A : memref<!tpu.dma_semaphore, #tpu.memory_space<semaphore_mem>>) src(%arg5 : memref<632x128xf32, #tpu.memory_space<hbm>>) dst(%dma_wait3A_16 : memref<632x128xf32, #tpu.memory_space<vmem_shared>>)
      tpu.yield
    }) : () -> ()
    %barrier3A = arith.constant 0 : index
    tpu.barrier barrier_id(%barrier3A)
    %eq3A = arith.constant 0 : i32
    %eq3A_1 = arith.cmpi eq, %arg0, %eq3A : i32
    %jit3A = arith.constant 26 : i32
    %jit3A_2 = arith.constant 27 : i32
    %select_n3A = arith.select %eq3A_1, %jit3A, %jit3A_2 : i32
    %while3A = arith.constant 0 : i32
    %while3A_3 = arith.constant 0 : i32
    %while3A_4 = arith.subi %select_n3A, %while3A_3 : i32
    %while3A_5 = arith.addi %while3A_3, %while3A_4 : i32
    %while3A_6 = arith.constant 1 : i32
    %while3A_7 = arith.divsi %while3A_4, %while3A_6 : i32
    %while3A_8 = arith.muli %while3A_7, %while3A_6 : i32
    %while3A_9 = arith.addi %while3A_3, %while3A_8 : i32
    %while3A_10 = arith.constant 1 : i32
    scf.for %while3A_15 = %while3A_3 to %while3A_9 step %while3A_10  : i32 {
      %mul3A_16 = arith.constant 8 : i32
      %mul3A_17 = arith.muli %while3A_15, %mul3A_16 : i32
      "tpu.region"() ({
        %run_scoped3A = tpu.sem_alloc : memref<!tpu.dma_semaphore, #tpu.memory_space<semaphore_mem>>
        %dma_start3A_242 = arith.constant 0 : i32
        %dma_start3A_243 = tpu.memref_slice %arg3[%arg0, %arg1, %mul3A_17, %dma_start3A_242] : memref<2x16x216x96xi32, #tpu.memory_space<hbm>> -> memref<1x1x8x96xi32, #tpu.memory_space<hbm>>
        %dma_start3A_244 = tpu.memref_squeeze %dma_start3A_243 : memref<1x1x8x96xi32, #tpu.memory_space<hbm>> -> memref<8x96xi32, #tpu.memory_space<hbm>>
        %dma_start3A_245 = arith.constant 0 : i32
        %dma_start3A_246 = tpu.memref_slice %arg3[%arg0, %arg1, %mul3A_17, %dma_start3A_245] : memref<2x16x216x96xi32, #tpu.memory_space<hbm>> -> memref<1x1x8x96xi32, #tpu.memory_space<hbm>>
        %dma_start3A_247 = tpu.memref_squeeze %dma_start3A_246 : memref<1x1x8x96xi32, #tpu.memory_space<hbm>> -> memref<8x96xi32, #tpu.memory_space<hbm>>
        tpu.enqueue_dma source(%dma_start3A_247 : memref<8x96xi32, #tpu.memory_space<hbm>>) target(%arg7 : memref<8x96xi32, #tpu.memory_space<vmem>>) target_semaphore(%run_scoped3A : memref<!tpu.dma_semaphore, #tpu.memory_space<semaphore_mem>>)
        %dma_wait3A_248 = arith.constant 0 : i32
        %dma_wait3A_249 = tpu.memref_slice %arg3[%arg0, %arg1, %mul3A_17, %dma_wait3A_248] : memref<2x16x216x96xi32, #tpu.memory_space<hbm>> -> memref<1x1x8x96xi32, #tpu.memory_space<hbm>>
        %dma_wait3A_250 = tpu.memref_squeeze %dma_wait3A_249 : memref<1x1x8x96xi32, #tpu.memory_space<hbm>> -> memref<8x96xi32, #tpu.memory_space<hbm>>
        %dma_wait3A_251 = arith.constant 0 : i32
        %dma_wait3A_252 = tpu.memref_slice %arg3[%arg0, %arg1, %mul3A_17, %dma_wait3A_251] : memref<2x16x216x96xi32, #tpu.memory_space<hbm>> -> memref<1x1x8x96xi32, #tpu.memory_space<hbm>>
        %dma_wait3A_253 = tpu.memref_squeeze %dma_wait3A_252 : memref<1x1x8x96xi32, #tpu.memory_space<hbm>> -> memref<8x96xi32, #tpu.memory_space<hbm>>
        tpu.wait_dma2 semaphore(%run_scoped3A : memref<!tpu.dma_semaphore, #tpu.memory_space<semaphore_mem>>) src(%dma_wait3A_253 : memref<8x96xi32, #tpu.memory_space<hbm>>) dst(%arg7 : memref<8x96xi32, #tpu.memory_space<vmem>>)
        tpu.yield
      }) : () -> ()
      %mul3A_18 = arith.constant 8 : i32
      %mul3A_19 = arith.muli %while3A_15, %mul3A_18 : i32
      "tpu.region"() ({
        %run_scoped3A = tpu.sem_alloc : memref<!tpu.dma_semaphore, #tpu.memory_space<semaphore_mem>>
        %dma_start3A_242 = arith.constant 0 : i32
        %dma_start3A_243 = tpu.memref_slice %arg4[%arg0, %arg1, %mul3A_19, %dma_start3A_242] : memref<2x16x216x96xi32, #tpu.memory_space<hbm>> -> memref<1x1x8x96xi32, #tpu.memory_space<hbm>>
        %dma_start3A_244 = tpu.memref_squeeze %dma_start3A_243 : memref<1x1x8x96xi32, #tpu.memory_space<hbm>> -> memref<8x96xi32, #tpu.memory_space<hbm>>
        %dma_start3A_245 = arith.constant 0 : i32
        %dma_start3A_246 = tpu.memref_slice %arg4[%arg0, %arg1, %mul3A_19, %dma_start3A_245] : memref<2x16x216x96xi32, #tpu.memory_space<hbm>> -> memref<1x1x8x96xi32, #tpu.memory_space<hbm>>
        %dma_start3A_247 = tpu.memref_squeeze %dma_start3A_246 : memref<1x1x8x96xi32, #tpu.memory_space<hbm>> -> memref<8x96xi32, #tpu.memory_space<hbm>>
        tpu.enqueue_dma source(%dma_start3A_247 : memref<8x96xi32, #tpu.memory_space<hbm>>) target(%arg8 : memref<8x96xi32, #tpu.memory_space<vmem>>) target_semaphore(%run_scoped3A : memref<!tpu.dma_semaphore, #tpu.memory_space<semaphore_mem>>)
        %dma_wait3A_248 = arith.constant 0 : i32
        %dma_wait3A_249 = tpu.memref_slice %arg4[%arg0, %arg1, %mul3A_19, %dma_wait3A_248] : memref<2x16x216x96xi32, #tpu.memory_space<hbm>> -> memref<1x1x8x96xi32, #tpu.memory_space<hbm>>
        %dma_wait3A_250 = tpu.memref_squeeze %dma_wait3A_249 : memref<1x1x8x96xi32, #tpu.memory_space<hbm>> -> memref<8x96xi32, #tpu.memory_space<hbm>>
        %dma_wait3A_251 = arith.constant 0 : i32
        %dma_wait3A_252 = tpu.memref_slice %arg4[%arg0, %arg1, %mul3A_19, %dma_wait3A_251] : memref<2x16x216x96xi32, #tpu.memory_space<hbm>> -> memref<1x1x8x96xi32, #tpu.memory_space<hbm>>
        %dma_wait3A_253 = tpu.memref_squeeze %dma_wait3A_252 : memref<1x1x8x96xi32, #tpu.memory_space<hbm>> -> memref<8x96xi32, #tpu.memory_space<hbm>>
        tpu.wait_dma2 semaphore(%run_scoped3A : memref<!tpu.dma_semaphore, #tpu.memory_space<semaphore_mem>>) src(%dma_wait3A_253 : memref<8x96xi32, #tpu.memory_space<hbm>>) dst(%arg8 : memref<8x96xi32, #tpu.memory_space<vmem>>)
        tpu.yield
      }) : () -> ()
      %dma_start3A = arith.constant 0 : i32
      %dma_start3A_20 = arith.constant 0 : i32
      %dma_start3A_21 = tpu.memref_slice %arg7[%dma_start3A, %dma_start3A_20] : memref<8x96xi32, #tpu.memory_space<vmem>> -> memref<1x96xi32, #tpu.memory_space<vmem>>
      %dma_start3A_22 = tpu.memref_squeeze %dma_start3A_21 : memref<1x96xi32, #tpu.memory_space<vmem>> -> memref<96xi32, #tpu.memory_space<vmem>>
      %dma_start3A_23 = arith.constant 0 : i32
      %dma_start3A_24 = arith.constant 0 : i32
      %dma_start3A_25 = tpu.memref_slice %arg2[%dma_start3A_23, %dma_start3A_24] : memref<10000x128xf32, #tpu.memory_space<hbm>> -> memref<10000x128xf32, #tpu.memory_space<hbm>>
      tpu.enqueue_indirect_dma source(%dma_start3A_25 : memref<10000x128xf32, #tpu.memory_space<hbm>>) target(%arg9 : memref<96x128xf32, #tpu.memory_space<vmem>>) offsets(%dma_start3A_22 : memref<96xi32, #tpu.memory_space<vmem>>) semaphore(%arg13 : memref<!tpu.dma_semaphore, #tpu.memory_space<semaphore_mem>>)
      %dma_start3A_26 = arith.constant 1 : i32
      %dma_start3A_27 = arith.constant 0 : i32
      %dma_start3A_28 = tpu.memref_slice %arg7[%dma_start3A_26, %dma_start3A_27] : memref<8x96xi32, #tpu.memory_space<vmem>> -> memref<1x96xi32, #tpu.memory_space<vmem>>
      %dma_start3A_29 = tpu.memref_squeeze %dma_start3A_28 : memref<1x96xi32, #tpu.memory_space<vmem>> -> memref<96xi32, #tpu.memory_space<vmem>>
      %dma_start3A_30 = arith.constant 0 : i32
      %dma_start3A_31 = arith.constant 0 : i32
      %dma_start3A_32 = tpu.memref_slice %arg2[%dma_start3A_30, %dma_start3A_31] : memref<10000x128xf32, #tpu.memory_space<hbm>> -> memref<10000x128xf32, #tpu.memory_space<hbm>>
      tpu.enqueue_indirect_dma source(%dma_start3A_32 : memref<10000x128xf32, #tpu.memory_space<hbm>>) target(%arg10 : memref<96x128xf32, #tpu.memory_space<vmem>>) offsets(%dma_start3A_29 : memref<96xi32, #tpu.memory_space<vmem>>) semaphore(%arg14 : memref<!tpu.dma_semaphore, #tpu.memory_space<semaphore_mem>>)
      %dma_wait3A = arith.constant 0 : i32
      %dma_wait3A_33 = arith.constant 0 : i32
      %dma_wait3A_34 = tpu.memref_slice %arg7[%dma_wait3A, %dma_wait3A_33] : memref<8x96xi32, #tpu.memory_space<vmem>> -> memref<1x96xi32, #tpu.memory_space<vmem>>
      %dma_wait3A_35 = tpu.memref_squeeze %dma_wait3A_34 : memref<1x96xi32, #tpu.memory_space<vmem>> -> memref<96xi32, #tpu.memory_space<vmem>>
      %dma_wait3A_36 = arith.constant 0 : i32
      %dma_wait3A_37 = arith.constant 0 : i32
      %dma_wait3A_38 = tpu.memref_slice %arg2[%dma_wait3A_36, %dma_wait3A_37] : memref<10000x128xf32, #tpu.memory_space<hbm>> -> memref<10000x128xf32, #tpu.memory_space<hbm>>
      tpu.wait_indirect_dma semaphore(%arg13 : memref<!tpu.dma_semaphore, #tpu.memory_space<semaphore_mem>>) src(%dma_wait3A_38 : memref<10000x128xf32, #tpu.memory_space<hbm>>) dst(%arg9 : memref<96x128xf32, #tpu.memory_space<vmem>>)
      %dma_start3A_39 = arith.constant 2 : i32
      %dma_start3A_40 = arith.constant 0 : i32
      %dma_start3A_41 = tpu.memref_slice %arg7[%dma_start3A_39, %dma_start3A_40] : memref<8x96xi32, #tpu.memory_space<vmem>> -> memref<1x96xi32, #tpu.memory_space<vmem>>
      %dma_start3A_42 = tpu.memref_squeeze %dma_start3A_41 : memref<1x96xi32, #tpu.memory_space<vmem>> -> memref<96xi32, #tpu.memory_space<vmem>>
      %dma_start3A_43 = arith.constant 0 : i32
      %dma_start3A_44 = arith.constant 0 : i32
      %dma_start3A_45 = tpu.memref_slice %arg2[%dma_start3A_43, %dma_start3A_44] : memref<10000x128xf32, #tpu.memory_space<hbm>> -> memref<10000x128xf32, #tpu.memory_space<hbm>>
      tpu.enqueue_indirect_dma source(%dma_start3A_45 : memref<10000x128xf32, #tpu.memory_space<hbm>>) target(%arg11 : memref<96x128xf32, #tpu.memory_space<vmem>>) offsets(%dma_start3A_42 : memref<96xi32, #tpu.memory_space<vmem>>) semaphore(%arg15 : memref<!tpu.dma_semaphore, #tpu.memory_space<semaphore_mem>>)
      %dma_start3A_46 = arith.constant 0 : i32
      %dma_start3A_47 = arith.constant 0 : i32
      %dma_start3A_48 = tpu.memref_slice %arg8[%dma_start3A_46, %dma_start3A_47] : memref<8x96xi32, #tpu.memory_space<vmem>> -> memref<1x96xi32, #tpu.memory_space<vmem>>
      %dma_start3A_49 = tpu.memref_squeeze %dma_start3A_48 : memref<1x96xi32, #tpu.memory_space<vmem>> -> memref<96xi32, #tpu.memory_space<vmem>>
      %dma_start3A_50 = arith.constant 0 : i32
      %dma_start3A_51 = arith.constant 0 : i32
      %dma_start3A_52 = tpu.memref_slice %arg12[%dma_start3A_50, %dma_start3A_51] : memref<10112x128xf32, #tpu.memory_space<vmem_shared>> -> memref<10112x128xf32, #tpu.memory_space<vmem_shared>>
      tpu.enqueue_indirect_dma source(%arg9 : memref<96x128xf32, #tpu.memory_space<vmem>>) target(%dma_start3A_52 : memref<10112x128xf32, #tpu.memory_space<vmem_shared>>) offsets(%dma_start3A_49 : memref<96xi32, #tpu.memory_space<vmem>>) semaphore(%arg16 : memref<!tpu.dma_semaphore, #tpu.memory_space<semaphore_mem>>) {add = true}
      %dma_wait3A_53 = arith.constant 1 : i32
      %dma_wait3A_54 = arith.constant 0 : i32
      %dma_wait3A_55 = tpu.memref_slice %arg7[%dma_wait3A_53, %dma_wait3A_54] : memref<8x96xi32, #tpu.memory_space<vmem>> -> memref<1x96xi32, #tpu.memory_space<vmem>>
      %dma_wait3A_56 = tpu.memref_squeeze %dma_wait3A_55 : memref<1x96xi32, #tpu.memory_space<vmem>> -> memref<96xi32, #tpu.memory_space<vmem>>
      %dma_wait3A_57 = arith.constant 0 : i32
      %dma_wait3A_58 = arith.constant 0 : i32
      %dma_wait3A_59 = tpu.memref_slice %arg2[%dma_wait3A_57, %dma_wait3A_58] : memref<10000x128xf32, #tpu.memory_space<hbm>> -> memref<10000x128xf32, #tpu.memory_space<hbm>>
      tpu.wait_indirect_dma semaphore(%arg14 : memref<!tpu.dma_semaphore, #tpu.memory_space<semaphore_mem>>) src(%dma_wait3A_59 : memref<10000x128xf32, #tpu.memory_space<hbm>>) dst(%arg10 : memref<96x128xf32, #tpu.memory_space<vmem>>)
      %dma_wait3A_60 = arith.constant 0 : i32
      %dma_wait3A_61 = arith.constant 0 : i32
      %dma_wait3A_62 = tpu.memref_slice %arg8[%dma_wait3A_60, %dma_wait3A_61] : memref<8x96xi32, #tpu.memory_space<vmem>> -> memref<1x96xi32, #tpu.memory_space<vmem>>
      %dma_wait3A_63 = tpu.memref_squeeze %dma_wait3A_62 : memref<1x96xi32, #tpu.memory_space<vmem>> -> memref<96xi32, #tpu.memory_space<vmem>>
      %dma_wait3A_64 = arith.constant 0 : i32
      %dma_wait3A_65 = arith.constant 0 : i32
      %dma_wait3A_66 = tpu.memref_slice %arg12[%dma_wait3A_64, %dma_wait3A_65] : memref<10112x128xf32, #tpu.memory_space<vmem_shared>> -> memref<10112x128xf32, #tpu.memory_space<vmem_shared>>
      tpu.wait_indirect_dma semaphore(%arg16 : memref<!tpu.dma_semaphore, #tpu.memory_space<semaphore_mem>>) src(%arg9 : memref<96x128xf32, #tpu.memory_space<vmem>>) dst(%dma_wait3A_66 : memref<10112x128xf32, #tpu.memory_space<vmem_shared>>)
      %dma_start3A_67 = arith.constant 3 : i32
      %dma_start3A_68 = arith.constant 0 : i32
      %dma_start3A_69 = tpu.memref_slice %arg7[%dma_start3A_67, %dma_start3A_68] : memref<8x96xi32, #tpu.memory_space<vmem>> -> memref<1x96xi32, #tpu.memory_space<vmem>>
      %dma_start3A_70 = tpu.memref_squeeze %dma_start3A_69 : memref<1x96xi32, #tpu.memory_space<vmem>> -> memref<96xi32, #tpu.memory_space<vmem>>
      %dma_start3A_71 = arith.constant 0 : i32
      %dma_start3A_72 = arith.constant 0 : i32
      %dma_start3A_73 = tpu.memref_slice %arg2[%dma_start3A_71, %dma_start3A_72] : memref<10000x128xf32, #tpu.memory_space<hbm>> -> memref<10000x128xf32, #tpu.memory_space<hbm>>
      tpu.enqueue_indirect_dma source(%dma_start3A_73 : memref<10000x128xf32, #tpu.memory_space<hbm>>) target(%arg9 : memref<96x128xf32, #tpu.memory_space<vmem>>) offsets(%dma_start3A_70 : memref<96xi32, #tpu.memory_space<vmem>>) semaphore(%arg13 : memref<!tpu.dma_semaphore, #tpu.memory_space<semaphore_mem>>)
      %dma_start3A_74 = arith.constant 1 : i32
      %dma_start3A_75 = arith.constant 0 : i32
      %dma_start3A_76 = tpu.memref_slice %arg8[%dma_start3A_74, %dma_start3A_75] : memref<8x96xi32, #tpu.memory_space<vmem>> -> memref<1x96xi32, #tpu.memory_space<vmem>>
      %dma_start3A_77 = tpu.memref_squeeze %dma_start3A_76 : memref<1x96xi32, #tpu.memory_space<vmem>> -> memref<96xi32, #tpu.memory_space<vmem>>
      %dma_start3A_78 = arith.constant 0 : i32
      %dma_start3A_79 = arith.constant 0 : i32
      %dma_start3A_80 = tpu.memref_slice %arg12[%dma_start3A_78, %dma_start3A_79] : memref<10112x128xf32, #tpu.memory_space<vmem_shared>> -> memref<10112x128xf32, #tpu.memory_space<vmem_shared>>
      tpu.enqueue_indirect_dma source(%arg10 : memref<96x128xf32, #tpu.memory_space<vmem>>) target(%dma_start3A_80 : memref<10112x128xf32, #tpu.memory_space<vmem_shared>>) offsets(%dma_start3A_77 : memref<96xi32, #tpu.memory_space<vmem>>) semaphore(%arg17 : memref<!tpu.dma_semaphore, #tpu.memory_space<semaphore_mem>>) {add = true}
      %dma_wait3A_81 = arith.constant 2 : i32
      %dma_wait3A_82 = arith.constant 0 : i32
      %dma_wait3A_83 = tpu.memref_slice %arg7[%dma_wait3A_81, %dma_wait3A_82] : memref<8x96xi32, #tpu.memory_space<vmem>> -> memref<1x96xi32, #tpu.memory_space<vmem>>
      %dma_wait3A_84 = tpu.memref_squeeze %dma_wait3A_83 : memref<1x96xi32, #tpu.memory_space<vmem>> -> memref<96xi32, #tpu.memory_space<vmem>>
      %dma_wait3A_85 = arith.constant 0 : i32
      %dma_wait3A_86 = arith.constant 0 : i32
      %dma_wait3A_87 = tpu.memref_slice %arg2[%dma_wait3A_85, %dma_wait3A_86] : memref<10000x128xf32, #tpu.memory_space<hbm>> -> memref<10000x128xf32, #tpu.memory_space<hbm>>
      tpu.wait_indirect_dma semaphore(%arg15 : memref<!tpu.dma_semaphore, #tpu.memory_space<semaphore_mem>>) src(%dma_wait3A_87 : memref<10000x128xf32, #tpu.memory_space<hbm>>) dst(%arg11 : memref<96x128xf32, #tpu.memory_space<vmem>>)
      %dma_wait3A_88 = arith.constant 1 : i32
      %dma_wait3A_89 = arith.constant 0 : i32
      %dma_wait3A_90 = tpu.memref_slice %arg8[%dma_wait3A_88, %dma_wait3A_89] : memref<8x96xi32, #tpu.memory_space<vmem>> -> memref<1x96xi32, #tpu.memory_space<vmem>>
      %dma_wait3A_91 = tpu.memref_squeeze %dma_wait3A_90 : memref<1x96xi32, #tpu.memory_space<vmem>> -> memref<96xi32, #tpu.memory_space<vmem>>
      %dma_wait3A_92 = arith.constant 0 : i32
      %dma_wait3A_93 = arith.constant 0 : i32
      %dma_wait3A_94 = tpu.memref_slice %arg12[%dma_wait3A_92, %dma_wait3A_93] : memref<10112x128xf32, #tpu.memory_space<vmem_shared>> -> memref<10112x128xf32, #tpu.memory_space<vmem_shared>>
      tpu.wait_indirect_dma semaphore(%arg17 : memref<!tpu.dma_semaphore, #tpu.memory_space<semaphore_mem>>) src(%arg10 : memref<96x128xf32, #tpu.memory_space<vmem>>) dst(%dma_wait3A_94 : memref<10112x128xf32, #tpu.memory_space<vmem_shared>>)
      %dma_start3A_95 = arith.constant 4 : i32
      %dma_start3A_96 = arith.constant 0 : i32
      %dma_start3A_97 = tpu.memref_slice %arg7[%dma_start3A_95, %dma_start3A_96] : memref<8x96xi32, #tpu.memory_space<vmem>> -> memref<1x96xi32, #tpu.memory_space<vmem>>
      %dma_start3A_98 = tpu.memref_squeeze %dma_start3A_97 : memref<1x96xi32, #tpu.memory_space<vmem>> -> memref<96xi32, #tpu.memory_space<vmem>>
      %dma_start3A_99 = arith.constant 0 : i32
      %dma_start3A_100 = arith.constant 0 : i32
      %dma_start3A_101 = tpu.memref_slice %arg2[%dma_start3A_99, %dma_start3A_100] : memref<10000x128xf32, #tpu.memory_space<hbm>> -> memref<10000x128xf32, #tpu.memory_space<hbm>>
      tpu.enqueue_indirect_dma source(%dma_start3A_101 : memref<10000x128xf32, #tpu.memory_space<hbm>>) target(%arg10 : memref<96x128xf32, #tpu.memory_space<vmem>>) offsets(%dma_start3A_98 : memref<96xi32, #tpu.memory_space<vmem>>) semaphore(%arg14 : memref<!tpu.dma_semaphore, #tpu.memory_space<semaphore_mem>>)
      %dma_start3A_102 = arith.constant 2 : i32
      %dma_start3A_103 = arith.constant 0 : i32
      %dma_start3A_104 = tpu.memref_slice %arg8[%dma_start3A_102, %dma_start3A_103] : memref<8x96xi32, #tpu.memory_space<vmem>> -> memref<1x96xi32, #tpu.memory_space<vmem>>
      %dma_start3A_105 = tpu.memref_squeeze %dma_start3A_104 : memref<1x96xi32, #tpu.memory_space<vmem>> -> memref<96xi32, #tpu.memory_space<vmem>>
      %dma_start3A_106 = arith.constant 0 : i32
      %dma_start3A_107 = arith.constant 0 : i32
      %dma_start3A_108 = tpu.memref_slice %arg12[%dma_start3A_106, %dma_start3A_107] : memref<10112x128xf32, #tpu.memory_space<vmem_shared>> -> memref<10112x128xf32, #tpu.memory_space<vmem_shared>>
      tpu.enqueue_indirect_dma source(%arg11 : memref<96x128xf32, #tpu.memory_space<vmem>>) target(%dma_start3A_108 : memref<10112x128xf32, #tpu.memory_space<vmem_shared>>) offsets(%dma_start3A_105 : memref<96xi32, #tpu.memory_space<vmem>>) semaphore(%arg18 : memref<!tpu.dma_semaphore, #tpu.memory_space<semaphore_mem>>) {add = true}
      %dma_wait3A_109 = arith.constant 3 : i32
      %dma_wait3A_110 = arith.constant 0 : i32
      %dma_wait3A_111 = tpu.memref_slice %arg7[%dma_wait3A_109, %dma_wait3A_110] : memref<8x96xi32, #tpu.memory_space<vmem>> -> memref<1x96xi32, #tpu.memory_space<vmem>>
      %dma_wait3A_112 = tpu.memref_squeeze %dma_wait3A_111 : memref<1x96xi32, #tpu.memory_space<vmem>> -> memref<96xi32, #tpu.memory_space<vmem>>
      %dma_wait3A_113 = arith.constant 0 : i32
      %dma_wait3A_114 = arith.constant 0 : i32
      %dma_wait3A_115 = tpu.memref_slice %arg2[%dma_wait3A_113, %dma_wait3A_114] : memref<10000x128xf32, #tpu.memory_space<hbm>> -> memref<10000x128xf32, #tpu.memory_space<hbm>>
      tpu.wait_indirect_dma semaphore(%arg13 : memref<!tpu.dma_semaphore, #tpu.memory_space<semaphore_mem>>) src(%dma_wait3A_115 : memref<10000x128xf32, #tpu.memory_space<hbm>>) dst(%arg9 : memref<96x128xf32, #tpu.memory_space<vmem>>)
      %dma_wait3A_116 = arith.constant 2 : i32
      %dma_wait3A_117 = arith.constant 0 : i32
      %dma_wait3A_118 = tpu.memref_slice %arg8[%dma_wait3A_116, %dma_wait3A_117] : memref<8x96xi32, #tpu.memory_space<vmem>> -> memref<1x96xi32, #tpu.memory_space<vmem>>
      %dma_wait3A_119 = tpu.memref_squeeze %dma_wait3A_118 : memref<1x96xi32, #tpu.memory_space<vmem>> -> memref<96xi32, #tpu.memory_space<vmem>>
      %dma_wait3A_120 = arith.constant 0 : i32
      %dma_wait3A_121 = arith.constant 0 : i32
      %dma_wait3A_122 = tpu.memref_slice %arg12[%dma_wait3A_120, %dma_wait3A_121] : memref<10112x128xf32, #tpu.memory_space<vmem_shared>> -> memref<10112x128xf32, #tpu.memory_space<vmem_shared>>
      tpu.wait_indirect_dma semaphore(%arg18 : memref<!tpu.dma_semaphore, #tpu.memory_space<semaphore_mem>>) src(%arg11 : memref<96x128xf32, #tpu.memory_space<vmem>>) dst(%dma_wait3A_122 : memref<10112x128xf32, #tpu.memory_space<vmem_shared>>)
      %dma_start3A_123 = arith.constant 5 : i32
      %dma_start3A_124 = arith.constant 0 : i32
      %dma_start3A_125 = tpu.memref_slice %arg7[%dma_start3A_123, %dma_start3A_124] : memref<8x96xi32, #tpu.memory_space<vmem>> -> memref<1x96xi32, #tpu.memory_space<vmem>>
      %dma_start3A_126 = tpu.memref_squeeze %dma_start3A_125 : memref<1x96xi32, #tpu.memory_space<vmem>> -> memref<96xi32, #tpu.memory_space<vmem>>
      %dma_start3A_127 = arith.constant 0 : i32
      %dma_start3A_128 = arith.constant 0 : i32
      %dma_start3A_129 = tpu.memref_slice %arg2[%dma_start3A_127, %dma_start3A_128] : memref<10000x128xf32, #tpu.memory_space<hbm>> -> memref<10000x128xf32, #tpu.memory_space<hbm>>
      tpu.enqueue_indirect_dma source(%dma_start3A_129 : memref<10000x128xf32, #tpu.memory_space<hbm>>) target(%arg11 : memref<96x128xf32, #tpu.memory_space<vmem>>) offsets(%dma_start3A_126 : memref<96xi32, #tpu.memory_space<vmem>>) semaphore(%arg15 : memref<!tpu.dma_semaphore, #tpu.memory_space<semaphore_mem>>)
      %dma_start3A_130 = arith.constant 3 : i32
      %dma_start3A_131 = arith.constant 0 : i32
      %dma_start3A_132 = tpu.memref_slice %arg8[%dma_start3A_130, %dma_start3A_131] : memref<8x96xi32, #tpu.memory_space<vmem>> -> memref<1x96xi32, #tpu.memory_space<vmem>>
      %dma_start3A_133 = tpu.memref_squeeze %dma_start3A_132 : memref<1x96xi32, #tpu.memory_space<vmem>> -> memref<96xi32, #tpu.memory_space<vmem>>
      %dma_start3A_134 = arith.constant 0 : i32
      %dma_start3A_135 = arith.constant 0 : i32
      %dma_start3A_136 = tpu.memref_slice %arg12[%dma_start3A_134, %dma_start3A_135] : memref<10112x128xf32, #tpu.memory_space<vmem_shared>> -> memref<10112x128xf32, #tpu.memory_space<vmem_shared>>
      tpu.enqueue_indirect_dma source(%arg9 : memref<96x128xf32, #tpu.memory_space<vmem>>) target(%dma_start3A_136 : memref<10112x128xf32, #tpu.memory_space<vmem_shared>>) offsets(%dma_start3A_133 : memref<96xi32, #tpu.memory_space<vmem>>) semaphore(%arg16 : memref<!tpu.dma_semaphore, #tpu.memory_space<semaphore_mem>>) {add = true}
      %dma_wait3A_137 = arith.constant 4 : i32
      %dma_wait3A_138 = arith.constant 0 : i32
      %dma_wait3A_139 = tpu.memref_slice %arg7[%dma_wait3A_137, %dma_wait3A_138] : memref<8x96xi32, #tpu.memory_space<vmem>> -> memref<1x96xi32, #tpu.memory_space<vmem>>
      %dma_wait3A_140 = tpu.memref_squeeze %dma_wait3A_139 : memref<1x96xi32, #tpu.memory_space<vmem>> -> memref<96xi32, #tpu.memory_space<vmem>>
      %dma_wait3A_141 = arith.constant 0 : i32
      %dma_wait3A_142 = arith.constant 0 : i32
      %dma_wait3A_143 = tpu.memref_slice %arg2[%dma_wait3A_141, %dma_wait3A_142] : memref<10000x128xf32, #tpu.memory_space<hbm>> -> memref<10000x128xf32, #tpu.memory_space<hbm>>
      tpu.wait_indirect_dma semaphore(%arg14 : memref<!tpu.dma_semaphore, #tpu.memory_space<semaphore_mem>>) src(%dma_wait3A_143 : memref<10000x128xf32, #tpu.memory_space<hbm>>) dst(%arg10 : memref<96x128xf32, #tpu.memory_space<vmem>>)
      %dma_wait3A_144 = arith.constant 3 : i32
      %dma_wait3A_145 = arith.constant 0 : i32
      %dma_wait3A_146 = tpu.memref_slice %arg8[%dma_wait3A_144, %dma_wait3A_145] : memref<8x96xi32, #tpu.memory_space<vmem>> -> memref<1x96xi32, #tpu.memory_space<vmem>>
      %dma_wait3A_147 = tpu.memref_squeeze %dma_wait3A_146 : memref<1x96xi32, #tpu.memory_space<vmem>> -> memref<96xi32, #tpu.memory_space<vmem>>
      %dma_wait3A_148 = arith.constant 0 : i32
      %dma_wait3A_149 = arith.constant 0 : i32
      %dma_wait3A_150 = tpu.memref_slice %arg12[%dma_wait3A_148, %dma_wait3A_149] : memref<10112x128xf32, #tpu.memory_space<vmem_shared>> -> memref<10112x128xf32, #tpu.memory_space<vmem_shared>>
      tpu.wait_indirect_dma semaphore(%arg16 : memref<!tpu.dma_semaphore, #tpu.memory_space<semaphore_mem>>) src(%arg9 : memref<96x128xf32, #tpu.memory_space<vmem>>) dst(%dma_wait3A_150 : memref<10112x128xf32, #tpu.memory_space<vmem_shared>>)
      %dma_start3A_151 = arith.constant 6 : i32
      %dma_start3A_152 = arith.constant 0 : i32
      %dma_start3A_153 = tpu.memref_slice %arg7[%dma_start3A_151, %dma_start3A_152] : memref<8x96xi32, #tpu.memory_space<vmem>> -> memref<1x96xi32, #tpu.memory_space<vmem>>
      %dma_start3A_154 = tpu.memref_squeeze %dma_start3A_153 : memref<1x96xi32, #tpu.memory_space<vmem>> -> memref<96xi32, #tpu.memory_space<vmem>>
      %dma_start3A_155 = arith.constant 0 : i32
      %dma_start3A_156 = arith.constant 0 : i32
      %dma_start3A_157 = tpu.memref_slice %arg2[%dma_start3A_155, %dma_start3A_156] : memref<10000x128xf32, #tpu.memory_space<hbm>> -> memref<10000x128xf32, #tpu.memory_space<hbm>>
      tpu.enqueue_indirect_dma source(%dma_start3A_157 : memref<10000x128xf32, #tpu.memory_space<hbm>>) target(%arg9 : memref<96x128xf32, #tpu.memory_space<vmem>>) offsets(%dma_start3A_154 : memref<96xi32, #tpu.memory_space<vmem>>) semaphore(%arg13 : memref<!tpu.dma_semaphore, #tpu.memory_space<semaphore_mem>>)
      %dma_start3A_158 = arith.constant 4 : i32
      %dma_start3A_159 = arith.constant 0 : i32
      %dma_start3A_160 = tpu.memref_slice %arg8[%dma_start3A_158, %dma_start3A_159] : memref<8x96xi32, #tpu.memory_space<vmem>> -> memref<1x96xi32, #tpu.memory_space<vmem>>
      %dma_start3A_161 = tpu.memref_squeeze %dma_start3A_160 : memref<1x96xi32, #tpu.memory_space<vmem>> -> memref<96xi32, #tpu.memory_space<vmem>>
      %dma_start3A_162 = arith.constant 0 : i32
      %dma_start3A_163 = arith.constant 0 : i32
      %dma_start3A_164 = tpu.memref_slice %arg12[%dma_start3A_162, %dma_start3A_163] : memref<10112x128xf32, #tpu.memory_space<vmem_shared>> -> memref<10112x128xf32, #tpu.memory_space<vmem_shared>>
      tpu.enqueue_indirect_dma source(%arg10 : memref<96x128xf32, #tpu.memory_space<vmem>>) target(%dma_start3A_164 : memref<10112x128xf32, #tpu.memory_space<vmem_shared>>) offsets(%dma_start3A_161 : memref<96xi32, #tpu.memory_space<vmem>>) semaphore(%arg17 : memref<!tpu.dma_semaphore, #tpu.memory_space<semaphore_mem>>) {add = true}
      %dma_wait3A_165 = arith.constant 5 : i32
      %dma_wait3A_166 = arith.constant 0 : i32
      %dma_wait3A_167 = tpu.memref_slice %arg7[%dma_wait3A_165, %dma_wait3A_166] : memref<8x96xi32, #tpu.memory_space<vmem>> -> memref<1x96xi32, #tpu.memory_space<vmem>>
      %dma_wait3A_168 = tpu.memref_squeeze %dma_wait3A_167 : memref<1x96xi32, #tpu.memory_space<vmem>> -> memref<96xi32, #tpu.memory_space<vmem>>
      %dma_wait3A_169 = arith.constant 0 : i32
      %dma_wait3A_170 = arith.constant 0 : i32
      %dma_wait3A_171 = tpu.memref_slice %arg2[%dma_wait3A_169, %dma_wait3A_170] : memref<10000x128xf32, #tpu.memory_space<hbm>> -> memref<10000x128xf32, #tpu.memory_space<hbm>>
      tpu.wait_indirect_dma semaphore(%arg15 : memref<!tpu.dma_semaphore, #tpu.memory_space<semaphore_mem>>) src(%dma_wait3A_171 : memref<10000x128xf32, #tpu.memory_space<hbm>>) dst(%arg11 : memref<96x128xf32, #tpu.memory_space<vmem>>)
      %dma_wait3A_172 = arith.constant 4 : i32
      %dma_wait3A_173 = arith.constant 0 : i32
      %dma_wait3A_174 = tpu.memref_slice %arg8[%dma_wait3A_172, %dma_wait3A_173] : memref<8x96xi32, #tpu.memory_space<vmem>> -> memref<1x96xi32, #tpu.memory_space<vmem>>
      %dma_wait3A_175 = tpu.memref_squeeze %dma_wait3A_174 : memref<1x96xi32, #tpu.memory_space<vmem>> -> memref<96xi32, #tpu.memory_space<vmem>>
      %dma_wait3A_176 = arith.constant 0 : i32
      %dma_wait3A_177 = arith.constant 0 : i32
      %dma_wait3A_178 = tpu.memref_slice %arg12[%dma_wait3A_176, %dma_wait3A_177] : memref<10112x128xf32, #tpu.memory_space<vmem_shared>> -> memref<10112x128xf32, #tpu.memory_space<vmem_shared>>
      tpu.wait_indirect_dma semaphore(%arg17 : memref<!tpu.dma_semaphore, #tpu.memory_space<semaphore_mem>>) src(%arg10 : memref<96x128xf32, #tpu.memory_space<vmem>>) dst(%dma_wait3A_178 : memref<10112x128xf32, #tpu.memory_space<vmem_shared>>)
      %dma_start3A_179 = arith.constant 7 : i32
      %dma_start3A_180 = arith.constant 0 : i32
      %dma_start3A_181 = tpu.memref_slice %arg7[%dma_start3A_179, %dma_start3A_180] : memref<8x96xi32, #tpu.memory_space<vmem>> -> memref<1x96xi32, #tpu.memory_space<vmem>>
      %dma_start3A_182 = tpu.memref_squeeze %dma_start3A_181 : memref<1x96xi32, #tpu.memory_space<vmem>> -> memref<96xi32, #tpu.memory_space<vmem>>
      %dma_start3A_183 = arith.constant 0 : i32
      %dma_start3A_184 = arith.constant 0 : i32
      %dma_start3A_185 = tpu.memref_slice %arg2[%dma_start3A_183, %dma_start3A_184] : memref<10000x128xf32, #tpu.memory_space<hbm>> -> memref<10000x128xf32, #tpu.memory_space<hbm>>
      tpu.enqueue_indirect_dma source(%dma_start3A_185 : memref<10000x128xf32, #tpu.memory_space<hbm>>) target(%arg10 : memref<96x128xf32, #tpu.memory_space<vmem>>) offsets(%dma_start3A_182 : memref<96xi32, #tpu.memory_space<vmem>>) semaphore(%arg14 : memref<!tpu.dma_semaphore, #tpu.memory_space<semaphore_mem>>)
      %dma_start3A_186 = arith.constant 5 : i32
      %dma_start3A_187 = arith.constant 0 : i32
      %dma_start3A_188 = tpu.memref_slice %arg8[%dma_start3A_186, %dma_start3A_187] : memref<8x96xi32, #tpu.memory_space<vmem>> -> memref<1x96xi32, #tpu.memory_space<vmem>>
      %dma_start3A_189 = tpu.memref_squeeze %dma_start3A_188 : memref<1x96xi32, #tpu.memory_space<vmem>> -> memref<96xi32, #tpu.memory_space<vmem>>
      %dma_start3A_190 = arith.constant 0 : i32
      %dma_start3A_191 = arith.constant 0 : i32
      %dma_start3A_192 = tpu.memref_slice %arg12[%dma_start3A_190, %dma_start3A_191] : memref<10112x128xf32, #tpu.memory_space<vmem_shared>> -> memref<10112x128xf32, #tpu.memory_space<vmem_shared>>
      tpu.enqueue_indirect_dma source(%arg11 : memref<96x128xf32, #tpu.memory_space<vmem>>) target(%dma_start3A_192 : memref<10112x128xf32, #tpu.memory_space<vmem_shared>>) offsets(%dma_start3A_189 : memref<96xi32, #tpu.memory_space<vmem>>) semaphore(%arg18 : memref<!tpu.dma_semaphore, #tpu.memory_space<semaphore_mem>>) {add = true}
      %dma_wait3A_193 = arith.constant 6 : i32
      %dma_wait3A_194 = arith.constant 0 : i32
      %dma_wait3A_195 = tpu.memref_slice %arg7[%dma_wait3A_193, %dma_wait3A_194] : memref<8x96xi32, #tpu.memory_space<vmem>> -> memref<1x96xi32, #tpu.memory_space<vmem>>
      %dma_wait3A_196 = tpu.memref_squeeze %dma_wait3A_195 : memref<1x96xi32, #tpu.memory_space<vmem>> -> memref<96xi32, #tpu.memory_space<vmem>>
      %dma_wait3A_197 = arith.constant 0 : i32
      %dma_wait3A_198 = arith.constant 0 : i32
      %dma_wait3A_199 = tpu.memref_slice %arg2[%dma_wait3A_197, %dma_wait3A_198] : memref<10000x128xf32, #tpu.memory_space<hbm>> -> memref<10000x128xf32, #tpu.memory_space<hbm>>
      tpu.wait_indirect_dma semaphore(%arg13 : memref<!tpu.dma_semaphore, #tpu.memory_space<semaphore_mem>>) src(%dma_wait3A_199 : memref<10000x128xf32, #tpu.memory_space<hbm>>) dst(%arg9 : memref<96x128xf32, #tpu.memory_space<vmem>>)
      %dma_start3A_200 = arith.constant 6 : i32
      %dma_start3A_201 = arith.constant 0 : i32
      %dma_start3A_202 = tpu.memref_slice %arg8[%dma_start3A_200, %dma_start3A_201] : memref<8x96xi32, #tpu.memory_space<vmem>> -> memref<1x96xi32, #tpu.memory_space<vmem>>
      %dma_start3A_203 = tpu.memref_squeeze %dma_start3A_202 : memref<1x96xi32, #tpu.memory_space<vmem>> -> memref<96xi32, #tpu.memory_space<vmem>>
      %dma_start3A_204 = arith.constant 0 : i32
      %dma_start3A_205 = arith.constant 0 : i32
      %dma_start3A_206 = tpu.memref_slice %arg12[%dma_start3A_204, %dma_start3A_205] : memref<10112x128xf32, #tpu.memory_space<vmem_shared>> -> memref<10112x128xf32, #tpu.memory_space<vmem_shared>>
      tpu.enqueue_indirect_dma source(%arg9 : memref<96x128xf32, #tpu.memory_space<vmem>>) target(%dma_start3A_206 : memref<10112x128xf32, #tpu.memory_space<vmem_shared>>) offsets(%dma_start3A_203 : memref<96xi32, #tpu.memory_space<vmem>>) semaphore(%arg16 : memref<!tpu.dma_semaphore, #tpu.memory_space<semaphore_mem>>) {add = true}
      %dma_wait3A_207 = arith.constant 7 : i32
      %dma_wait3A_208 = arith.constant 0 : i32
      %dma_wait3A_209 = tpu.memref_slice %arg7[%dma_wait3A_207, %dma_wait3A_208] : memref<8x96xi32, #tpu.memory_space<vmem>> -> memref<1x96xi32, #tpu.memory_space<vmem>>
      %dma_wait3A_210 = tpu.memref_squeeze %dma_wait3A_209 : memref<1x96xi32, #tpu.memory_space<vmem>> -> memref<96xi32, #tpu.memory_space<vmem>>
      %dma_wait3A_211 = arith.constant 0 : i32
      %dma_wait3A_212 = arith.constant 0 : i32
      %dma_wait3A_213 = tpu.memref_slice %arg2[%dma_wait3A_211, %dma_wait3A_212] : memref<10000x128xf32, #tpu.memory_space<hbm>> -> memref<10000x128xf32, #tpu.memory_space<hbm>>
      tpu.wait_indirect_dma semaphore(%arg14 : memref<!tpu.dma_semaphore, #tpu.memory_space<semaphore_mem>>) src(%dma_wait3A_213 : memref<10000x128xf32, #tpu.memory_space<hbm>>) dst(%arg10 : memref<96x128xf32, #tpu.memory_space<vmem>>)
      %dma_start3A_214 = arith.constant 7 : i32
      %dma_start3A_215 = arith.constant 0 : i32
      %dma_start3A_216 = tpu.memref_slice %arg8[%dma_start3A_214, %dma_start3A_215] : memref<8x96xi32, #tpu.memory_space<vmem>> -> memref<1x96xi32, #tpu.memory_space<vmem>>
      %dma_start3A_217 = tpu.memref_squeeze %dma_start3A_216 : memref<1x96xi32, #tpu.memory_space<vmem>> -> memref<96xi32, #tpu.memory_space<vmem>>
      %dma_start3A_218 = arith.constant 0 : i32
      %dma_start3A_219 = arith.constant 0 : i32
      %dma_start3A_220 = tpu.memref_slice %arg12[%dma_start3A_218, %dma_start3A_219] : memref<10112x128xf32, #tpu.memory_space<vmem_shared>> -> memref<10112x128xf32, #tpu.memory_space<vmem_shared>>
      tpu.enqueue_indirect_dma source(%arg10 : memref<96x128xf32, #tpu.memory_space<vmem>>) target(%dma_start3A_220 : memref<10112x128xf32, #tpu.memory_space<vmem_shared>>) offsets(%dma_start3A_217 : memref<96xi32, #tpu.memory_space<vmem>>) semaphore(%arg17 : memref<!tpu.dma_semaphore, #tpu.memory_space<semaphore_mem>>) {add = true}
      %dma_wait3A_221 = arith.constant 5 : i32
      %dma_wait3A_222 = arith.constant 0 : i32
      %dma_wait3A_223 = tpu.memref_slice %arg8[%dma_wait3A_221, %dma_wait3A_222] : memref<8x96xi32, #tpu.memory_space<vmem>> -> memref<1x96xi32, #tpu.memory_space<vmem>>
      %dma_wait3A_224 = tpu.memref_squeeze %dma_wait3A_223 : memref<1x96xi32, #tpu.memory_space<vmem>> -> memref<96xi32, #tpu.memory_space<vmem>>
      %dma_wait3A_225 = arith.constant 0 : i32
      %dma_wait3A_226 = arith.constant 0 : i32
      %dma_wait3A_227 = tpu.memref_slice %arg12[%dma_wait3A_225, %dma_wait3A_226] : memref<10112x128xf32, #tpu.memory_space<vmem_shared>> -> memref<10112x128xf32, #tpu.memory_space<vmem_shared>>
      tpu.wait_indirect_dma semaphore(%arg18 : memref<!tpu.dma_semaphore, #tpu.memory_space<semaphore_mem>>) src(%arg11 : memref<96x128xf32, #tpu.memory_space<vmem>>) dst(%dma_wait3A_227 : memref<10112x128xf32, #tpu.memory_space<vmem_shared>>)
      %dma_wait3A_228 = arith.constant 6 : i32
      %dma_wait3A_229 = arith.constant 0 : i32
      %dma_wait3A_230 = tpu.memref_slice %arg8[%dma_wait3A_228, %dma_wait3A_229] : memref<8x96xi32, #tpu.memory_space<vmem>> -> memref<1x96xi32, #tpu.memory_space<vmem>>
      %dma_wait3A_231 = tpu.memref_squeeze %dma_wait3A_230 : memref<1x96xi32, #tpu.memory_space<vmem>> -> memref<96xi32, #tpu.memory_space<vmem>>
      %dma_wait3A_232 = arith.constant 0 : i32
      %dma_wait3A_233 = arith.constant 0 : i32
      %dma_wait3A_234 = tpu.memref_slice %arg12[%dma_wait3A_232, %dma_wait3A_233] : memref<10112x128xf32, #tpu.memory_space<vmem_shared>> -> memref<10112x128xf32, #tpu.memory_space<vmem_shared>>
      tpu.wait_indirect_dma semaphore(%arg16 : memref<!tpu.dma_semaphore, #tpu.memory_space<semaphore_mem>>) src(%arg9 : memref<96x128xf32, #tpu.memory_space<vmem>>) dst(%dma_wait3A_234 : memref<10112x128xf32, #tpu.memory_space<vmem_shared>>)
      %dma_wait3A_235 = arith.constant 7 : i32
      %dma_wait3A_236 = arith.constant 0 : i32
      %dma_wait3A_237 = tpu.memref_slice %arg8[%dma_wait3A_235, %dma_wait3A_236] : memref<8x96xi32, #tpu.memory_space<vmem>> -> memref<1x96xi32, #tpu.memory_space<vmem>>
      %dma_wait3A_238 = tpu.memref_squeeze %dma_wait3A_237 : memref<1x96xi32, #tpu.memory_space<vmem>> -> memref<96xi32, #tpu.memory_space<vmem>>
      %dma_wait3A_239 = arith.constant 0 : i32
      %dma_wait3A_240 = arith.constant 0 : i32
      %dma_wait3A_241 = tpu.memref_slice %arg12[%dma_wait3A_239, %dma_wait3A_240] : memref<10112x128xf32, #tpu.memory_space<vmem_shared>> -> memref<10112x128xf32, #tpu.memory_space<vmem_shared>>
      tpu.wait_indirect_dma semaphore(%arg17 : memref<!tpu.dma_semaphore, #tpu.memory_space<semaphore_mem>>) src(%arg10 : memref<96x128xf32, #tpu.memory_space<vmem>>) dst(%dma_wait3A_241 : memref<10112x128xf32, #tpu.memory_space<vmem_shared>>)
    }
    %while3A_11 = arith.constant 1 : i32
    scf.for %while3A_15 = %while3A_9 to %while3A_5 step %while3A_11  : i32 {
      %mul3A_16 = arith.constant 8 : i32
      %mul3A_17 = arith.muli %while3A_15, %mul3A_16 : i32
      "tpu.region"() ({
        %run_scoped3A = tpu.sem_alloc : memref<!tpu.dma_semaphore, #tpu.memory_space<semaphore_mem>>
        %dma_start3A_242 = arith.constant 0 : i32
        %dma_start3A_243 = tpu.memref_slice %arg3[%arg0, %arg1, %mul3A_17, %dma_start3A_242] : memref<2x16x216x96xi32, #tpu.memory_space<hbm>> -> memref<1x1x8x96xi32, #tpu.memory_space<hbm>>
        %dma_start3A_244 = tpu.memref_squeeze %dma_start3A_243 : memref<1x1x8x96xi32, #tpu.memory_space<hbm>> -> memref<8x96xi32, #tpu.memory_space<hbm>>
        %dma_start3A_245 = arith.constant 0 : i32
        %dma_start3A_246 = tpu.memref_slice %arg3[%arg0, %arg1, %mul3A_17, %dma_start3A_245] : memref<2x16x216x96xi32, #tpu.memory_space<hbm>> -> memref<1x1x8x96xi32, #tpu.memory_space<hbm>>
        %dma_start3A_247 = tpu.memref_squeeze %dma_start3A_246 : memref<1x1x8x96xi32, #tpu.memory_space<hbm>> -> memref<8x96xi32, #tpu.memory_space<hbm>>
        tpu.enqueue_dma source(%dma_start3A_247 : memref<8x96xi32, #tpu.memory_space<hbm>>) target(%arg7 : memref<8x96xi32, #tpu.memory_space<vmem>>) target_semaphore(%run_scoped3A : memref<!tpu.dma_semaphore, #tpu.memory_space<semaphore_mem>>)
        %dma_wait3A_248 = arith.constant 0 : i32
        %dma_wait3A_249 = tpu.memref_slice %arg3[%arg0, %arg1, %mul3A_17, %dma_wait3A_248] : memref<2x16x216x96xi32, #tpu.memory_space<hbm>> -> memref<1x1x8x96xi32, #tpu.memory_space<hbm>>
        %dma_wait3A_250 = tpu.memref_squeeze %dma_wait3A_249 : memref<1x1x8x96xi32, #tpu.memory_space<hbm>> -> memref<8x96xi32, #tpu.memory_space<hbm>>
        %dma_wait3A_251 = arith.constant 0 : i32
        %dma_wait3A_252 = tpu.memref_slice %arg3[%arg0, %arg1, %mul3A_17, %dma_wait3A_251] : memref<2x16x216x96xi32, #tpu.memory_space<hbm>> -> memref<1x1x8x96xi32, #tpu.memory_space<hbm>>
        %dma_wait3A_253 = tpu.memref_squeeze %dma_wait3A_252 : memref<1x1x8x96xi32, #tpu.memory_space<hbm>> -> memref<8x96xi32, #tpu.memory_space<hbm>>
        tpu.wait_dma2 semaphore(%run_scoped3A : memref<!tpu.dma_semaphore, #tpu.memory_space<semaphore_mem>>) src(%dma_wait3A_253 : memref<8x96xi32, #tpu.memory_space<hbm>>) dst(%arg7 : memref<8x96xi32, #tpu.memory_space<vmem>>)
        tpu.yield
      }) : () -> ()
      %mul3A_18 = arith.constant 8 : i32
      %mul3A_19 = arith.muli %while3A_15, %mul3A_18 : i32
      "tpu.region"() ({
        %run_scoped3A = tpu.sem_alloc : memref<!tpu.dma_semaphore, #tpu.memory_space<semaphore_mem>>
        %dma_start3A_242 = arith.constant 0 : i32
        %dma_start3A_243 = tpu.memref_slice %arg4[%arg0, %arg1, %mul3A_19, %dma_start3A_242] : memref<2x16x216x96xi32, #tpu.memory_space<hbm>> -> memref<1x1x8x96xi32, #tpu.memory_space<hbm>>
        %dma_start3A_244 = tpu.memref_squeeze %dma_start3A_243 : memref<1x1x8x96xi32, #tpu.memory_space<hbm>> -> memref<8x96xi32, #tpu.memory_space<hbm>>
        %dma_start3A_245 = arith.constant 0 : i32
        %dma_start3A_246 = tpu.memref_slice %arg4[%arg0, %arg1, %mul3A_19, %dma_start3A_245] : memref<2x16x216x96xi32, #tpu.memory_space<hbm>> -> memref<1x1x8x96xi32, #tpu.memory_space<hbm>>
        %dma_start3A_247 = tpu.memref_squeeze %dma_start3A_246 : memref<1x1x8x96xi32, #tpu.memory_space<hbm>> -> memref<8x96xi32, #tpu.memory_space<hbm>>
        tpu.enqueue_dma source(%dma_start3A_247 : memref<8x96xi32, #tpu.memory_space<hbm>>) target(%arg8 : memref<8x96xi32, #tpu.memory_space<vmem>>) target_semaphore(%run_scoped3A : memref<!tpu.dma_semaphore, #tpu.memory_space<semaphore_mem>>)
        %dma_wait3A_248 = arith.constant 0 : i32
        %dma_wait3A_249 = tpu.memref_slice %arg4[%arg0, %arg1, %mul3A_19, %dma_wait3A_248] : memref<2x16x216x96xi32, #tpu.memory_space<hbm>> -> memref<1x1x8x96xi32, #tpu.memory_space<hbm>>
        %dma_wait3A_250 = tpu.memref_squeeze %dma_wait3A_249 : memref<1x1x8x96xi32, #tpu.memory_space<hbm>> -> memref<8x96xi32, #tpu.memory_space<hbm>>
        %dma_wait3A_251 = arith.constant 0 : i32
        %dma_wait3A_252 = tpu.memref_slice %arg4[%arg0, %arg1, %mul3A_19, %dma_wait3A_251] : memref<2x16x216x96xi32, #tpu.memory_space<hbm>> -> memref<1x1x8x96xi32, #tpu.memory_space<hbm>>
        %dma_wait3A_253 = tpu.memref_squeeze %dma_wait3A_252 : memref<1x1x8x96xi32, #tpu.memory_space<hbm>> -> memref<8x96xi32, #tpu.memory_space<hbm>>
        tpu.wait_dma2 semaphore(%run_scoped3A : memref<!tpu.dma_semaphore, #tpu.memory_space<semaphore_mem>>) src(%dma_wait3A_253 : memref<8x96xi32, #tpu.memory_space<hbm>>) dst(%arg8 : memref<8x96xi32, #tpu.memory_space<vmem>>)
        tpu.yield
      }) : () -> ()
      %dma_start3A = arith.constant 0 : i32
      %dma_start3A_20 = arith.constant 0 : i32
      %dma_start3A_21 = tpu.memref_slice %arg7[%dma_start3A, %dma_start3A_20] : memref<8x96xi32, #tpu.memory_space<vmem>> -> memref<1x96xi32, #tpu.memory_space<vmem>>
      %dma_start3A_22 = tpu.memref_squeeze %dma_start3A_21 : memref<1x96xi32, #tpu.memory_space<vmem>> -> memref<96xi32, #tpu.memory_space<vmem>>
      %dma_start3A_23 = arith.constant 0 : i32
      %dma_start3A_24 = arith.constant 0 : i32
      %dma_start3A_25 = tpu.memref_slice %arg2[%dma_start3A_23, %dma_start3A_24] : memref<10000x128xf32, #tpu.memory_space<hbm>> -> memref<10000x128xf32, #tpu.memory_space<hbm>>
      tpu.enqueue_indirect_dma source(%dma_start3A_25 : memref<10000x128xf32, #tpu.memory_space<hbm>>) target(%arg9 : memref<96x128xf32, #tpu.memory_space<vmem>>) offsets(%dma_start3A_22 : memref<96xi32, #tpu.memory_space<vmem>>) semaphore(%arg13 : memref<!tpu.dma_semaphore, #tpu.memory_space<semaphore_mem>>)
      %dma_start3A_26 = arith.constant 1 : i32
      %dma_start3A_27 = arith.constant 0 : i32
      %dma_start3A_28 = tpu.memref_slice %arg7[%dma_start3A_26, %dma_start3A_27] : memref<8x96xi32, #tpu.memory_space<vmem>> -> memref<1x96xi32, #tpu.memory_space<vmem>>
      %dma_start3A_29 = tpu.memref_squeeze %dma_start3A_28 : memref<1x96xi32, #tpu.memory_space<vmem>> -> memref<96xi32, #tpu.memory_space<vmem>>
      %dma_start3A_30 = arith.constant 0 : i32
      %dma_start3A_31 = arith.constant 0 : i32
      %dma_start3A_32 = tpu.memref_slice %arg2[%dma_start3A_30, %dma_start3A_31] : memref<10000x128xf32, #tpu.memory_space<hbm>> -> memref<10000x128xf32, #tpu.memory_space<hbm>>
      tpu.enqueue_indirect_dma source(%dma_start3A_32 : memref<10000x128xf32, #tpu.memory_space<hbm>>) target(%arg10 : memref<96x128xf32, #tpu.memory_space<vmem>>) offsets(%dma_start3A_29 : memref<96xi32, #tpu.memory_space<vmem>>) semaphore(%arg14 : memref<!tpu.dma_semaphore, #tpu.memory_space<semaphore_mem>>)
      %dma_wait3A = arith.constant 0 : i32
      %dma_wait3A_33 = arith.constant 0 : i32
      %dma_wait3A_34 = tpu.memref_slice %arg7[%dma_wait3A, %dma_wait3A_33] : memref<8x96xi32, #tpu.memory_space<vmem>> -> memref<1x96xi32, #tpu.memory_space<vmem>>
      %dma_wait3A_35 = tpu.memref_squeeze %dma_wait3A_34 : memref<1x96xi32, #tpu.memory_space<vmem>> -> memref<96xi32, #tpu.memory_space<vmem>>
      %dma_wait3A_36 = arith.constant 0 : i32
      %dma_wait3A_37 = arith.constant 0 : i32
      %dma_wait3A_38 = tpu.memref_slice %arg2[%dma_wait3A_36, %dma_wait3A_37] : memref<10000x128xf32, #tpu.memory_space<hbm>> -> memref<10000x128xf32, #tpu.memory_space<hbm>>
      tpu.wait_indirect_dma semaphore(%arg13 : memref<!tpu.dma_semaphore, #tpu.memory_space<semaphore_mem>>) src(%dma_wait3A_38 : memref<10000x128xf32, #tpu.memory_space<hbm>>) dst(%arg9 : memref<96x128xf32, #tpu.memory_space<vmem>>)
      %dma_start3A_39 = arith.constant 2 : i32
      %dma_start3A_40 = arith.constant 0 : i32
      %dma_start3A_41 = tpu.memref_slice %arg7[%dma_start3A_39, %dma_start3A_40] : memref<8x96xi32, #tpu.memory_space<vmem>> -> memref<1x96xi32, #tpu.memory_space<vmem>>
      %dma_start3A_42 = tpu.memref_squeeze %dma_start3A_41 : memref<1x96xi32, #tpu.memory_space<vmem>> -> memref<96xi32, #tpu.memory_space<vmem>>
      %dma_start3A_43 = arith.constant 0 : i32
      %dma_start3A_44 = arith.constant 0 : i32
      %dma_start3A_45 = tpu.memref_slice %arg2[%dma_start3A_43, %dma_start3A_44] : memref<10000x128xf32, #tpu.memory_space<hbm>> -> memref<10000x128xf32, #tpu.memory_space<hbm>>
      tpu.enqueue_indirect_dma source(%dma_start3A_45 : memref<10000x128xf32, #tpu.memory_space<hbm>>) target(%arg11 : memref<96x128xf32, #tpu.memory_space<vmem>>) offsets(%dma_start3A_42 : memref<96xi32, #tpu.memory_space<vmem>>) semaphore(%arg15 : memref<!tpu.dma_semaphore, #tpu.memory_space<semaphore_mem>>)
      %dma_start3A_46 = arith.constant 0 : i32
      %dma_start3A_47 = arith.constant 0 : i32
      %dma_start3A_48 = tpu.memref_slice %arg8[%dma_start3A_46, %dma_start3A_47] : memref<8x96xi32, #tpu.memory_space<vmem>> -> memref<1x96xi32, #tpu.memory_space<vmem>>
      %dma_start3A_49 = tpu.memref_squeeze %dma_start3A_48 : memref<1x96xi32, #tpu.memory_space<vmem>> -> memref<96xi32, #tpu.memory_space<vmem>>
      %dma_start3A_50 = arith.constant 0 : i32
      %dma_start3A_51 = arith.constant 0 : i32
      %dma_start3A_52 = tpu.memref_slice %arg12[%dma_start3A_50, %dma_start3A_51] : memref<10112x128xf32, #tpu.memory_space<vmem_shared>> -> memref<10112x128xf32, #tpu.memory_space<vmem_shared>>
      tpu.enqueue_indirect_dma source(%arg9 : memref<96x128xf32, #tpu.memory_space<vmem>>) target(%dma_start3A_52 : memref<10112x128xf32, #tpu.memory_space<vmem_shared>>) offsets(%dma_start3A_49 : memref<96xi32, #tpu.memory_space<vmem>>) semaphore(%arg16 : memref<!tpu.dma_semaphore, #tpu.memory_space<semaphore_mem>>) {add = true}
      %dma_wait3A_53 = arith.constant 1 : i32
      %dma_wait3A_54 = arith.constant 0 : i32
      %dma_wait3A_55 = tpu.memref_slice %arg7[%dma_wait3A_53, %dma_wait3A_54] : memref<8x96xi32, #tpu.memory_space<vmem>> -> memref<1x96xi32, #tpu.memory_space<vmem>>
      %dma_wait3A_56 = tpu.memref_squeeze %dma_wait3A_55 : memref<1x96xi32, #tpu.memory_space<vmem>> -> memref<96xi32, #tpu.memory_space<vmem>>
      %dma_wait3A_57 = arith.constant 0 : i32
      %dma_wait3A_58 = arith.constant 0 : i32
      %dma_wait3A_59 = tpu.memref_slice %arg2[%dma_wait3A_57, %dma_wait3A_58] : memref<10000x128xf32, #tpu.memory_space<hbm>> -> memref<10000x128xf32, #tpu.memory_space<hbm>>
      tpu.wait_indirect_dma semaphore(%arg14 : memref<!tpu.dma_semaphore, #tpu.memory_space<semaphore_mem>>) src(%dma_wait3A_59 : memref<10000x128xf32, #tpu.memory_space<hbm>>) dst(%arg10 : memref<96x128xf32, #tpu.memory_space<vmem>>)
      %dma_wait3A_60 = arith.constant 0 : i32
      %dma_wait3A_61 = arith.constant 0 : i32
      %dma_wait3A_62 = tpu.memref_slice %arg8[%dma_wait3A_60, %dma_wait3A_61] : memref<8x96xi32, #tpu.memory_space<vmem>> -> memref<1x96xi32, #tpu.memory_space<vmem>>
      %dma_wait3A_63 = tpu.memref_squeeze %dma_wait3A_62 : memref<1x96xi32, #tpu.memory_space<vmem>> -> memref<96xi32, #tpu.memory_space<vmem>>
      %dma_wait3A_64 = arith.constant 0 : i32
      %dma_wait3A_65 = arith.constant 0 : i32
      %dma_wait3A_66 = tpu.memref_slice %arg12[%dma_wait3A_64, %dma_wait3A_65] : memref<10112x128xf32, #tpu.memory_space<vmem_shared>> -> memref<10112x128xf32, #tpu.memory_space<vmem_shared>>
      tpu.wait_indirect_dma semaphore(%arg16 : memref<!tpu.dma_semaphore, #tpu.memory_space<semaphore_mem>>) src(%arg9 : memref<96x128xf32, #tpu.memory_space<vmem>>) dst(%dma_wait3A_66 : memref<10112x128xf32, #tpu.memory_space<vmem_shared>>)
      %dma_start3A_67 = arith.constant 3 : i32
      %dma_start3A_68 = arith.constant 0 : i32
      %dma_start3A_69 = tpu.memref_slice %arg7[%dma_start3A_67, %dma_start3A_68] : memref<8x96xi32, #tpu.memory_space<vmem>> -> memref<1x96xi32, #tpu.memory_space<vmem>>
      %dma_start3A_70 = tpu.memref_squeeze %dma_start3A_69 : memref<1x96xi32, #tpu.memory_space<vmem>> -> memref<96xi32, #tpu.memory_space<vmem>>
      %dma_start3A_71 = arith.constant 0 : i32
      %dma_start3A_72 = arith.constant 0 : i32
      %dma_start3A_73 = tpu.memref_slice %arg2[%dma_start3A_71, %dma_start3A_72] : memref<10000x128xf32, #tpu.memory_space<hbm>> -> memref<10000x128xf32, #tpu.memory_space<hbm>>
      tpu.enqueue_indirect_dma source(%dma_start3A_73 : memref<10000x128xf32, #tpu.memory_space<hbm>>) target(%arg9 : memref<96x128xf32, #tpu.memory_space<vmem>>) offsets(%dma_start3A_70 : memref<96xi32, #tpu.memory_space<vmem>>) semaphore(%arg13 : memref<!tpu.dma_semaphore, #tpu.memory_space<semaphore_mem>>)
      %dma_start3A_74 = arith.constant 1 : i32
      %dma_start3A_75 = arith.constant 0 : i32
      %dma_start3A_76 = tpu.memref_slice %arg8[%dma_start3A_74, %dma_start3A_75] : memref<8x96xi32, #tpu.memory_space<vmem>> -> memref<1x96xi32, #tpu.memory_space<vmem>>
      %dma_start3A_77 = tpu.memref_squeeze %dma_start3A_76 : memref<1x96xi32, #tpu.memory_space<vmem>> -> memref<96xi32, #tpu.memory_space<vmem>>
      %dma_start3A_78 = arith.constant 0 : i32
      %dma_start3A_79 = arith.constant 0 : i32
      %dma_start3A_80 = tpu.memref_slice %arg12[%dma_start3A_78, %dma_start3A_79] : memref<10112x128xf32, #tpu.memory_space<vmem_shared>> -> memref<10112x128xf32, #tpu.memory_space<vmem_shared>>
      tpu.enqueue_indirect_dma source(%arg10 : memref<96x128xf32, #tpu.memory_space<vmem>>) target(%dma_start3A_80 : memref<10112x128xf32, #tpu.memory_space<vmem_shared>>) offsets(%dma_start3A_77 : memref<96xi32, #tpu.memory_space<vmem>>) semaphore(%arg17 : memref<!tpu.dma_semaphore, #tpu.memory_space<semaphore_mem>>) {add = true}
      %dma_wait3A_81 = arith.constant 2 : i32
      %dma_wait3A_82 = arith.constant 0 : i32
      %dma_wait3A_83 = tpu.memref_slice %arg7[%dma_wait3A_81, %dma_wait3A_82] : memref<8x96xi32, #tpu.memory_space<vmem>> -> memref<1x96xi32, #tpu.memory_space<vmem>>
      %dma_wait3A_84 = tpu.memref_squeeze %dma_wait3A_83 : memref<1x96xi32, #tpu.memory_space<vmem>> -> memref<96xi32, #tpu.memory_space<vmem>>
      %dma_wait3A_85 = arith.constant 0 : i32
      %dma_wait3A_86 = arith.constant 0 : i32
      %dma_wait3A_87 = tpu.memref_slice %arg2[%dma_wait3A_85, %dma_wait3A_86] : memref<10000x128xf32, #tpu.memory_space<hbm>> -> memref<10000x128xf32, #tpu.memory_space<hbm>>
      tpu.wait_indirect_dma semaphore(%arg15 : memref<!tpu.dma_semaphore, #tpu.memory_space<semaphore_mem>>) src(%dma_wait3A_87 : memref<10000x128xf32, #tpu.memory_space<hbm>>) dst(%arg11 : memref<96x128xf32, #tpu.memory_space<vmem>>)
      %dma_wait3A_88 = arith.constant 1 : i32
      %dma_wait3A_89 = arith.constant 0 : i32
      %dma_wait3A_90 = tpu.memref_slice %arg8[%dma_wait3A_88, %dma_wait3A_89] : memref<8x96xi32, #tpu.memory_space<vmem>> -> memref<1x96xi32, #tpu.memory_space<vmem>>
      %dma_wait3A_91 = tpu.memref_squeeze %dma_wait3A_90 : memref<1x96xi32, #tpu.memory_space<vmem>> -> memref<96xi32, #tpu.memory_space<vmem>>
      %dma_wait3A_92 = arith.constant 0 : i32
      %dma_wait3A_93 = arith.constant 0 : i32
      %dma_wait3A_94 = tpu.memref_slice %arg12[%dma_wait3A_92, %dma_wait3A_93] : memref<10112x128xf32, #tpu.memory_space<vmem_shared>> -> memref<10112x128xf32, #tpu.memory_space<vmem_shared>>
      tpu.wait_indirect_dma semaphore(%arg17 : memref<!tpu.dma_semaphore, #tpu.memory_space<semaphore_mem>>) src(%arg10 : memref<96x128xf32, #tpu.memory_space<vmem>>) dst(%dma_wait3A_94 : memref<10112x128xf32, #tpu.memory_space<vmem_shared>>)
      %dma_start3A_95 = arith.constant 4 : i32
      %dma_start3A_96 = arith.constant 0 : i32
      %dma_start3A_97 = tpu.memref_slice %arg7[%dma_start3A_95, %dma_start3A_96] : memref<8x96xi32, #tpu.memory_space<vmem>> -> memref<1x96xi32, #tpu.memory_space<vmem>>
      %dma_start3A_98 = tpu.memref_squeeze %dma_start3A_97 : memref<1x96xi32, #tpu.memory_space<vmem>> -> memref<96xi32, #tpu.memory_space<vmem>>
      %dma_start3A_99 = arith.constant 0 : i32
      %dma_start3A_100 = arith.constant 0 : i32
      %dma_start3A_101 = tpu.memref_slice %arg2[%dma_start3A_99, %dma_start3A_100] : memref<10000x128xf32, #tpu.memory_space<hbm>> -> memref<10000x128xf32, #tpu.memory_space<hbm>>
      tpu.enqueue_indirect_dma source(%dma_start3A_101 : memref<10000x128xf32, #tpu.memory_space<hbm>>) target(%arg10 : memref<96x128xf32, #tpu.memory_space<vmem>>) offsets(%dma_start3A_98 : memref<96xi32, #tpu.memory_space<vmem>>) semaphore(%arg14 : memref<!tpu.dma_semaphore, #tpu.memory_space<semaphore_mem>>)
      %dma_start3A_102 = arith.constant 2 : i32
      %dma_start3A_103 = arith.constant 0 : i32
      %dma_start3A_104 = tpu.memref_slice %arg8[%dma_start3A_102, %dma_start3A_103] : memref<8x96xi32, #tpu.memory_space<vmem>> -> memref<1x96xi32, #tpu.memory_space<vmem>>
      %dma_start3A_105 = tpu.memref_squeeze %dma_start3A_104 : memref<1x96xi32, #tpu.memory_space<vmem>> -> memref<96xi32, #tpu.memory_space<vmem>>
      %dma_start3A_106 = arith.constant 0 : i32
      %dma_start3A_107 = arith.constant 0 : i32
      %dma_start3A_108 = tpu.memref_slice %arg12[%dma_start3A_106, %dma_start3A_107] : memref<10112x128xf32, #tpu.memory_space<vmem_shared>> -> memref<10112x128xf32, #tpu.memory_space<vmem_shared>>
      tpu.enqueue_indirect_dma source(%arg11 : memref<96x128xf32, #tpu.memory_space<vmem>>) target(%dma_start3A_108 : memref<10112x128xf32, #tpu.memory_space<vmem_shared>>) offsets(%dma_start3A_105 : memref<96xi32, #tpu.memory_space<vmem>>) semaphore(%arg18 : memref<!tpu.dma_semaphore, #tpu.memory_space<semaphore_mem>>) {add = true}
      %dma_wait3A_109 = arith.constant 3 : i32
      %dma_wait3A_110 = arith.constant 0 : i32
      %dma_wait3A_111 = tpu.memref_slice %arg7[%dma_wait3A_109, %dma_wait3A_110] : memref<8x96xi32, #tpu.memory_space<vmem>> -> memref<1x96xi32, #tpu.memory_space<vmem>>
      %dma_wait3A_112 = tpu.memref_squeeze %dma_wait3A_111 : memref<1x96xi32, #tpu.memory_space<vmem>> -> memref<96xi32, #tpu.memory_space<vmem>>
      %dma_wait3A_113 = arith.constant 0 : i32
      %dma_wait3A_114 = arith.constant 0 : i32
      %dma_wait3A_115 = tpu.memref_slice %arg2[%dma_wait3A_113, %dma_wait3A_114] : memref<10000x128xf32, #tpu.memory_space<hbm>> -> memref<10000x128xf32, #tpu.memory_space<hbm>>
      tpu.wait_indirect_dma semaphore(%arg13 : memref<!tpu.dma_semaphore, #tpu.memory_space<semaphore_mem>>) src(%dma_wait3A_115 : memref<10000x128xf32, #tpu.memory_space<hbm>>) dst(%arg9 : memref<96x128xf32, #tpu.memory_space<vmem>>)
      %dma_wait3A_116 = arith.constant 2 : i32
      %dma_wait3A_117 = arith.constant 0 : i32
      %dma_wait3A_118 = tpu.memref_slice %arg8[%dma_wait3A_116, %dma_wait3A_117] : memref<8x96xi32, #tpu.memory_space<vmem>> -> memref<1x96xi32, #tpu.memory_space<vmem>>
      %dma_wait3A_119 = tpu.memref_squeeze %dma_wait3A_118 : memref<1x96xi32, #tpu.memory_space<vmem>> -> memref<96xi32, #tpu.memory_space<vmem>>
      %dma_wait3A_120 = arith.constant 0 : i32
      %dma_wait3A_121 = arith.constant 0 : i32
      %dma_wait3A_122 = tpu.memref_slice %arg12[%dma_wait3A_120, %dma_wait3A_121] : memref<10112x128xf32, #tpu.memory_space<vmem_shared>> -> memref<10112x128xf32, #tpu.memory_space<vmem_shared>>
      tpu.wait_indirect_dma semaphore(%arg18 : memref<!tpu.dma_semaphore, #tpu.memory_space<semaphore_mem>>) src(%arg11 : memref<96x128xf32, #tpu.memory_space<vmem>>) dst(%dma_wait3A_122 : memref<10112x128xf32, #tpu.memory_space<vmem_shared>>)
      %dma_start3A_123 = arith.constant 5 : i32
      %dma_start3A_124 = arith.constant 0 : i32
      %dma_start3A_125 = tpu.memref_slice %arg7[%dma_start3A_123, %dma_start3A_124] : memref<8x96xi32, #tpu.memory_space<vmem>> -> memref<1x96xi32, #tpu.memory_space<vmem>>
      %dma_start3A_126 = tpu.memref_squeeze %dma_start3A_125 : memref<1x96xi32, #tpu.memory_space<vmem>> -> memref<96xi32, #tpu.memory_space<vmem>>
      %dma_start3A_127 = arith.constant 0 : i32
      %dma_start3A_128 = arith.constant 0 : i32
      %dma_start3A_129 = tpu.memref_slice %arg2[%dma_start3A_127, %dma_start3A_128] : memref<10000x128xf32, #tpu.memory_space<hbm>> -> memref<10000x128xf32, #tpu.memory_space<hbm>>
      tpu.enqueue_indirect_dma source(%dma_start3A_129 : memref<10000x128xf32, #tpu.memory_space<hbm>>) target(%arg11 : memref<96x128xf32, #tpu.memory_space<vmem>>) offsets(%dma_start3A_126 : memref<96xi32, #tpu.memory_space<vmem>>) semaphore(%arg15 : memref<!tpu.dma_semaphore, #tpu.memory_space<semaphore_mem>>)
      %dma_start3A_130 = arith.constant 3 : i32
      %dma_start3A_131 = arith.constant 0 : i32
      %dma_start3A_132 = tpu.memref_slice %arg8[%dma_start3A_130, %dma_start3A_131] : memref<8x96xi32, #tpu.memory_space<vmem>> -> memref<1x96xi32, #tpu.memory_space<vmem>>
      %dma_start3A_133 = tpu.memref_squeeze %dma_start3A_132 : memref<1x96xi32, #tpu.memory_space<vmem>> -> memref<96xi32, #tpu.memory_space<vmem>>
      %dma_start3A_134 = arith.constant 0 : i32
      %dma_start3A_135 = arith.constant 0 : i32
      %dma_start3A_136 = tpu.memref_slice %arg12[%dma_start3A_134, %dma_start3A_135] : memref<10112x128xf32, #tpu.memory_space<vmem_shared>> -> memref<10112x128xf32, #tpu.memory_space<vmem_shared>>
      tpu.enqueue_indirect_dma source(%arg9 : memref<96x128xf32, #tpu.memory_space<vmem>>) target(%dma_start3A_136 : memref<10112x128xf32, #tpu.memory_space<vmem_shared>>) offsets(%dma_start3A_133 : memref<96xi32, #tpu.memory_space<vmem>>) semaphore(%arg16 : memref<!tpu.dma_semaphore, #tpu.memory_space<semaphore_mem>>) {add = true}
      %dma_wait3A_137 = arith.constant 4 : i32
      %dma_wait3A_138 = arith.constant 0 : i32
      %dma_wait3A_139 = tpu.memref_slice %arg7[%dma_wait3A_137, %dma_wait3A_138] : memref<8x96xi32, #tpu.memory_space<vmem>> -> memref<1x96xi32, #tpu.memory_space<vmem>>
      %dma_wait3A_140 = tpu.memref_squeeze %dma_wait3A_139 : memref<1x96xi32, #tpu.memory_space<vmem>> -> memref<96xi32, #tpu.memory_space<vmem>>
      %dma_wait3A_141 = arith.constant 0 : i32
      %dma_wait3A_142 = arith.constant 0 : i32
      %dma_wait3A_143 = tpu.memref_slice %arg2[%dma_wait3A_141, %dma_wait3A_142] : memref<10000x128xf32, #tpu.memory_space<hbm>> -> memref<10000x128xf32, #tpu.memory_space<hbm>>
      tpu.wait_indirect_dma semaphore(%arg14 : memref<!tpu.dma_semaphore, #tpu.memory_space<semaphore_mem>>) src(%dma_wait3A_143 : memref<10000x128xf32, #tpu.memory_space<hbm>>) dst(%arg10 : memref<96x128xf32, #tpu.memory_space<vmem>>)
      %dma_wait3A_144 = arith.constant 3 : i32
      %dma_wait3A_145 = arith.constant 0 : i32
      %dma_wait3A_146 = tpu.memref_slice %arg8[%dma_wait3A_144, %dma_wait3A_145] : memref<8x96xi32, #tpu.memory_space<vmem>> -> memref<1x96xi32, #tpu.memory_space<vmem>>
      %dma_wait3A_147 = tpu.memref_squeeze %dma_wait3A_146 : memref<1x96xi32, #tpu.memory_space<vmem>> -> memref<96xi32, #tpu.memory_space<vmem>>
      %dma_wait3A_148 = arith.constant 0 : i32
      %dma_wait3A_149 = arith.constant 0 : i32
      %dma_wait3A_150 = tpu.memref_slice %arg12[%dma_wait3A_148, %dma_wait3A_149] : memref<10112x128xf32, #tpu.memory_space<vmem_shared>> -> memref<10112x128xf32, #tpu.memory_space<vmem_shared>>
      tpu.wait_indirect_dma semaphore(%arg16 : memref<!tpu.dma_semaphore, #tpu.memory_space<semaphore_mem>>) src(%arg9 : memref<96x128xf32, #tpu.memory_space<vmem>>) dst(%dma_wait3A_150 : memref<10112x128xf32, #tpu.memory_space<vmem_shared>>)
      %dma_start3A_151 = arith.constant 6 : i32
      %dma_start3A_152 = arith.constant 0 : i32
      %dma_start3A_153 = tpu.memref_slice %arg7[%dma_start3A_151, %dma_start3A_152] : memref<8x96xi32, #tpu.memory_space<vmem>> -> memref<1x96xi32, #tpu.memory_space<vmem>>
      %dma_start3A_154 = tpu.memref_squeeze %dma_start3A_153 : memref<1x96xi32, #tpu.memory_space<vmem>> -> memref<96xi32, #tpu.memory_space<vmem>>
      %dma_start3A_155 = arith.constant 0 : i32
      %dma_start3A_156 = arith.constant 0 : i32
      %dma_start3A_157 = tpu.memref_slice %arg2[%dma_start3A_155, %dma_start3A_156] : memref<10000x128xf32, #tpu.memory_space<hbm>> -> memref<10000x128xf32, #tpu.memory_space<hbm>>
      tpu.enqueue_indirect_dma source(%dma_start3A_157 : memref<10000x128xf32, #tpu.memory_space<hbm>>) target(%arg9 : memref<96x128xf32, #tpu.memory_space<vmem>>) offsets(%dma_start3A_154 : memref<96xi32, #tpu.memory_space<vmem>>) semaphore(%arg13 : memref<!tpu.dma_semaphore, #tpu.memory_space<semaphore_mem>>)
      %dma_start3A_158 = arith.constant 4 : i32
      %dma_start3A_159 = arith.constant 0 : i32
      %dma_start3A_160 = tpu.memref_slice %arg8[%dma_start3A_158, %dma_start3A_159] : memref<8x96xi32, #tpu.memory_space<vmem>> -> memref<1x96xi32, #tpu.memory_space<vmem>>
      %dma_start3A_161 = tpu.memref_squeeze %dma_start3A_160 : memref<1x96xi32, #tpu.memory_space<vmem>> -> memref<96xi32, #tpu.memory_space<vmem>>
      %dma_start3A_162 = arith.constant 0 : i32
      %dma_start3A_163 = arith.constant 0 : i32
      %dma_start3A_164 = tpu.memref_slice %arg12[%dma_start3A_162, %dma_start3A_163] : memref<10112x128xf32, #tpu.memory_space<vmem_shared>> -> memref<10112x128xf32, #tpu.memory_space<vmem_shared>>
      tpu.enqueue_indirect_dma source(%arg10 : memref<96x128xf32, #tpu.memory_space<vmem>>) target(%dma_start3A_164 : memref<10112x128xf32, #tpu.memory_space<vmem_shared>>) offsets(%dma_start3A_161 : memref<96xi32, #tpu.memory_space<vmem>>) semaphore(%arg17 : memref<!tpu.dma_semaphore, #tpu.memory_space<semaphore_mem>>) {add = true}
      %dma_wait3A_165 = arith.constant 5 : i32
      %dma_wait3A_166 = arith.constant 0 : i32
      %dma_wait3A_167 = tpu.memref_slice %arg7[%dma_wait3A_165, %dma_wait3A_166] : memref<8x96xi32, #tpu.memory_space<vmem>> -> memref<1x96xi32, #tpu.memory_space<vmem>>
      %dma_wait3A_168 = tpu.memref_squeeze %dma_wait3A_167 : memref<1x96xi32, #tpu.memory_space<vmem>> -> memref<96xi32, #tpu.memory_space<vmem>>
      %dma_wait3A_169 = arith.constant 0 : i32
      %dma_wait3A_170 = arith.constant 0 : i32
      %dma_wait3A_171 = tpu.memref_slice %arg2[%dma_wait3A_169, %dma_wait3A_170] : memref<10000x128xf32, #tpu.memory_space<hbm>> -> memref<10000x128xf32, #tpu.memory_space<hbm>>
      tpu.wait_indirect_dma semaphore(%arg15 : memref<!tpu.dma_semaphore, #tpu.memory_space<semaphore_mem>>) src(%dma_wait3A_171 : memref<10000x128xf32, #tpu.memory_space<hbm>>) dst(%arg11 : memref<96x128xf32, #tpu.memory_space<vmem>>)
      %dma_wait3A_172 = arith.constant 4 : i32
      %dma_wait3A_173 = arith.constant 0 : i32
      %dma_wait3A_174 = tpu.memref_slice %arg8[%dma_wait3A_172, %dma_wait3A_173] : memref<8x96xi32, #tpu.memory_space<vmem>> -> memref<1x96xi32, #tpu.memory_space<vmem>>
      %dma_wait3A_175 = tpu.memref_squeeze %dma_wait3A_174 : memref<1x96xi32, #tpu.memory_space<vmem>> -> memref<96xi32, #tpu.memory_space<vmem>>
      %dma_wait3A_176 = arith.constant 0 : i32
      %dma_wait3A_177 = arith.constant 0 : i32
      %dma_wait3A_178 = tpu.memref_slice %arg12[%dma_wait3A_176, %dma_wait3A_177] : memref<10112x128xf32, #tpu.memory_space<vmem_shared>> -> memref<10112x128xf32, #tpu.memory_space<vmem_shared>>
      tpu.wait_indirect_dma semaphore(%arg17 : memref<!tpu.dma_semaphore, #tpu.memory_space<semaphore_mem>>) src(%arg10 : memref<96x128xf32, #tpu.memory_space<vmem>>) dst(%dma_wait3A_178 : memref<10112x128xf32, #tpu.memory_space<vmem_shared>>)
      %dma_start3A_179 = arith.constant 7 : i32
      %dma_start3A_180 = arith.constant 0 : i32
      %dma_start3A_181 = tpu.memref_slice %arg7[%dma_start3A_179, %dma_start3A_180] : memref<8x96xi32, #tpu.memory_space<vmem>> -> memref<1x96xi32, #tpu.memory_space<vmem>>
      %dma_start3A_182 = tpu.memref_squeeze %dma_start3A_181 : memref<1x96xi32, #tpu.memory_space<vmem>> -> memref<96xi32, #tpu.memory_space<vmem>>
      %dma_start3A_183 = arith.constant 0 : i32
      %dma_start3A_184 = arith.constant 0 : i32
      %dma_start3A_185 = tpu.memref_slice %arg2[%dma_start3A_183, %dma_start3A_184] : memref<10000x128xf32, #tpu.memory_space<hbm>> -> memref<10000x128xf32, #tpu.memory_space<hbm>>
      tpu.enqueue_indirect_dma source(%dma_start3A_185 : memref<10000x128xf32, #tpu.memory_space<hbm>>) target(%arg10 : memref<96x128xf32, #tpu.memory_space<vmem>>) offsets(%dma_start3A_182 : memref<96xi32, #tpu.memory_space<vmem>>) semaphore(%arg14 : memref<!tpu.dma_semaphore, #tpu.memory_space<semaphore_mem>>)
      %dma_start3A_186 = arith.constant 5 : i32
      %dma_start3A_187 = arith.constant 0 : i32
      %dma_start3A_188 = tpu.memref_slice %arg8[%dma_start3A_186, %dma_start3A_187] : memref<8x96xi32, #tpu.memory_space<vmem>> -> memref<1x96xi32, #tpu.memory_space<vmem>>
      %dma_start3A_189 = tpu.memref_squeeze %dma_start3A_188 : memref<1x96xi32, #tpu.memory_space<vmem>> -> memref<96xi32, #tpu.memory_space<vmem>>
      %dma_start3A_190 = arith.constant 0 : i32
      %dma_start3A_191 = arith.constant 0 : i32
      %dma_start3A_192 = tpu.memref_slice %arg12[%dma_start3A_190, %dma_start3A_191] : memref<10112x128xf32, #tpu.memory_space<vmem_shared>> -> memref<10112x128xf32, #tpu.memory_space<vmem_shared>>
      tpu.enqueue_indirect_dma source(%arg11 : memref<96x128xf32, #tpu.memory_space<vmem>>) target(%dma_start3A_192 : memref<10112x128xf32, #tpu.memory_space<vmem_shared>>) offsets(%dma_start3A_189 : memref<96xi32, #tpu.memory_space<vmem>>) semaphore(%arg18 : memref<!tpu.dma_semaphore, #tpu.memory_space<semaphore_mem>>) {add = true}
      %dma_wait3A_193 = arith.constant 6 : i32
      %dma_wait3A_194 = arith.constant 0 : i32
      %dma_wait3A_195 = tpu.memref_slice %arg7[%dma_wait3A_193, %dma_wait3A_194] : memref<8x96xi32, #tpu.memory_space<vmem>> -> memref<1x96xi32, #tpu.memory_space<vmem>>
      %dma_wait3A_196 = tpu.memref_squeeze %dma_wait3A_195 : memref<1x96xi32, #tpu.memory_space<vmem>> -> memref<96xi32, #tpu.memory_space<vmem>>
      %dma_wait3A_197 = arith.constant 0 : i32
      %dma_wait3A_198 = arith.constant 0 : i32
      %dma_wait3A_199 = tpu.memref_slice %arg2[%dma_wait3A_197, %dma_wait3A_198] : memref<10000x128xf32, #tpu.memory_space<hbm>> -> memref<10000x128xf32, #tpu.memory_space<hbm>>
      tpu.wait_indirect_dma semaphore(%arg13 : memref<!tpu.dma_semaphore, #tpu.memory_space<semaphore_mem>>) src(%dma_wait3A_199 : memref<10000x128xf32, #tpu.memory_space<hbm>>) dst(%arg9 : memref<96x128xf32, #tpu.memory_space<vmem>>)
      %dma_start3A_200 = arith.constant 6 : i32
      %dma_start3A_201 = arith.constant 0 : i32
      %dma_start3A_202 = tpu.memref_slice %arg8[%dma_start3A_200, %dma_start3A_201] : memref<8x96xi32, #tpu.memory_space<vmem>> -> memref<1x96xi32, #tpu.memory_space<vmem>>
      %dma_start3A_203 = tpu.memref_squeeze %dma_start3A_202 : memref<1x96xi32, #tpu.memory_space<vmem>> -> memref<96xi32, #tpu.memory_space<vmem>>
      %dma_start3A_204 = arith.constant 0 : i32
      %dma_start3A_205 = arith.constant 0 : i32
      %dma_start3A_206 = tpu.memref_slice %arg12[%dma_start3A_204, %dma_start3A_205] : memref<10112x128xf32, #tpu.memory_space<vmem_shared>> -> memref<10112x128xf32, #tpu.memory_space<vmem_shared>>
      tpu.enqueue_indirect_dma source(%arg9 : memref<96x128xf32, #tpu.memory_space<vmem>>) target(%dma_start3A_206 : memref<10112x128xf32, #tpu.memory_space<vmem_shared>>) offsets(%dma_start3A_203 : memref<96xi32, #tpu.memory_space<vmem>>) semaphore(%arg16 : memref<!tpu.dma_semaphore, #tpu.memory_space<semaphore_mem>>) {add = true}
      %dma_wait3A_207 = arith.constant 7 : i32
      %dma_wait3A_208 = arith.constant 0 : i32
      %dma_wait3A_209 = tpu.memref_slice %arg7[%dma_wait3A_207, %dma_wait3A_208] : memref<8x96xi32, #tpu.memory_space<vmem>> -> memref<1x96xi32, #tpu.memory_space<vmem>>
      %dma_wait3A_210 = tpu.memref_squeeze %dma_wait3A_209 : memref<1x96xi32, #tpu.memory_space<vmem>> -> memref<96xi32, #tpu.memory_space<vmem>>
      %dma_wait3A_211 = arith.constant 0 : i32
      %dma_wait3A_212 = arith.constant 0 : i32
      %dma_wait3A_213 = tpu.memref_slice %arg2[%dma_wait3A_211, %dma_wait3A_212] : memref<10000x128xf32, #tpu.memory_space<hbm>> -> memref<10000x128xf32, #tpu.memory_space<hbm>>
      tpu.wait_indirect_dma semaphore(%arg14 : memref<!tpu.dma_semaphore, #tpu.memory_space<semaphore_mem>>) src(%dma_wait3A_213 : memref<10000x128xf32, #tpu.memory_space<hbm>>) dst(%arg10 : memref<96x128xf32, #tpu.memory_space<vmem>>)
      %dma_start3A_214 = arith.constant 7 : i32
      %dma_start3A_215 = arith.constant 0 : i32
      %dma_start3A_216 = tpu.memref_slice %arg8[%dma_start3A_214, %dma_start3A_215] : memref<8x96xi32, #tpu.memory_space<vmem>> -> memref<1x96xi32, #tpu.memory_space<vmem>>
      %dma_start3A_217 = tpu.memref_squeeze %dma_start3A_216 : memref<1x96xi32, #tpu.memory_space<vmem>> -> memref<96xi32, #tpu.memory_space<vmem>>
      %dma_start3A_218 = arith.constant 0 : i32
      %dma_start3A_219 = arith.constant 0 : i32
      %dma_start3A_220 = tpu.memref_slice %arg12[%dma_start3A_218, %dma_start3A_219] : memref<10112x128xf32, #tpu.memory_space<vmem_shared>> -> memref<10112x128xf32, #tpu.memory_space<vmem_shared>>
      tpu.enqueue_indirect_dma source(%arg10 : memref<96x128xf32, #tpu.memory_space<vmem>>) target(%dma_start3A_220 : memref<10112x128xf32, #tpu.memory_space<vmem_shared>>) offsets(%dma_start3A_217 : memref<96xi32, #tpu.memory_space<vmem>>) semaphore(%arg17 : memref<!tpu.dma_semaphore, #tpu.memory_space<semaphore_mem>>) {add = true}
      %dma_wait3A_221 = arith.constant 5 : i32
      %dma_wait3A_222 = arith.constant 0 : i32
      %dma_wait3A_223 = tpu.memref_slice %arg8[%dma_wait3A_221, %dma_wait3A_222] : memref<8x96xi32, #tpu.memory_space<vmem>> -> memref<1x96xi32, #tpu.memory_space<vmem>>
      %dma_wait3A_224 = tpu.memref_squeeze %dma_wait3A_223 : memref<1x96xi32, #tpu.memory_space<vmem>> -> memref<96xi32, #tpu.memory_space<vmem>>
      %dma_wait3A_225 = arith.constant 0 : i32
      %dma_wait3A_226 = arith.constant 0 : i32
      %dma_wait3A_227 = tpu.memref_slice %arg12[%dma_wait3A_225, %dma_wait3A_226] : memref<10112x128xf32, #tpu.memory_space<vmem_shared>> -> memref<10112x128xf32, #tpu.memory_space<vmem_shared>>
      tpu.wait_indirect_dma semaphore(%arg18 : memref<!tpu.dma_semaphore, #tpu.memory_space<semaphore_mem>>) src(%arg11 : memref<96x128xf32, #tpu.memory_space<vmem>>) dst(%dma_wait3A_227 : memref<10112x128xf32, #tpu.memory_space<vmem_shared>>)
      %dma_wait3A_228 = arith.constant 6 : i32
      %dma_wait3A_229 = arith.constant 0 : i32
      %dma_wait3A_230 = tpu.memref_slice %arg8[%dma_wait3A_228, %dma_wait3A_229] : memref<8x96xi32, #tpu.memory_space<vmem>> -> memref<1x96xi32, #tpu.memory_space<vmem>>
      %dma_wait3A_231 = tpu.memref_squeeze %dma_wait3A_230 : memref<1x96xi32, #tpu.memory_space<vmem>> -> memref<96xi32, #tpu.memory_space<vmem>>
      %dma_wait3A_232 = arith.constant 0 : i32
      %dma_wait3A_233 = arith.constant 0 : i32
      %dma_wait3A_234 = tpu.memref_slice %arg12[%dma_wait3A_232, %dma_wait3A_233] : memref<10112x128xf32, #tpu.memory_space<vmem_shared>> -> memref<10112x128xf32, #tpu.memory_space<vmem_shared>>
      tpu.wait_indirect_dma semaphore(%arg16 : memref<!tpu.dma_semaphore, #tpu.memory_space<semaphore_mem>>) src(%arg9 : memref<96x128xf32, #tpu.memory_space<vmem>>) dst(%dma_wait3A_234 : memref<10112x128xf32, #tpu.memory_space<vmem_shared>>)
      %dma_wait3A_235 = arith.constant 7 : i32
      %dma_wait3A_236 = arith.constant 0 : i32
      %dma_wait3A_237 = tpu.memref_slice %arg8[%dma_wait3A_235, %dma_wait3A_236] : memref<8x96xi32, #tpu.memory_space<vmem>> -> memref<1x96xi32, #tpu.memory_space<vmem>>
      %dma_wait3A_238 = tpu.memref_squeeze %dma_wait3A_237 : memref<1x96xi32, #tpu.memory_space<vmem>> -> memref<96xi32, #tpu.memory_space<vmem>>
      %dma_wait3A_239 = arith.constant 0 : i32
      %dma_wait3A_240 = arith.constant 0 : i32
      %dma_wait3A_241 = tpu.memref_slice %arg12[%dma_wait3A_239, %dma_wait3A_240] : memref<10112x128xf32, #tpu.memory_space<vmem_shared>> -> memref<10112x128xf32, #tpu.memory_space<vmem_shared>>
      tpu.wait_indirect_dma semaphore(%arg17 : memref<!tpu.dma_semaphore, #tpu.memory_space<semaphore_mem>>) src(%arg10 : memref<96x128xf32, #tpu.memory_space<vmem>>) dst(%dma_wait3A_241 : memref<10112x128xf32, #tpu.memory_space<vmem_shared>>)
    }
    %barrier3A_12 = arith.constant 0 : index
    tpu.barrier barrier_id(%barrier3A_12)
    %mul3A_13 = arith.constant 632 : i32
    %mul3A_14 = arith.muli %arg1, %mul3A_13 : i32
    "tpu.region"() ({
      %run_scoped3A = tpu.sem_alloc : memref<!tpu.dma_semaphore, #tpu.memory_space<semaphore_mem>>
      %dma_start3A = arith.constant 0 : i32
      %dma_start3A_15 = arith.constant 0 : i32
      %dma_start3A_16 = tpu.memref_slice %arg6[%arg0, %arg1, %dma_start3A, %dma_start3A_15] : memref<2x16x632x128xf32, #tpu.memory_space<hbm>> -> memref<1x1x632x128xf32, #tpu.memory_space<hbm>>
      %dma_start3A_17 = tpu.memref_squeeze %dma_start3A_16 : memref<1x1x632x128xf32, #tpu.memory_space<hbm>> -> memref<632x128xf32, #tpu.memory_space<hbm>>
      %dma_start3A_18 = arith.constant 0 : i32
      %dma_start3A_19 = tpu.memref_slice %arg12[%mul3A_14, %dma_start3A_18] : memref<10112x128xf32, #tpu.memory_space<vmem_shared>> -> memref<632x128xf32, #tpu.memory_space<vmem_shared>>
      tpu.enqueue_dma source(%dma_start3A_19 : memref<632x128xf32, #tpu.memory_space<vmem_shared>>) target(%dma_start3A_17 : memref<632x128xf32, #tpu.memory_space<hbm>>) target_semaphore(%run_scoped3A : memref<!tpu.dma_semaphore, #tpu.memory_space<semaphore_mem>>)
      %dma_wait3A = arith.constant 0 : i32
      %dma_wait3A_20 = arith.constant 0 : i32
      %dma_wait3A_21 = tpu.memref_slice %arg6[%arg0, %arg1, %dma_wait3A, %dma_wait3A_20] : memref<2x16x632x128xf32, #tpu.memory_space<hbm>> -> memref<1x1x632x128xf32, #tpu.memory_space<hbm>>
      %dma_wait3A_22 = tpu.memref_squeeze %dma_wait3A_21 : memref<1x1x632x128xf32, #tpu.memory_space<hbm>> -> memref<632x128xf32, #tpu.memory_space<hbm>>
      %dma_wait3A_23 = arith.constant 0 : i32
      %dma_wait3A_24 = tpu.memref_slice %arg12[%mul3A_14, %dma_wait3A_23] : memref<10112x128xf32, #tpu.memory_space<vmem_shared>> -> memref<632x128xf32, #tpu.memory_space<vmem_shared>>
      tpu.wait_dma2 semaphore(%run_scoped3A : memref<!tpu.dma_semaphore, #tpu.memory_space<semaphore_mem>>) src(%dma_wait3A_24 : memref<632x128xf32, #tpu.memory_space<vmem_shared>>) dst(%dma_wait3A_22 : memref<632x128xf32, #tpu.memory_space<hbm>>)
      tpu.yield
    }) : () -> ()
    return
  }
}

module attributes {stable_mosaic.version = 14 : i64} {
  func.func @_mm_body(%arg0: memref<10000x128xf32, #tpu.memory_space<vmem>>, %arg1: memref<128x128xf32, #tpu.memory_space<vmem>>, %arg2: memref<10000x128xf32, #tpu.memory_space<vmem>>) attributes {dimension_semantics = [], scalar_prefetch = 0 : i64, scratch_operands = 0 : i64, tpu.core_type = #tpu.core_type<tc>} {
    %get3A = arith.constant 0 : index
    %get3A_0 = arith.constant 0 : index
    %get3A_1 = vector.load %arg0[%get3A, %get3A_0] : memref<10000x128xf32, #tpu.memory_space<vmem>>, vector<10000x128xf32>
    %get3A_2 = arith.constant 0 : index
    %get3A_3 = arith.constant 0 : index
    %get3A_4 = vector.load %arg1[%get3A_2, %get3A_3] : memref<128x128xf32, #tpu.memory_space<vmem>>, vector<128x128xf32>
    %dot_general3A = arith.constant dense<0.000000e+00> : vector<10000x128xf32>
    %dot_general3A_5 = tpu.matmul %get3A_1, %get3A_4, %dot_general3A {dimension_numbers = #tpu.dot_dimension_numbers<[1], [0], [0], [1], [0, 0, 1, 1], [], []>, transpose_lhs_hint = false} : vector<10000x128xf32>, vector<128x128xf32>, vector<10000x128xf32> -> vector<10000x128xf32>
    %swap3A = arith.constant 0 : index
    %swap3A_6 = arith.constant 0 : index
    %swap3A_7 = vector.load %arg2[%swap3A, %swap3A_6] : memref<10000x128xf32, #tpu.memory_space<vmem>>, vector<10000x128xf32>
    tpu.vector_store %arg2[%swap3A, %swap3A_6], %dot_general3A_5 {strides = array<i32>} : memref<10000x128xf32, #tpu.memory_space<vmem>>, vector<10000x128xf32>,
    return
  }
}

module attributes {stable_mosaic.version = 14 : i64} {
  func.func @_scale_body(%arg0: memref<10000x128xf32, #tpu.memory_space<vmem>>, %arg1: memref<10000x128xf32, #tpu.memory_space<vmem>>, %arg2: memref<10000x128xf32, #tpu.memory_space<vmem>>, %arg3: memref<10000x1xf32, #tpu.memory_space<vmem>>, %arg4: memref<10000x128xf32, #tpu.memory_space<vmem>>) attributes {dimension_semantics = [], scalar_prefetch = 0 : i64, scratch_operands = 0 : i64, tpu.core_type = #tpu.core_type<tc>} {
    %get3A = arith.constant 0 : index
    %get3A_0 = arith.constant 0 : index
    %get3A_1 = vector.load %arg0[%get3A, %get3A_0] : memref<10000x128xf32, #tpu.memory_space<vmem>>, vector<10000x1xf32>
    %get3A_2 = arith.constant 0 : index
    %get3A_3 = arith.constant 0 : index
    %get3A_4 = vector.load %arg1[%get3A_2, %get3A_3] : memref<10000x128xf32, #tpu.memory_space<vmem>>, vector<10000x1xf32>
    %add3A = arith.addf %get3A_1, %get3A_4 : vector<10000x1xf32>
    %add3A_5 = arith.constant 1.000000e+00 : f32
    %add3A_6 = vector.broadcast %add3A_5 : f32 to vector<10000x1xf32>
    %add3A_7 = arith.addf %add3A, %add3A_6 : vector<10000x1xf32>
    %rsqrt3A = math.rsqrt %add3A_7 : vector<10000x1xf32>
    %swap3A = arith.constant 0 : index
    %swap3A_8 = arith.constant 0 : index
    %swap3A_9 = vector.load %arg3[%swap3A, %swap3A_8] : memref<10000x1xf32, #tpu.memory_space<vmem>>, vector<10000x1xf32>
    tpu.vector_store %arg3[%swap3A, %swap3A_8], %rsqrt3A {strides = array<i32>} : memref<10000x1xf32, #tpu.memory_space<vmem>>, vector<10000x1xf32>,
    %get3A_10 = arith.constant 0 : index
    %get3A_11 = arith.constant 0 : index
    %get3A_12 = vector.load %arg2[%get3A_10, %get3A_11] : memref<10000x128xf32, #tpu.memory_space<vmem>>, vector<10000x128xf32>
    %mul3A = vector.broadcast %rsqrt3A : vector<10000x1xf32> to vector<10000x128xf32>
    %mul3A_13 = arith.mulf %mul3A, %get3A_12 : vector<10000x128xf32>
    %swap3A_14 = arith.constant 0 : index
    %swap3A_15 = arith.constant 0 : index
    %swap3A_16 = vector.load %arg4[%swap3A_14, %swap3A_15] : memref<10000x128xf32, #tpu.memory_space<vmem>>, vector<10000x128xf32>
    tpu.vector_store %arg4[%swap3A_14, %swap3A_15], %mul3A_13 {strides = array<i32>} : memref<10000x128xf32, #tpu.memory_space<vmem>>, vector<10000x128xf32>,
    return
  }
}

module attributes {stable_mosaic.version = 14 : i64} {
  func.func @_mid_body(%arg0: memref<10000x128xf32, #tpu.memory_space<vmem>>, %arg1: memref<10000x128xf32, #tpu.memory_space<vmem>>, %arg2: memref<10000x128xf32, #tpu.memory_space<vmem>>, %arg3: memref<10000x1xf32, #tpu.memory_space<vmem>>, %arg4: memref<128x128xf32, #tpu.memory_space<vmem>>, %arg5: memref<128xf32, #tpu.memory_space<vmem>>, %arg6: memref<10000x128xf32, #tpu.memory_space<vmem>>) attributes {dimension_semantics = [], scalar_prefetch = 0 : i64, scratch_operands = 0 : i64, tpu.core_type = #tpu.core_type<tc>} {
    %get3A = arith.constant 0 : index
    %get3A_0 = arith.constant 0 : index
    %get3A_1 = vector.load %arg0[%get3A, %get3A_0] : memref<10000x128xf32, #tpu.memory_space<vmem>>, vector<10000x128xf32>
    %get3A_2 = arith.constant 0 : index
    %get3A_3 = arith.constant 0 : index
    %get3A_4 = vector.load %arg1[%get3A_2, %get3A_3] : memref<10000x128xf32, #tpu.memory_space<vmem>>, vector<10000x128xf32>
    %add3A = arith.addf %get3A_1, %get3A_4 : vector<10000x128xf32>
    %get3A_5 = arith.constant 0 : index
    %get3A_6 = arith.constant 0 : index
    %get3A_7 = vector.load %arg2[%get3A_5, %get3A_6] : memref<10000x128xf32, #tpu.memory_space<vmem>>, vector<10000x128xf32>
    %add3A_8 = arith.addf %add3A, %get3A_7 : vector<10000x128xf32>
    %get3A_9 = arith.constant 0 : index
    %get3A_10 = arith.constant 0 : index
    %get3A_11 = vector.load %arg3[%get3A_9, %get3A_10] : memref<10000x1xf32, #tpu.memory_space<vmem>>, vector<10000x1xf32>
    %mul3A = vector.broadcast %get3A_11 : vector<10000x1xf32> to vector<10000x128xf32>
    %mul3A_12 = arith.mulf %mul3A, %add3A_8 : vector<10000x128xf32>
    %get3A_13 = arith.constant 0 : index
    %get3A_14 = vector.load %arg5[%get3A_13] : memref<128xf32, #tpu.memory_space<vmem>>, vector<128xf32>
    %broadcast_in_dim3A = vector.shape_cast %get3A_14 : vector<128xf32> to vector<1x128xf32>
    %add3A_15 = vector.broadcast %broadcast_in_dim3A : vector<1x128xf32> to vector<10000x128xf32>
    %add3A_16 = arith.addf %mul3A_12, %add3A_15 : vector<10000x128xf32>
    %max3A = arith.constant 0.000000e+00 : f32
    %max3A_17 = vector.broadcast %max3A : f32 to vector<10000x128xf32>
    %max3A_18 = arith.maximumf %add3A_16, %max3A_17 : vector<10000x128xf32>
    %get3A_19 = arith.constant 0 : index
    %get3A_20 = arith.constant 0 : index
    %get3A_21 = vector.load %arg4[%get3A_19, %get3A_20] : memref<128x128xf32, #tpu.memory_space<vmem>>, vector<128x128xf32>
    %dot_general3A = arith.constant dense<0.000000e+00> : vector<10000x128xf32>
    %dot_general3A_22 = tpu.matmul %max3A_18, %get3A_21, %dot_general3A {dimension_numbers = #tpu.dot_dimension_numbers<[1], [0], [0], [1], [0, 0, 1, 1], [], []>, transpose_lhs_hint = false} : vector<10000x128xf32>, vector<128x128xf32>, vector<10000x128xf32> -> vector<10000x128xf32>
    %get3A_23 = arith.constant 0 : index
    %get3A_24 = arith.constant 0 : index
    %get3A_25 = vector.load %arg3[%get3A_23, %get3A_24] : memref<10000x1xf32, #tpu.memory_space<vmem>>, vector<10000x1xf32>
    %mul3A_26 = vector.broadcast %get3A_25 : vector<10000x1xf32> to vector<10000x128xf32>
    %mul3A_27 = arith.mulf %mul3A_26, %dot_general3A_22 : vector<10000x128xf32>
    %swap3A = arith.constant 0 : index
    %swap3A_28 = arith.constant 0 : index
    %swap3A_29 = vector.load %arg6[%swap3A, %swap3A_28] : memref<10000x128xf32, #tpu.memory_space<vmem>>, vector<10000x128xf32>
    tpu.vector_store %arg6[%swap3A, %swap3A_28], %mul3A_27 {strides = array<i32>} : memref<10000x128xf32, #tpu.memory_space<vmem>>, vector<10000x128xf32>,
    return
  }
}

module attributes {stable_mosaic.version = 14 : i64} {
  func.func @_out_body(%arg0: memref<10000x128xf32, #tpu.memory_space<vmem>>, %arg1: memref<10000x128xf32, #tpu.memory_space<vmem>>, %arg2: memref<10000x128xf32, #tpu.memory_space<vmem>>, %arg3: memref<10000x1xf32, #tpu.memory_space<vmem>>, %arg4: memref<128xf32, #tpu.memory_space<vmem>>, %arg5: memref<10000x128xf32, #tpu.memory_space<vmem>>) attributes {dimension_semantics = [], scalar_prefetch = 0 : i64, scratch_operands = 0 : i64, tpu.core_type = #tpu.core_type<tc>} {
    %get3A = arith.constant 0 : index
    %get3A_0 = arith.constant 0 : index
    %get3A_1 = vector.load %arg0[%get3A, %get3A_0] : memref<10000x128xf32, #tpu.memory_space<vmem>>, vector<10000x128xf32>
    %get3A_2 = arith.constant 0 : index
    %get3A_3 = arith.constant 0 : index
    %get3A_4 = vector.load %arg1[%get3A_2, %get3A_3] : memref<10000x128xf32, #tpu.memory_space<vmem>>, vector<10000x128xf32>
    %add3A = arith.addf %get3A_1, %get3A_4 : vector<10000x128xf32>
    %get3A_5 = arith.constant 0 : index
    %get3A_6 = arith.constant 0 : index
    %get3A_7 = vector.load %arg2[%get3A_5, %get3A_6] : memref<10000x128xf32, #tpu.memory_space<vmem>>, vector<10000x128xf32>
    %add3A_8 = arith.addf %add3A, %get3A_7 : vector<10000x128xf32>
    %get3A_9 = arith.constant 0 : index
    %get3A_10 = arith.constant 0 : index
    %get3A_11 = vector.load %arg3[%get3A_9, %get3A_10] : memref<10000x1xf32, #tpu.memory_space<vmem>>, vector<10000x1xf32>
    %mul3A = vector.broadcast %get3A_11 : vector<10000x1xf32> to vector<10000x128xf32>
    %mul3A_12 = arith.mulf %mul3A, %add3A_8 : vector<10000x128xf32>
    %get3A_13 = arith.constant 0 : index
    %get3A_14 = vector.load %arg4[%get3A_13] : memref<128xf32, #tpu.memory_space<vmem>>, vector<128xf32>
    %broadcast_in_dim3A = vector.shape_cast %get3A_14 : vector<128xf32> to vector<1x128xf32>
    %add3A_15 = vector.broadcast %broadcast_in_dim3A : vector<1x128xf32> to vector<10000x128xf32>
    %add3A_16 = arith.addf %mul3A_12, %add3A_15 : vector<10000x128xf32>
    %reduce_max3A = arith.constant dense<0xFF800000> : vector<10000xf32>
    %reduce_max3A_17 = vector.multi_reduction <maximumf>, %add3A_16, %reduce_max3A [1] : vector<10000x128xf32> to vector<10000xf32>
    %broadcast_in_dim3A_18 = vector.shape_cast %reduce_max3A_17 : vector<10000xf32> to vector<10000x1xf32>
    %sub3A = vector.broadcast %broadcast_in_dim3A_18 : vector<10000x1xf32> to vector<10000x128xf32>
    %sub3A_19 = arith.subf %add3A_16, %sub3A : vector<10000x128xf32>
    %exp3A = math.exp %sub3A_19 : vector<10000x128xf32>
    %reduce_sum3A = arith.constant dense<0.000000e+00> : vector<10000xf32>
    %reduce_sum3A_20 = vector.multi_reduction <add>, %exp3A, %reduce_sum3A [1] : vector<10000x128xf32> to vector<10000xf32>
    %broadcast_in_dim3A_21 = vector.shape_cast %reduce_sum3A_20 : vector<10000xf32> to vector<10000x1xf32>
    %sub3A_22 = vector.broadcast %broadcast_in_dim3A_18 : vector<10000x1xf32> to vector<10000x128xf32>
    %sub3A_23 = arith.subf %add3A_16, %sub3A_22 : vector<10000x128xf32>
    %log3A = math.log %broadcast_in_dim3A_21 : vector<10000x1xf32>
    %sub3A_24 = vector.broadcast %log3A : vector<10000x1xf32> to vector<10000x128xf32>
    %sub3A_25 = arith.subf %sub3A_23, %sub3A_24 : vector<10000x128xf32>
    %swap3A = arith.constant 0 : index
    %swap3A_26 = arith.constant 0 : index
    %swap3A_27 = vector.load %arg5[%swap3A, %swap3A_26] : memref<10000x128xf32, #tpu.memory_space<vmem>>, vector<10000x128xf32>
    tpu.vector_store %arg5[%swap3A, %swap3A_26], %sub3A_25 {strides = array<i32>} : memref<10000x128xf32, #tpu.memory_space<vmem>>, vector<10000x128xf32>,
    return
  }
}

</mosaic_0001>

<sc_bundles>
// kernel: kernel.12.cloned.1.call-start
scs
__scs_entry_jumppad:
0x0: {  	(pc) =	sbr.rel $0x88, $3  }
0x1: {  	(tag) =	ssettag $0x0;
	lr =	simm.s32 $0x1  }
0x2: {  	[smem:$0x3F9B] =	sst lr;
	_ =	strace $0xD0000000  }
0x3: {  	_ = 	snop  }
0x4: {  	_ = 	snop  }
0x5: {  	_ = 	snop  }
0x6: {  	_ = 	snop  }
0x7: {  	_ = 	snop  }
__scs_overlays_trampoline_lowered:
0x8: {  	[smem:$0x3FAA] =	sst s0  }
0x9: {  	[smem:$0x3FAB] =	sst s1  }
0xa: {  	[smem:$0x3FAC] =	sst s2  }
0xb: {  	[smem:$0x3FAD] =	sst s3  }
0xc: {  	[smem:$0x3FAE] =	sst s4  }
0xd: {  	[smem:$0x3FAF] =	sst s5  }
0xe: {  	[smem:$0x3FB0] =	sst s6  }
0xf: {  	[smem:$0x3FB1] =	sst s7  }
0x10: {  	[smem:$0x3FB2] =	sst s8  }
0x11: {  	[smem:$0x3FB3] =	sst s9;
	s0 =	simm.s32 @!p0 $0x0  }
0x12: {  	s1 =	sld [smem:$0x3F99];
	s0 =	simm.s32 @p0 $0x1  }
0x13: {  	[smem:$0x3FB4] =	sst s0;
	s0 =	simm.s32 @!p1 $0x0  }
0x14: {  	s2 =	sld [smem:$0x3F98];
	s0 =	simm.s32 @p1 $0x1  }
0x15: {  	[smem:$0x3FB5] =	sst s0;
	s0 =	simm.s32 @!p2 $0x0  }
0x16: {  	s3 =	sld [smem:$0x3FDB];
	s0 =	simm.s32 @p2 $0x1  }
0x17: {  	s4 =	simm.s32 $0x1BF5;
	[smem:$0x3FB7] =	sst s0  }
0x18: {  	s0 =	sld [smem:$0x3F9A];
	_ =	swait.ge [sflag:s4], $0x0  }
0x19: {  	s7 =	sld [smem:$0x3F9B]  }
0x1a: {  	s8 =	sadd.s32 $0xFFFFE003, lr  }
0x1b: {  	s9 =	sadd.s32 $0xFFFFFEF7, lr;
	s5 =	simm.s32 $0xFFFFFFFF;
	p2 =	slt.u32 s8, $0xFFFFF086  }
0x1c: {  	p1 =	slt.u32 s9, $0xF7A;
	s5 =	simm.s32 @!p2 $0x0  }
0x1d: {  	s5 =	simm.s32 @p1 $0x1;
	p0 =	seq.s32 s7, s2  }
0x1e: {  	s7 =	smul.u32 @!p0 $0xF7A, s2;
	p2 =	seq.s32 @!p0 s5, $0x0  }
0x1f: {  	s9 =	smul.u32 $0xF7A, s1;
	s8 =	simm.s32 @!p0 $0x1BF5;
	p2 =	por !p2, p0  }
0x20: {  	[sflag:s8] =	ssyncset.s32 @!p0 $0xFFFFF086;
	s6 =	sadd.s32 @!p0 s3, s7;
	s7 =	simm.s32 @!p0 $0x108  }
0x21: {  	s3 =	sadd.s32 s3, s9;
	s6 =	sadd.s32 @!p0 $0x88, s6;
	s7 =	simm.s32 @p2 $0x1082  }
0x22: {  	[simem:s7], [sflag:s8] =	dma.local @!p0 [hbm:s6], $0xF7A  }
0x23: {  	s9 =	sor.u32 $0xD0000000, s2;
	s6 =	simm.s32 $0x108;
	_ =	swait.ge @!p0 [sflag:s8], $0x0  }
0x24: {  	s3 =	sadd.s32 $0x88, s3;
	s6 =	simm.s32 @!p1 $0x1082;
	[sflag:s4] =	ssyncset.s32 $0xFFFFF086  }
0x25: {  	[simem:s6], [sflag:s4] =	dma.local [hbm:s3], $0xF7A  }
0x26: {  	[smem:$0x3F9B] =	sst s1;
	(tag) =	ssettag s2;
	_ =	strace s9  }
0x27: {  	s1 =	sld [smem:$0x3FAB]  }
0x28: {  	s2 =	sld [smem:$0x3FAC]  }
0x29: {  	s4 =	sld [smem:$0x3FAE]  }
0x2a: {  	p0 =	seq.s32 s5, $0x0;
	s5 =	sld [smem:$0x3FAF]  }
0x2b: {  	s6 =	sld [smem:$0x3FB0]  }
0x2c: {  	s7 =	sld [smem:$0x3FB1]  }
0x2d: {  	s3 =	simm.s32 $0x108;
	s8 =	sld [smem:$0x3FB2]  }
0x2e: {  	s3 =	simm.s32 @!p0 $0x1082;
	s9 =	sld [smem:$0x3FB3]  }
0x2f: {  	lr =	sadd.s32 s0, s3;
	s0 =	sld [smem:$0x3FAA]  }
0x30: {  	s3 =	sld [smem:$0x3FAD]  }
0x31: {  	[smem:$0x3FB6] =	sst s10  }
0x32: {  	s10 =	sld [smem:$0x3FB4];
	_ =	sdelay $0x3  }
0x33: {  	p0 =	seq.s32 s10, $0x1;
	s10 =	sld [smem:$0x3FB6];
	_ =	sdelay $0x3  }
0x34: {  	[smem:$0x3FB6] =	sst s10  }
0x35: {  	s10 =	sld [smem:$0x3FB5];
	_ =	sdelay $0x3  }
0x36: {  	p1 =	seq.s32 s10, $0x1;
	s10 =	sld [smem:$0x3FB6];
	_ =	sdelay $0x3  }
0x37: {  	[smem:$0x3FB6] =	sst s10  }
0x38: {  	s10 =	sld [smem:$0x3FB7]  }
0x39: {  	_ = 	snop;
	(pc) =	sbr.ind lr, $3  }
0x3a: {  	_ = 	snop  }
0x3b: {  	_ = 	snop  }
0x3c: {  	p2 =	seq.s32 s10, $0x1;
	s10 =	sld [smem:$0x3FB6]  }
0x3d: {  	_ =	shalt  }
0x3e: {  	_ =	shalt  }
0x3f: {  	_ =	shalt  }
0x40: {  	_ =	shalt  }
0x41: {  	_ =	shalt  }
0x42: {  	_ =	shalt  }
0x43: {  	_ =	shalt  }
0x44: {  	_ =	shalt  }
0x45: {  	_ =	shalt  }
0x46: {  	_ =	shalt  }
0x47: {  	_ =	shalt  }
0x48: {  	_ =	shalt  }
0x49: {  	_ =	shalt  }
0x4a: {  	_ =	shalt  }
0x4b: {  	_ =	shalt  }
0x4c: {  	_ =	shalt  }
0x4d: {  	_ =	shalt  }
0x4e: {  	_ =	shalt  }
0x4f: {  	_ =	shalt  }
0x50: {  	_ =	shalt  }
0x51: {  	_ =	shalt  }
0x52: {  	_ =	shalt  }
0x53: {  	_ =	shalt  }
0x54: {  	_ =	shalt  }
0x55: {  	_ =	shalt  }
0x56: {  	_ =	shalt  }
0x57: {  	_ =	shalt  }
0x58: {  	_ =	shalt  }
0x59: {  	_ =	shalt  }
0x5a: {  	_ =	shalt  }
0x5b: {  	_ =	shalt  }
0x5c: {  	_ =	shalt  }
0x5d: {  	_ =	shalt  }
0x5e: {  	_ =	shalt  }
0x5f: {  	_ =	shalt  }
0x60: {  	_ =	shalt  }
0x61: {  	_ =	shalt  }
0x62: {  	_ =	shalt  }
0x63: {  	_ =	shalt  }
0x64: {  	_ =	shalt  }
0x65: {  	_ =	shalt  }
0x66: {  	_ =	shalt  }
0x67: {  	_ =	shalt  }
0x68: {  	_ =	shalt  }
0x69: {  	_ =	shalt  }
0x6a: {  	_ =	shalt  }
0x6b: {  	_ =	shalt  }
0x6c: {  	_ =	shalt  }
0x6d: {  	_ =	shalt  }
0x6e: {  	_ =	shalt  }
0x6f: {  	_ =	shalt  }
0x70: {  	_ =	shalt  }
0x71: {  	_ =	shalt  }
0x72: {  	_ =	shalt  }
0x73: {  	_ =	shalt  }
0x74: {  	_ =	shalt  }
0x75: {  	_ =	shalt  }
0x76: {  	_ =	shalt  }
0x77: {  	_ =	shalt  }
0x78: {  	_ =	shalt  }
0x79: {  	_ =	shalt  }
0x7a: {  	_ =	shalt  }
0x7b: {  	_ =	shalt  }
0x7c: {  	_ =	shalt  }
0x7d: {  	_ =	shalt  }
0x7e: {  	_ =	shalt  }
0x7f: {  	_ =	shalt  }
0x80: {  	_ =	shalt  }
0x81: {  	_ =	shalt  }
0x82: {  	_ =	shalt  }
0x83: {  	_ =	shalt  }
0x84: {  	_ =	shalt  }
0x85: {  	_ =	shalt  }
0x86: {  	_ =	shalt  }
0x87: {  	_ =	shalt  }
.Lfunc_end0:
.L_simem_size_0:
called_computation.1_lowered:
.L_overlay_start_0:
0x88: {  	s2 =	sld [smem:$0x3FD9]  }
0x89: {  	s3 =	sld [smem:$0x3FFE];
	_ =	sdelay $0x1  }
0x8a: {  	s1 =	srdreg.scid  }
0x8b: {  	s0 =	sand.u32 $0x1, s1  }
0x8c: {  	s17 =	sshll.u32 s0, $0xA;
	s2 =	sadd.s32 s3, s2  }
0x8d: {  	s2 =	sadd.s32 s2, s17  }
0x8e: {  	[smem:$0x3FC2] =	sst s2  }
0x8f: {  	_ = 	snop  }
0x90: {  	s2 =	sld [smem:$0x3FD0];
	(tm) =	ssettm $0x1  }
0x91: {  	s18 =	sld [smem:$0x3FFB];
	_ =	sdelay $0x3  }
0x92: {  	_ =	strace s18  }
0x93: {  	s3 =	sld [smem:$0x3FFC];
	_ =	sdelay $0x3  }
0x94: {  	_ =	strace s3  }
0x95: {  	s3 =	sld [smem:$0x3FFD];
	_ =	sdelay $0x3  }
0x96: {  	_ =	strace s3  }
0x97: {  	_ =	strace $0x8FFFFFFF  }
0x98: {  	s19 =	sld [smem:$0x3FDB];
	_ =	sdelay $0x1  }
0x99: {  	s4 =	simm.s32 $_scs_section_size  }
0x9a: {  	s5 =	simm.s32 $_size__tile_overlayer_lowered;
	s6 =	simm.s32 $_tile_overlayer_lowered  }
0x9b: {  	s22 =	simm.s32 $0x1BFF;
	s21 =	sshll.u32 s6, $0x1;
	s3 =	sadd.s32 s4, s19  }
0x9c: {  	s7 =	simm.s32 $0x0;
	s20 =	sshll.u32 s5, $0x1;
	s5 =	sadd.s32 s21, s3  }
0x9d: {  	[timem:s7], [sflag:s22] =	dma.local [hbm:s5], s20  }
0x9e: {  	_ =	swait.ge [sflag:s22], s20  }
0x9f: {  	s4 =	ssub.s32 $0x0, s20;
	[sflag:s22] =	ssyncset.done $0x0  }
0xa0: {  	[sflag:s22] =	ssyncadd.s32 s4;
	_ =	sdelay $0x1  }
0xa1: {  	s23 =	simm.s32 $0x1B8B  }
0xa2: {  	_ =	swait.ge [sflag:s23], $0x1  }
0xa3: {  	[sflag:s23] =	ssyncset.done $0x0  }
0xa4: {  	s25 =	simm.s32 $0x1B8E;
	s24 =	sld [smem:$0x3FFE];
	[sflag:s23] =	ssyncadd.s32 $0xFFFFFFFF  }
0xa5: {  	s26 =	simm.s32 $execute0_lowered;
	[smem:$0x3FD2] =	sst s25  }
0xa6: {  	s5 =	sshll.u32 s26, $0x1;
	_ =	strace $0x80000049;
	[dreg:$0x1] =	wrdreg $0xFFFFFFFF  }
0xa7: {  	s28 =	simm.s32 $_size_execute0_lowered;
	s3 =	sadd.s32 s3, s5;
	[dreg:$0x0] =	wrdreg $0x0  }
0xa8: {  	s5 =	sshll.u32 s28, $0x1;
	[dreg:$0x2] =	wrdreg s3  }
0xa9: {  	[dreg:$0x3] =	wrdreg s5  }
0xaa: {  	[dreg:$0x4] =	wrdreg $0xC0  }
0xab: {  	_ =	task [dreg:s7], $0x5FFFF  }
0xac: {  	[dreg:$0x1] =	wrdreg $0xFFFFFFFF  }
0xad: {  	[dreg:$0x0] =	wrdreg $0x60  }
0xae: {  	[dreg:$0x2] =	wrdreg s2  }
0xaf: {  	[dreg:$0x3] =	wrdreg s24  }
0xb0: {  	[dreg:$0x4] =	wrdreg $0x98000  }
0xb1: {  	[dreg:$0x5] =	wrdreg $0x9  }
0xb2: {  	_ =	task.clear_ibuf [dreg:s7], $0x6FFFF;
	_ =	strace $0x90000049  }
0xb3: {  	s29 =	simm.s32 $0x9;
	_ =	strace $0x8000004B  }
0xb4: {  	_ =	swait.ge [sflag:s29], $0x1  }
0xb5: {  	[sflag:s29] =	ssyncadd.s32 $0xFFFFFFFF  }
0xb6: {  	_ =	strace $0x9000004B  }
0xb7: {  	_ =	sfence  }
0xb8: {  	s30 =	sld [smem:$0x0];
	_ =	sdelay $0x2  }
0xb9: {  	s31 =	sshll.u32 s1, $0xD;
	s1 =	sshrl.u32 s1, $0x2  }
0xba: {  	s3 =	sand.u32 $0x4000, s31;
	s1 =	sadd.s32 s1, s30  }
0xbb: {  	s0 =	sor.u32 s3, s0;
	s1 =	sshll.u32 s1, $0x11  }
0xbc: {  	s0 =	sor.u32 s1, s0  }
0xbd: {  	s0 =	sadd.s32 $0x8F2B, s0  }
0xbe: {  	[sflag:s0] =	ssyncadd.remote.s32 $0x1  }
0xbf: {  	_ =	sfence.sel $0xFFFF  }
0xc0: {  	[dreg:$0x0] =	wrdreg $0xFFFFFFFF;
	(pc) =	sbr.abs _section_cstart, $3  }
0xc1: {  	[dreg:$0x1] =	wrdreg $0xFFFFFFFF  }
0xc2: {  	_ =	task.clear_ibuf [dreg:s7], $0x2FFFF;
	_ =	strace $0x9FFFFFFF  }
0xc3: {  	(tm) =	ssettm $0x7FFFFFFF  }
tec
execute0_lowered:
.L_overlay_start_1:
0x0: {  	(tag) =	ssettag $0x1  }
0x1: {  	s1 =	rddreg [dreg:$0x0];
	s0 =	srdreg.scid  }
0x2: {  	s2 =	rddreg [dreg:$0x1];
	s9 =	stileid.u32  }
0x3: {  	s3 =	rddreg [dreg:$0x2];
	s4 =	simm.s32 $0x0;
	s13 =	simm.s32 $0x7  }
0x4: {  	s14 =	simm.s32 $0x400;
	s23 =	simm.s32 $0x80;
	s24 =	simm.s32 $0x100  }
0x5: {  	s25 =	simm.s32 $0x180;
	s26 =	simm.s32 $0x480;
	s28 =	simm.s32 $0x280  }
0x6: {  	s29 =	simm.s32 $0x580;
	s30 =	simm.s32 $0x300;
	s6 =	smul.u32 $0x6C00, s9  }
0x7: {  	s31 =	simm.s32 $0x600;
	s0 =	sand.u32 $0x1, s0;
	s15 =	smul.u32 $0x13C00, s9  }
0x8: {  	[smem:$0x7FF] =	sst s4;
	s8 =	smul.u32 $0x4F000, s9;
	s10 =	sadd.s32 $0x1EE00, s2  }
0x9: {  	s5 =	smul.u32 $0x6C000, s0;
	_ =	strace $0x8000004A;
	[dreg:$0x8] =	wrdreg s10  }
0xa: {  	s19 =	sshll.u32 s9, $0x6;
	s7 =	smul.u32 $0x13C000, s0;
	[dreg:$0x4] =	wrdreg s23  }
0xb: {  	s16 =	ssub.s32 $0x2, s0;
	s9 =	sor.u32 $0x1C07, s19;
	[dreg:$0x5] =	wrdreg s24  }
0xc: {  	s0 =	sor.u32 $0x1A, s0;
	s19 =	simm.s32 $0x6800;
	[dreg:$0x6] =	wrdreg s25  }
0xd: {  	[dreg:$0x7] =	wrdreg s26;
	s23 =	simm.s32 $0x5;
	s24 =	simm.s32 $0x200  }
0xe: {  	s25 =	simm.s32 $0x500;
	s26 =	simm.s32 $0x6;
	s17 =	sshrl.u32 s16, $0x1  }
0xf: {  	s18 =	sshrl.u32 s8, $0x2;
	[dreg:$0xc] =	wrdreg s0;
	s0 =	simm.s32 $0x680  }
0x10: {  	s8 =	simm.s32 $0x0;
	[dreg:$0x9] =	wrdreg s9;
	s5 =	sadd.s32 s6, s5  }
0x11: {  	s6 =	sadd.s32 s15, s7;
	s7 =	sadd.s32 s18, s3;
	s15 =	simm.s32 $0x60  }
0x12: {  	s18 =	simm.s32 $0x1;
	s5 =	sshrl.u32 s5, $0x3;
	s6 =	sshrl.u32 s6, $0x3  }
0x13: {  	s10 =	sshrl.u32 s7, $0x3;
	s5 =	sadd.s32 s5, s2;
	s2 =	sadd.s32 s6, s2  }
0x14: {  	s6 =	ssub.s32 s16, s17;
	[dreg:$0xf] =	wrdreg s10;
	s2 =	sadd.s32 $0xA6600, s2  }
0x15: {  	s7 =	simm.s32 $0x780;
	s20 =	smax.u32 s6, $0x1;
	[dreg:$0xa] =	wrdreg s2  }
0x16: {  	s16 =	simm.s32 $0x800;
	s21 =	sadd.s32 $0x8B600, s5;
	[dreg:$0xb] =	wrdreg s20  }
0x17: {  	s17 =	simm.s32 $0x3800;
	s22 =	sadd.s32 $0x70600, s5;
	[dreg:$0xd] =	wrdreg s21  }
0x18: {  	s5 =	simm.s32 $0x700;
	[dreg:$0xe] =	wrdreg s22;
	s20 =	simm.s32 $0x2  }
0x19: {  	s21 =	simm.s32 $0x4;
	s22 =	simm.s32 $0x3;
	s2 =	simm.s32 $0x380  }
.LBB2_1:
0x1a: {  	s6 =	rddreg [dreg:$0x8]  }
0x1b: {  	[spmem:s10], [sflag:s9] =	dma.local [hbm:s6], $0x2780  }
0x1c: {  	_ =	swait.ge [sflag:s13], $0x2780  }
0x1d: {  	[sflag:s13] =	ssyncset.done $0x0  }
0x1e: {  	[sflag:s13] =	ssyncadd.s32 $0xFFFFD880  }
0x1f: {  	[bflag:$0x0] =	sbarrier.arrive $0xFFFF  }
0x20: {  	s11 =	rddreg [dreg:$0xe]  }
0x21: {  	[tilespmem:s4], [sflag:$0x7] =	stream.linear.gather [hbm4b:s11+s4], $0x400, $0x38;
	[tilespmem:$0x1D400] =	vst v63  }
0x22: {  	_ =	swait.ge [sflag:s13], $0x400  }
0x23: {  	[sflag:s13] =	ssyncset.done $0x0  }
0x24: {  	s9 =	rddreg [dreg:$0xd];
	[sflag:s13] =	ssyncadd.s32 $0xFFFFFC00  }
0x25: {  	[tilespmem:s14], [sflag:$0x7] =	stream.linear.gather [hbm4b:s9+s4], $0x400, $0x38;
	[tilespmem:$0x1D400] =	vst v63  }
0x26: {  	_ =	swait.ge [sflag:s13], $0x400  }
0x27: {  	[sflag:s13] =	ssyncset.done $0x0  }
0x28: {  	[sflag:s13] =	ssyncadd.s32 $0xFFFFFC00  }
0x29: {  	[tilespmem:s16], [sflag:$0x1] =	stream.indirect.gather [hbm4b:s1+s15], $0x80, s4, s15, $0xb8;
	[tilespmem:$0x1D400] =	vst v63  }
0x2a: {  	s10 =	rddreg [dreg:$0x4]  }
0x2b: {  	[tilespmem:s17], [sflag:$0x2] =	stream.indirect.gather [hbm4b:s1+s15], $0x80, s10, s15, $0xb8;
	[tilespmem:$0x1D400] =	vst v63  }
0x2c: {  	_ =	swait.ge [sflag:s18], $0x3000  }
0x2d: {  	[sflag:s18] =	ssyncset.done $0x0  }
0x2e: {  	s12 =	rddreg [dreg:$0x5];
	[sflag:s18] =	ssyncadd.s32 $0xFFFFD000  }
0x2f: {  	[tilespmem:s19], [sflag:$0x3] =	stream.indirect.gather [hbm4b:s1+s15], $0x80, s12, s15, $0xb8;
	[tilespmem:$0x1D400] =	vst v63  }
0x30: {  	_ = 	snop  }
0x31: {  	[spmem:s3] =	stream.indirect.scatter.add.f32 [tilespmem:s16], [sflag:$0x4], $0x80, s14, s15, $0xb8;
	[tilespmem:$0x1D400] =	vst v63  }
0x32: {  	_ =	swait.ge [sflag:s20], $0x3000  }
0x33: {  	[sflag:s20] =	ssyncset.done $0x0  }
0x34: {  	[sflag:s20] =	ssyncadd.s32 $0xFFFFD000  }
0x35: {  	_ =	swait.ge [sflag:s21], $0x3000  }
0x36: {  	[sflag:s21] =	ssyncset.done $0x0  }
0x37: {  	s10 =	rddreg [dreg:$0x6];
	[sflag:s21] =	ssyncadd.s32 $0xFFFFD000  }
0x38: {  	[tilespmem:s16], [sflag:$0x1] =	stream.indirect.gather [hbm4b:s1+s15], $0x80, s10, s15, $0xb8;
	[tilespmem:$0x1D400] =	vst v63  }
0x39: {  	s12 =	rddreg [dreg:$0x7]  }
0x3a: {  	[spmem:s3] =	stream.indirect.scatter.add.f32 [tilespmem:s17], [sflag:$0x5], $0x80, s12, s15, $0xb8;
	[tilespmem:$0x1D400] =	vst v63  }
0x3b: {  	_ =	swait.ge [sflag:s22], $0x3000  }
0x3c: {  	[sflag:s22] =	ssyncset.done $0x0  }
0x3d: {  	[sflag:s22] =	ssyncadd.s32 $0xFFFFD000  }
0x3e: {  	_ =	swait.ge [sflag:s23], $0x3000  }
0x3f: {  	[sflag:s23] =	ssyncset.done $0x0  }
0x40: {  	[sflag:s23] =	ssyncadd.s32 $0xFFFFD000  }
0x41: {  	[tilespmem:s17], [sflag:$0x2] =	stream.indirect.gather [hbm4b:s1+s15], $0x80, s24, s15, $0xb8;
	[tilespmem:$0x1D400] =	vst v63  }
0x42: {  	_ = 	snop  }
0x43: {  	[spmem:s3] =	stream.indirect.scatter.add.f32 [tilespmem:s19], [sflag:$0x6], $0x80, s25, s15, $0xb8;
	[tilespmem:$0x1D400] =	vst v63  }
0x44: {  	_ =	swait.ge [sflag:s18], $0x3000  }
0x45: {  	[sflag:s18] =	ssyncset.done $0x0  }
0x46: {  	[sflag:s18] =	ssyncadd.s32 $0xFFFFD000  }
0x47: {  	_ =	swait.ge [sflag:s26], $0x3000  }
0x48: {  	[sflag:s26] =	ssyncset.done $0x0  }
0x49: {  	[sflag:s26] =	ssyncadd.s32 $0xFFFFD000  }
0x4a: {  	[tilespmem:s19], [sflag:$0x3] =	stream.indirect.gather [hbm4b:s1+s15], $0x80, s28, s15, $0xb8;
	[tilespmem:$0x1D400] =	vst v63  }
0x4b: {  	_ = 	snop  }
0x4c: {  	[spmem:s3] =	stream.indirect.scatter.add.f32 [tilespmem:s16], [sflag:$0x4], $0x80, s29, s15, $0xb8;
	[tilespmem:$0x1D400] =	vst v63  }
0x4d: {  	_ =	swait.ge [sflag:s20], $0x3000  }
0x4e: {  	[sflag:s20] =	ssyncset.done $0x0  }
0x4f: {  	[sflag:s20] =	ssyncadd.s32 $0xFFFFD000  }
0x50: {  	_ =	swait.ge [sflag:s21], $0x3000  }
0x51: {  	[sflag:s21] =	ssyncset.done $0x0  }
0x52: {  	[sflag:s21] =	ssyncadd.s32 $0xFFFFD000  }
0x53: {  	[tilespmem:s16], [sflag:$0x1] =	stream.indirect.gather [hbm4b:s1+s15], $0x80, s30, s15, $0xb8;
	[tilespmem:$0x1D400] =	vst v63  }
0x54: {  	_ = 	snop  }
0x55: {  	[spmem:s3] =	stream.indirect.scatter.add.f32 [tilespmem:s17], [sflag:$0x5], $0x80, s31, s15, $0xb8;
	[tilespmem:$0x1D400] =	vst v63  }
0x56: {  	_ =	swait.ge [sflag:s22], $0x3000  }
0x57: {  	[sflag:s22] =	ssyncset.done $0x0  }
0x58: {  	[sflag:s22] =	ssyncadd.s32 $0xFFFFD000  }
0x59: {  	_ =	swait.ge [sflag:s23], $0x3000  }
0x5a: {  	[sflag:s23] =	ssyncset.done $0x0  }
0x5b: {  	[sflag:s23] =	ssyncadd.s32 $0xFFFFD000  }
0x5c: {  	[tilespmem:s17], [sflag:$0x2] =	stream.indirect.gather [hbm4b:s1+s15], $0x80, s2, s15, $0xb8;
	[tilespmem:$0x1D400] =	vst v63  }
0x5d: {  	_ = 	snop  }
0x5e: {  	[spmem:s3] =	stream.indirect.scatter.add.f32 [tilespmem:s19], [sflag:$0x6], $0x80, s0, s15, $0xb8;
	[tilespmem:$0x1D400] =	vst v63  }
0x5f: {  	_ =	swait.ge [sflag:s18], $0x3000  }
0x60: {  	[sflag:s18] =	ssyncset.done $0x0  }
0x61: {  	[sflag:s18] =	ssyncadd.s32 $0xFFFFD000  }
0x62: {  	[spmem:s3] =	stream.indirect.scatter.add.f32 [tilespmem:s16], [sflag:$0x4], $0x80, s5, s15, $0xb8;
	[tilespmem:$0x1D400] =	vst v63  }
0x63: {  	_ =	swait.ge [sflag:s20], $0x3000  }
0x64: {  	[sflag:s20] =	ssyncset.done $0x0  }
0x65: {  	[sflag:s20] =	ssyncadd.s32 $0xFFFFD000  }
0x66: {  	[spmem:s3] =	stream.indirect.scatter.add.f32 [tilespmem:s17], [sflag:$0x5], $0x80, s7, s15, $0xb8;
	[tilespmem:$0x1D400] =	vst v63  }
0x67: {  	_ =	swait.ge [sflag:s26], $0x3000  }
0x68: {  	[sflag:s26] =	ssyncset.done $0x0  }
0x69: {  	[sflag:s26] =	ssyncadd.s32 $0xFFFFD000  }
0x6a: {  	_ =	swait.ge [sflag:s21], $0x3000  }
0x6b: {  	s12 =	rddreg [dreg:$0xc]  }
0x6c: {  	p0 =	sne.s32 s12, $0x1  }
.Ltmp0:
0x6d: {  	_ = 	snop;
	(pc) =	sbr.rel @!p0 .LBB2_3-.Ltmp0, $4  }
0x6e: {  	[sflag:s21] =	ssyncset.done $0x0  }
0x6f: {  	[sflag:s21] =	ssyncadd.s32 $0xFFFFD000  }
0x70: {  	_ =	swait.ge [sflag:s23], $0x3000  }
0x71: {  	s10 =	smov.u32 s9;
	s6 =	sadd.s32 $0xFFFFFFFF, s12;
	[sflag:s23] =	ssyncset.done $0x0  }
.LBB2_2:
0x72: {  	[sflag:s23] =	ssyncadd.s32 $0xFFFFD000;
	s11 =	sadd.s32 $0x80, s11  }
0x73: {  	[tilespmem:s4], [sflag:$0x7] =	stream.linear.gather [hbm4b:s11+s4], $0x400, $0x38;
	[tilespmem:$0x1D400] =	vst v63  }
0x74: {  	_ =	swait.ge [sflag:s13], $0x400  }
0x75: {  	[sflag:s13] =	ssyncset.done $0x0  }
0x76: {  	s10 =	sadd.s32 $0x80, s10;
	[sflag:s13] =	ssyncadd.s32 $0xFFFFFC00  }
0x77: {  	[tilespmem:s14], [sflag:$0x7] =	stream.linear.gather [hbm4b:s10+s4], $0x400, $0x38;
	[tilespmem:$0x1D400] =	vst v63  }
0x78: {  	_ =	swait.ge [sflag:s13], $0x400  }
0x79: {  	[sflag:s13] =	ssyncset.done $0x0  }
0x7a: {  	[sflag:s13] =	ssyncadd.s32 $0xFFFFFC00  }
0x7b: {  	[tilespmem:s16], [sflag:$0x1] =	stream.indirect.gather [hbm4b:s1+s15], $0x80, s4, s15, $0xb8;
	[tilespmem:$0x1D400] =	vst v63  }
0x7c: {  	s9 =	rddreg [dreg:$0x4]  }
0x7d: {  	[tilespmem:s17], [sflag:$0x2] =	stream.indirect.gather [hbm4b:s1+s15], $0x80, s9, s15, $0xb8;
	[tilespmem:$0x1D400] =	vst v63  }
0x7e: {  	_ =	swait.ge [sflag:s18], $0x3000  }
0x7f: {  	[sflag:s18] =	ssyncset.done $0x0  }
0x80: {  	s12 =	rddreg [dreg:$0x5];
	[sflag:s18] =	ssyncadd.s32 $0xFFFFD000  }
0x81: {  	[tilespmem:s19], [sflag:$0x3] =	stream.indirect.gather [hbm4b:s1+s15], $0x80, s12, s15, $0xb8;
	[tilespmem:$0x1D400] =	vst v63  }
0x82: {  	_ = 	snop  }
0x83: {  	[spmem:s3] =	stream.indirect.scatter.add.f32 [tilespmem:s16], [sflag:$0x4], $0x80, s14, s15, $0xb8;
	[tilespmem:$0x1D400] =	vst v63  }
0x84: {  	_ =	swait.ge [sflag:s20], $0x3000  }
0x85: {  	[sflag:s20] =	ssyncset.done $0x0  }
0x86: {  	[sflag:s20] =	ssyncadd.s32 $0xFFFFD000  }
0x87: {  	_ =	swait.ge [sflag:s21], $0x3000  }
0x88: {  	[sflag:s21] =	ssyncset.done $0x0  }
0x89: {  	s9 =	rddreg [dreg:$0x6];
	[sflag:s21] =	ssyncadd.s32 $0xFFFFD000  }
0x8a: {  	[tilespmem:s16], [sflag:$0x1] =	stream.indirect.gather [hbm4b:s1+s15], $0x80, s9, s15, $0xb8;
	[tilespmem:$0x1D400] =	vst v63  }
0x8b: {  	s12 =	rddreg [dreg:$0x7]  }
0x8c: {  	[spmem:s3] =	stream.indirect.scatter.add.f32 [tilespmem:s17], [sflag:$0x5], $0x80, s12, s15, $0xb8;
	[tilespmem:$0x1D400] =	vst v63  }
0x8d: {  	_ =	swait.ge [sflag:s22], $0x3000  }
0x8e: {  	[sflag:s22] =	ssyncset.done $0x0  }
0x8f: {  	[sflag:s22] =	ssyncadd.s32 $0xFFFFD000  }
0x90: {  	_ =	swait.ge [sflag:s23], $0x3000  }
0x91: {  	[sflag:s23] =	ssyncset.done $0x0  }
0x92: {  	[sflag:s23] =	ssyncadd.s32 $0xFFFFD000  }
0x93: {  	[tilespmem:s17], [sflag:$0x2] =	stream.indirect.gather [hbm4b:s1+s15], $0x80, s24, s15, $0xb8;
	[tilespmem:$0x1D400] =	vst v63  }
0x94: {  	_ = 	snop  }
0x95: {  	[spmem:s3] =	stream.indirect.scatter.add.f32 [tilespmem:s19], [sflag:$0x6], $0x80, s25, s15, $0xb8;
	[tilespmem:$0x1D400] =	vst v63  }
0x96: {  	_ =	swait.ge [sflag:s18], $0x3000  }
0x97: {  	[sflag:s18] =	ssyncset.done $0x0  }
0x98: {  	[sflag:s18] =	ssyncadd.s32 $0xFFFFD000  }
0x99: {  	_ =	swait.ge [sflag:s26], $0x3000  }
0x9a: {  	[sflag:s26] =	ssyncset.done $0x0  }
0x9b: {  	[sflag:s26] =	ssyncadd.s32 $0xFFFFD000  }
0x9c: {  	[tilespmem:s19], [sflag:$0x3] =	stream.indirect.gather [hbm4b:s1+s15], $0x80, s28, s15, $0xb8;
	[tilespmem:$0x1D400] =	vst v63  }
0x9d: {  	_ = 	snop  }
0x9e: {  	[spmem:s3] =	stream.indirect.scatter.add.f32 [tilespmem:s16], [sflag:$0x4], $0x80, s29, s15, $0xb8;
	[tilespmem:$0x1D400] =	vst v63  }
0x9f: {  	_ =	swait.ge [sflag:s20], $0x3000  }
0xa0: {  	[sflag:s20] =	ssyncset.done $0x0  }
0xa1: {  	[sflag:s20] =	ssyncadd.s32 $0xFFFFD000  }
0xa2: {  	_ =	swait.ge [sflag:s21], $0x3000  }
0xa3: {  	[sflag:s21] =	ssyncset.done $0x0  }
0xa4: {  	[sflag:s21] =	ssyncadd.s32 $0xFFFFD000  }
0xa5: {  	[tilespmem:s16], [sflag:$0x1] =	stream.indirect.gather [hbm4b:s1+s15], $0x80, s30, s15, $0xb8;
	[tilespmem:$0x1D400] =	vst v63  }
0xa6: {  	_ = 	snop  }
0xa7: {  	[spmem:s3] =	stream.indirect.scatter.add.f32 [tilespmem:s17], [sflag:$0x5], $0x80, s31, s15, $0xb8;
	[tilespmem:$0x1D400] =	vst v63  }
0xa8: {  	_ =	swait.ge [sflag:s22], $0x3000  }
0xa9: {  	[sflag:s22] =	ssyncset.done $0x0  }
0xaa: {  	[sflag:s22] =	ssyncadd.s32 $0xFFFFD000  }
0xab: {  	_ =	swait.ge [sflag:s23], $0x3000  }
0xac: {  	[sflag:s23] =	ssyncset.done $0x0  }
0xad: {  	[sflag:s23] =	ssyncadd.s32 $0xFFFFD000  }
0xae: {  	[tilespmem:s17], [sflag:$0x2] =	stream.indirect.gather [hbm4b:s1+s15], $0x80, s2, s15, $0xb8;
	[tilespmem:$0x1D400] =	vst v63  }
0xaf: {  	_ = 	snop  }
0xb0: {  	[spmem:s3] =	stream.indirect.scatter.add.f32 [tilespmem:s19], [sflag:$0x6], $0x80, s0, s15, $0xb8;
	[tilespmem:$0x1D400] =	vst v63  }
0xb1: {  	_ =	swait.ge [sflag:s18], $0x3000  }
0xb2: {  	[sflag:s18] =	ssyncset.done $0x0  }
0xb3: {  	[sflag:s18] =	ssyncadd.s32 $0xFFFFD000  }
0xb4: {  	[spmem:s3] =	stream.indirect.scatter.add.f32 [tilespmem:s16], [sflag:$0x4], $0x80, s5, s15, $0xb8;
	[tilespmem:$0x1D400] =	vst v63  }
0xb5: {  	_ =	swait.ge [sflag:s20], $0x3000  }
0xb6: {  	[sflag:s20] =	ssyncset.done $0x0  }
0xb7: {  	[sflag:s20] =	ssyncadd.s32 $0xFFFFD000  }
0xb8: {  	[spmem:s3] =	stream.indirect.scatter.add.f32 [tilespmem:s17], [sflag:$0x5], $0x80, s7, s15, $0xb8;
	[tilespmem:$0x1D400] =	vst v63  }
0xb9: {  	_ =	swait.ge [sflag:s26], $0x3000  }
0xba: {  	[sflag:s26] =	ssyncset.done $0x0  }
0xbb: {  	p0 =	sne.s32 s6, $0x1;
	[sflag:s26] =	ssyncadd.s32 $0xFFFFD000  }
.Ltmp1:
0xbc: {  	_ =	swait.ge [sflag:s21], $0x3000;
	(pc) =	sbr.rel @p0 .LBB2_2-.Ltmp1, $4  }
0xbd: {  	[sflag:s21] =	ssyncset.done $0x0  }
0xbe: {  	[sflag:s21] =	ssyncadd.s32 $0xFFFFD000  }
0xbf: {  	_ =	swait.ge [sflag:s23], $0x3000  }
0xc0: {  	s6 =	sadd.s32 $0xFFFFFFFF, s6;
	[sflag:s23] =	ssyncset.done $0x0  }
.LBB2_3:
0xc1: {  	[sflag:s23] =	ssyncadd.s32 $0xFFFFD000  }
0xc2: {  	[bflag:$0x0] =	sbarrier.arrive $0xFFFF  }
0xc3: {  	s9 =	rddreg [dreg:$0x9]  }
0xc4: {  	s6 =	rddreg [dreg:$0xa]  }
0xc5: {  	s10 =	rddreg [dreg:$0xf]  }
0xc6: {  	[hbm:s6], [sflag:s9] =	dma.local [spmem:s10], $0x2780  }
0xc7: {  	_ =	swait.ge [sflag:s13], $0x2780  }
0xc8: {  	s8 =	sadd.s32 $0x1, s8;
	s12 =	rddreg [dreg:$0xb]  }
0xc9: {  	p0 =	sne.s32 s8, s12  }
.Ltmp2:
0xca: {  	_ = 	snop;
	(pc) =	sbr.rel @p0 .LBB2_1-.Ltmp2, $3  }
0xcb: {  	_ =	sdelay $0x1  }
0xcc: {  	[sflag:s13] =	ssyncset.done $0x0  }
0xcd: {  	[sflag:s13] =	ssyncadd.s32 $0xFFFFD880  }
0xce: {  	_ =	sfence.sel $0x180000  }
0xcf: {  	[bflag:$0x0] =	sbarrier.arrive $0xFFFF  }
0xd0: {  	_ =	strace $0x9000004A  }
0xd1: {  	s0 =	stileid.u32;
	[bflag:$0x2] =	sbarrier.arrive $0xFFFF  }
0xd2: {  	p0 =	sne.s32 s0, $0x0;
	s0 =	rddreg [dreg:$0x3]  }
0xd3: {  	s0 =	sadd.s32 @!p0 $0x100000, s0  }
0xd4: {  	[sflag:s0] =	ssyncadd.tile.s32 @!p0 $0x1;
	_ =	shalt  }
.Lfunc_end2:
_tile_overlayer_lowered:
.L_overlay_start_2:
0xd5: {  	(tag) =	ssettag $0x2  }
0xd6: {  	s0 =	rddreg [dreg:$0x0];
	s2 =	stileid.u32  }
0xd7: {  	s1 =	rddreg [dreg:$0x1];
	p0 =	sne.s32 s2, $0x0  }
0xd8: {  	s3 =	rddreg [dreg:$0x2];
	[bflag:$0x3] =	sbarrier.arrive $0xFFFF;
	s2 =	simm.s32 @!p0 $0x1C07  }
0xd9: {  	[timem:s3], [sflag:s2] =	dma.local @!p0 [hbm:s0], s1  }
0xda: {  	s0 =	simm.s32 @!p0 $0x7  }
0xdb: {  	_ =	swait.ge @!p0 [sflag:s0], s1  }
0xdc: {  	s1 =	ssub.s32 @!p0 $0x0, s1;
	[sflag:s0] =	ssyncset.done @!p0 $0x0  }
0xdd: {  	[sflag:s0] =	ssyncadd.s32 @!p0 s1  }
0xde: {  	[bflag:$0x3] =	sbarrier.arrive $0xFFFF  }
0xdf: {  	_ =	shalt  }

// kernel: kernel.15.cloned.1.call-start
scs
__scs_entry_jumppad:
0x0: {  	(pc) =	sbr.rel $0x88, $3  }
0x1: {  	(tag) =	ssettag $0x0;
	lr =	simm.s32 $0x1  }
0x2: {  	[smem:$0x3F9B] =	sst lr;
	_ =	strace $0xD0000000  }
0x3: {  	_ = 	snop  }
0x4: {  	_ = 	snop  }
0x5: {  	_ = 	snop  }
0x6: {  	_ = 	snop  }
0x7: {  	_ = 	snop  }
__scs_overlays_trampoline_lowered:
0x8: {  	[smem:$0x3FAA] =	sst s0  }
0x9: {  	[smem:$0x3FAB] =	sst s1  }
0xa: {  	[smem:$0x3FAC] =	sst s2  }
0xb: {  	[smem:$0x3FAD] =	sst s3  }
0xc: {  	[smem:$0x3FAE] =	sst s4  }
0xd: {  	[smem:$0x3FAF] =	sst s5  }
0xe: {  	[smem:$0x3FB0] =	sst s6  }
0xf: {  	[smem:$0x3FB1] =	sst s7  }
0x10: {  	[smem:$0x3FB2] =	sst s8  }
0x11: {  	[smem:$0x3FB3] =	sst s9;
	s0 =	simm.s32 @!p0 $0x0  }
0x12: {  	s1 =	sld [smem:$0x3F99];
	s0 =	simm.s32 @p0 $0x1  }
0x13: {  	[smem:$0x3FB4] =	sst s0;
	s0 =	simm.s32 @!p1 $0x0  }
0x14: {  	s2 =	sld [smem:$0x3F98];
	s0 =	simm.s32 @p1 $0x1  }
0x15: {  	[smem:$0x3FB5] =	sst s0;
	s0 =	simm.s32 @!p2 $0x0  }
0x16: {  	s3 =	sld [smem:$0x3FDB];
	s0 =	simm.s32 @p2 $0x1  }
0x17: {  	s4 =	simm.s32 $0x1BF5;
	[smem:$0x3FB7] =	sst s0  }
0x18: {  	s0 =	sld [smem:$0x3F9A];
	_ =	swait.ge [sflag:s4], $0x0  }
0x19: {  	s7 =	sld [smem:$0x3F9B]  }
0x1a: {  	s8 =	sadd.s32 $0xFFFFE003, lr  }
0x1b: {  	s9 =	sadd.s32 $0xFFFFFEF7, lr;
	s5 =	simm.s32 $0xFFFFFFFF;
	p2 =	slt.u32 s8, $0xFFFFF086  }
0x1c: {  	p1 =	slt.u32 s9, $0xF7A;
	s5 =	simm.s32 @!p2 $0x0  }
0x1d: {  	s5 =	simm.s32 @p1 $0x1;
	p0 =	seq.s32 s7, s2  }
0x1e: {  	s7 =	smul.u32 @!p0 $0xF7A, s2;
	p2 =	seq.s32 @!p0 s5, $0x0  }
0x1f: {  	s9 =	smul.u32 $0xF7A, s1;
	s8 =	simm.s32 @!p0 $0x1BF5;
	p2 =	por !p2, p0  }
0x20: {  	[sflag:s8] =	ssyncset.s32 @!p0 $0xFFFFF086;
	s6 =	sadd.s32 @!p0 s3, s7;
	s7 =	simm.s32 @!p0 $0x108  }
0x21: {  	s3 =	sadd.s32 s3, s9;
	s6 =	sadd.s32 @!p0 $0x88, s6;
	s7 =	simm.s32 @p2 $0x1082  }
0x22: {  	[simem:s7], [sflag:s8] =	dma.local @!p0 [hbm:s6], $0xF7A  }
0x23: {  	s9 =	sor.u32 $0xD0000000, s2;
	s6 =	simm.s32 $0x108;
	_ =	swait.ge @!p0 [sflag:s8], $0x0  }
0x24: {  	s3 =	sadd.s32 $0x88, s3;
	s6 =	simm.s32 @!p1 $0x1082;
	[sflag:s4] =	ssyncset.s32 $0xFFFFF086  }
0x25: {  	[simem:s6], [sflag:s4] =	dma.local [hbm:s3], $0xF7A  }
0x26: {  	[smem:$0x3F9B] =	sst s1;
	(tag) =	ssettag s2;
	_ =	strace s9  }
0x27: {  	s1 =	sld [smem:$0x3FAB]  }
0x28: {  	s2 =	sld [smem:$0x3FAC]  }
0x29: {  	s4 =	sld [smem:$0x3FAE]  }
0x2a: {  	p0 =	seq.s32 s5, $0x0;
	s5 =	sld [smem:$0x3FAF]  }
0x2b: {  	s6 =	sld [smem:$0x3FB0]  }
0x2c: {  	s7 =	sld [smem:$0x3FB1]  }
0x2d: {  	s3 =	simm.s32 $0x108;
	s8 =	sld [smem:$0x3FB2]  }
0x2e: {  	s3 =	simm.s32 @!p0 $0x1082;
	s9 =	sld [smem:$0x3FB3]  }
0x2f: {  	lr =	sadd.s32 s0, s3;
	s0 =	sld [smem:$0x3FAA]  }
0x30: {  	s3 =	sld [smem:$0x3FAD]  }
0x31: {  	[smem:$0x3FB6] =	sst s10  }
0x32: {  	s10 =	sld [smem:$0x3FB4];
	_ =	sdelay $0x3  }
0x33: {  	p0 =	seq.s32 s10, $0x1;
	s10 =	sld [smem:$0x3FB6];
	_ =	sdelay $0x3  }
0x34: {  	[smem:$0x3FB6] =	sst s10  }
0x35: {  	s10 =	sld [smem:$0x3FB5];
	_ =	sdelay $0x3  }
0x36: {  	p1 =	seq.s32 s10, $0x1;
	s10 =	sld [smem:$0x3FB6];
	_ =	sdelay $0x3  }
0x37: {  	[smem:$0x3FB6] =	sst s10  }
0x38: {  	s10 =	sld [smem:$0x3FB7]  }
0x39: {  	_ = 	snop;
	(pc) =	sbr.ind lr, $3  }
0x3a: {  	_ = 	snop  }
0x3b: {  	_ = 	snop  }
0x3c: {  	p2 =	seq.s32 s10, $0x1;
	s10 =	sld [smem:$0x3FB6]  }
0x3d: {  	_ =	shalt  }
0x3e: {  	_ =	shalt  }
0x3f: {  	_ =	shalt  }
0x40: {  	_ =	shalt  }
0x41: {  	_ =	shalt  }
0x42: {  	_ =	shalt  }
0x43: {  	_ =	shalt  }
0x44: {  	_ =	shalt  }
0x45: {  	_ =	shalt  }
0x46: {  	_ =	shalt  }
0x47: {  	_ =	shalt  }
0x48: {  	_ =	shalt  }
0x49: {  	_ =	shalt  }
0x4a: {  	_ =	shalt  }
0x4b: {  	_ =	shalt  }
0x4c: {  	_ =	shalt  }
0x4d: {  	_ =	shalt  }
0x4e: {  	_ =	shalt  }
0x4f: {  	_ =	shalt  }
0x50: {  	_ =	shalt  }
0x51: {  	_ =	shalt  }
0x52: {  	_ =	shalt  }
0x53: {  	_ =	shalt  }
0x54: {  	_ =	shalt  }
0x55: {  	_ =	shalt  }
0x56: {  	_ =	shalt  }
0x57: {  	_ =	shalt  }
0x58: {  	_ =	shalt  }
0x59: {  	_ =	shalt  }
0x5a: {  	_ =	shalt  }
0x5b: {  	_ =	shalt  }
0x5c: {  	_ =	shalt  }
0x5d: {  	_ =	shalt  }
0x5e: {  	_ =	shalt  }
0x5f: {  	_ =	shalt  }
0x60: {  	_ =	shalt  }
0x61: {  	_ =	shalt  }
0x62: {  	_ =	shalt  }
0x63: {  	_ =	shalt  }
0x64: {  	_ =	shalt  }
0x65: {  	_ =	shalt  }
0x66: {  	_ =	shalt  }
0x67: {  	_ =	shalt  }
0x68: {  	_ =	shalt  }
0x69: {  	_ =	shalt  }
0x6a: {  	_ =	shalt  }
0x6b: {  	_ =	shalt  }
0x6c: {  	_ =	shalt  }
0x6d: {  	_ =	shalt  }
0x6e: {  	_ =	shalt  }
0x6f: {  	_ =	shalt  }
0x70: {  	_ =	shalt  }
0x71: {  	_ =	shalt  }
0x72: {  	_ =	shalt  }
0x73: {  	_ =	shalt  }
0x74: {  	_ =	shalt  }
0x75: {  	_ =	shalt  }
0x76: {  	_ =	shalt  }
0x77: {  	_ =	shalt  }
0x78: {  	_ =	shalt  }
0x79: {  	_ =	shalt  }
0x7a: {  	_ =	shalt  }
0x7b: {  	_ =	shalt  }
0x7c: {  	_ =	shalt  }
0x7d: {  	_ =	shalt  }
0x7e: {  	_ =	shalt  }
0x7f: {  	_ =	shalt  }
0x80: {  	_ =	shalt  }
0x81: {  	_ =	shalt  }
0x82: {  	_ =	shalt  }
0x83: {  	_ =	shalt  }
0x84: {  	_ =	shalt  }
0x85: {  	_ =	shalt  }
0x86: {  	_ =	shalt  }
0x87: {  	_ =	shalt  }
.Lfunc_end0:
.L_simem_size_0:
called_computation.2_lowered:
.L_overlay_start_0:
0x88: {  	s2 =	sld [smem:$0x3FD9]  }
0x89: {  	s3 =	sld [smem:$0x3FFE];
	_ =	sdelay $0x1  }
0x8a: {  	s1 =	srdreg.scid  }
0x8b: {  	s0 =	sand.u32 $0x1, s1  }
0x8c: {  	s17 =	sshll.u32 s0, $0xA;
	s2 =	sadd.s32 s3, s2  }
0x8d: {  	s2 =	sadd.s32 s2, s17  }
0x8e: {  	[smem:$0x3FC2] =	sst s2  }
0x8f: {  	_ = 	snop  }
0x90: {  	s2 =	sld [smem:$0x3FD0];
	(tm) =	ssettm $0x1  }
0x91: {  	s18 =	sld [smem:$0x3FFB];
	_ =	sdelay $0x3  }
0x92: {  	_ =	strace s18  }
0x93: {  	s3 =	sld [smem:$0x3FFC];
	_ =	sdelay $0x3  }
0x94: {  	_ =	strace s3  }
0x95: {  	s3 =	sld [smem:$0x3FFD];
	_ =	sdelay $0x3  }
0x96: {  	_ =	strace s3  }
0x97: {  	_ =	strace $0x8FFFFFFF  }
0x98: {  	s19 =	sld [smem:$0x3FDB];
	_ =	sdelay $0x1  }
0x99: {  	s4 =	simm.s32 $_scs_section_size  }
0x9a: {  	s5 =	simm.s32 $_size__tile_overlayer_lowered;
	s6 =	simm.s32 $_tile_overlayer_lowered  }
0x9b: {  	s22 =	simm.s32 $0x1BFF;
	s21 =	sshll.u32 s6, $0x1;
	s3 =	sadd.s32 s4, s19  }
0x9c: {  	s7 =	simm.s32 $0x0;
	s20 =	sshll.u32 s5, $0x1;
	s5 =	sadd.s32 s21, s3  }
0x9d: {  	[timem:s7], [sflag:s22] =	dma.local [hbm:s5], s20  }
0x9e: {  	_ =	swait.ge [sflag:s22], s20  }
0x9f: {  	s4 =	ssub.s32 $0x0, s20;
	[sflag:s22] =	ssyncset.done $0x0  }
0xa0: {  	[sflag:s22] =	ssyncadd.s32 s4;
	_ =	sdelay $0x1  }
0xa1: {  	s23 =	simm.s32 $0x1B8B  }
0xa2: {  	_ =	swait.ge [sflag:s23], $0x1  }
0xa3: {  	[sflag:s23] =	ssyncset.done $0x0  }
0xa4: {  	s25 =	simm.s32 $0x1B8E;
	s24 =	sld [smem:$0x3FFE];
	[sflag:s23] =	ssyncadd.s32 $0xFFFFFFFF  }
0xa5: {  	s26 =	simm.s32 $execute0_lowered;
	[smem:$0x3FD2] =	sst s25  }
0xa6: {  	s5 =	sshll.u32 s26, $0x1;
	_ =	strace $0x8000004C;
	[dreg:$0x1] =	wrdreg $0xFFFFFFFF  }
0xa7: {  	s28 =	simm.s32 $_size_execute0_lowered;
	s3 =	sadd.s32 s3, s5;
	[dreg:$0x0] =	wrdreg $0x0  }
0xa8: {  	s5 =	sshll.u32 s28, $0x1;
	[dreg:$0x2] =	wrdreg s3  }
0xa9: {  	[dreg:$0x3] =	wrdreg s5  }
0xaa: {  	[dreg:$0x4] =	wrdreg $0xC0  }
0xab: {  	_ =	task [dreg:s7], $0x5FFFF  }
0xac: {  	[dreg:$0x1] =	wrdreg $0xFFFFFFFF  }
0xad: {  	[dreg:$0x0] =	wrdreg $0x60  }
0xae: {  	[dreg:$0x2] =	wrdreg s2  }
0xaf: {  	[dreg:$0x3] =	wrdreg s24  }
0xb0: {  	[dreg:$0x4] =	wrdreg $0x98000  }
0xb1: {  	[dreg:$0x5] =	wrdreg $0x9  }
0xb2: {  	_ =	task.clear_ibuf [dreg:s7], $0x6FFFF;
	_ =	strace $0x9000004C  }
0xb3: {  	s29 =	simm.s32 $0x9;
	_ =	strace $0x8000004E  }
0xb4: {  	_ =	swait.ge [sflag:s29], $0x1  }
0xb5: {  	[sflag:s29] =	ssyncadd.s32 $0xFFFFFFFF  }
0xb6: {  	_ =	strace $0x9000004E  }
0xb7: {  	_ =	sfence  }
0xb8: {  	s30 =	sld [smem:$0x0];
	_ =	sdelay $0x2  }
0xb9: {  	s31 =	sshll.u32 s1, $0xD;
	s1 =	sshrl.u32 s1, $0x2  }
0xba: {  	s3 =	sand.u32 $0x4000, s31;
	s1 =	sadd.s32 s1, s30  }
0xbb: {  	s0 =	sor.u32 s3, s0;
	s1 =	sshll.u32 s1, $0x11  }
0xbc: {  	s0 =	sor.u32 s1, s0  }
0xbd: {  	s0 =	sadd.s32 $0x8F2B, s0  }
0xbe: {  	[sflag:s0] =	ssyncadd.remote.s32 $0x1  }
0xbf: {  	_ =	sfence.sel $0xFFFF  }
0xc0: {  	[dreg:$0x0] =	wrdreg $0xFFFFFFFF;
	(pc) =	sbr.abs _section_cstart, $3  }
0xc1: {  	[dreg:$0x1] =	wrdreg $0xFFFFFFFF  }
0xc2: {  	_ =	task.clear_ibuf [dreg:s7], $0x2FFFF;
	_ =	strace $0x9FFFFFFF  }
0xc3: {  	(tm) =	ssettm $0x7FFFFFFF  }
tec
execute0_lowered:
.L_overlay_start_1:
0x0: {  	(tag) =	ssettag $0x1  }
0x1: {  	s1 =	rddreg [dreg:$0x0];
	s0 =	srdreg.scid  }
0x2: {  	s2 =	rddreg [dreg:$0x1];
	s9 =	stileid.u32  }
0x3: {  	s3 =	rddreg [dreg:$0x2];
	s4 =	simm.s32 $0x0;
	s13 =	simm.s32 $0x7  }
0x4: {  	s14 =	simm.s32 $0x400;
	s23 =	simm.s32 $0x80;
	s24 =	simm.s32 $0x100  }
0x5: {  	s25 =	simm.s32 $0x180;
	s26 =	simm.s32 $0x480;
	s28 =	simm.s32 $0x280  }
0x6: {  	s29 =	simm.s32 $0x580;
	s30 =	simm.s32 $0x300;
	s6 =	smul.u32 $0x6C00, s9  }
0x7: {  	s31 =	simm.s32 $0x600;
	s0 =	sand.u32 $0x1, s0;
	s15 =	smul.u32 $0x13C00, s9  }
0x8: {  	[smem:$0x7FF] =	sst s4;
	s8 =	smul.u32 $0x4F000, s9;
	s10 =	sadd.s32 $0x1EE00, s2  }
0x9: {  	s5 =	smul.u32 $0x6C000, s0;
	_ =	strace $0x8000004D;
	[dreg:$0x8] =	wrdreg s10  }
0xa: {  	s19 =	sshll.u32 s9, $0x6;
	s7 =	smul.u32 $0x13C000, s0;
	[dreg:$0x4] =	wrdreg s23  }
0xb: {  	s16 =	ssub.s32 $0x2, s0;
	s9 =	sor.u32 $0x1C07, s19;
	[dreg:$0x5] =	wrdreg s24  }
0xc: {  	s0 =	sor.u32 $0x1A, s0;
	s19 =	simm.s32 $0x6800;
	[dreg:$0x6] =	wrdreg s25  }
0xd: {  	[dreg:$0x7] =	wrdreg s26;
	s23 =	simm.s32 $0x5;
	s24 =	simm.s32 $0x200  }
0xe: {  	s25 =	simm.s32 $0x500;
	s26 =	simm.s32 $0x6;
	s17 =	sshrl.u32 s16, $0x1  }
0xf: {  	s18 =	sshrl.u32 s8, $0x2;
	[dreg:$0xc] =	wrdreg s0;
	s0 =	simm.s32 $0x680  }
0x10: {  	s8 =	simm.s32 $0x0;
	[dreg:$0x9] =	wrdreg s9;
	s5 =	sadd.s32 s6, s5  }
0x11: {  	s6 =	sadd.s32 s15, s7;
	s7 =	sadd.s32 s18, s3;
	s15 =	simm.s32 $0x60  }
0x12: {  	s18 =	simm.s32 $0x1;
	s5 =	sshrl.u32 s5, $0x3;
	s6 =	sshrl.u32 s6, $0x3  }
0x13: {  	s10 =	sshrl.u32 s7, $0x3;
	s5 =	sadd.s32 s5, s2;
	s2 =	sadd.s32 s6, s2  }
0x14: {  	s6 =	ssub.s32 s16, s17;
	[dreg:$0xf] =	wrdreg s10;
	s2 =	sadd.s32 $0xA6600, s2  }
0x15: {  	s7 =	simm.s32 $0x780;
	s20 =	smax.u32 s6, $0x1;
	[dreg:$0xa] =	wrdreg s2  }
0x16: {  	s16 =	simm.s32 $0x800;
	s21 =	sadd.s32 $0x8B600, s5;
	[dreg:$0xb] =	wrdreg s20  }
0x17: {  	s17 =	simm.s32 $0x3800;
	s22 =	sadd.s32 $0x70600, s5;
	[dreg:$0xd] =	wrdreg s21  }
0x18: {  	s5 =	simm.s32 $0x700;
	[dreg:$0xe] =	wrdreg s22;
	s20 =	simm.s32 $0x2  }
0x19: {  	s21 =	simm.s32 $0x4;
	s22 =	simm.s32 $0x3;
	s2 =	simm.s32 $0x380  }
.LBB2_1:
0x1a: {  	s6 =	rddreg [dreg:$0x8]  }
0x1b: {  	[spmem:s10], [sflag:s9] =	dma.local [hbm:s6], $0x2780  }
0x1c: {  	_ =	swait.ge [sflag:s13], $0x2780  }
0x1d: {  	[sflag:s13] =	ssyncset.done $0x0  }
0x1e: {  	[sflag:s13] =	ssyncadd.s32 $0xFFFFD880  }
0x1f: {  	[bflag:$0x0] =	sbarrier.arrive $0xFFFF  }
0x20: {  	s11 =	rddreg [dreg:$0xe]  }
0x21: {  	[tilespmem:s4], [sflag:$0x7] =	stream.linear.gather [hbm4b:s11+s4], $0x400, $0x38;
	[tilespmem:$0x1D400] =	vst v63  }
0x22: {  	_ =	swait.ge [sflag:s13], $0x400  }
0x23: {  	[sflag:s13] =	ssyncset.done $0x0  }
0x24: {  	s9 =	rddreg [dreg:$0xd];
	[sflag:s13] =	ssyncadd.s32 $0xFFFFFC00  }
0x25: {  	[tilespmem:s14], [sflag:$0x7] =	stream.linear.gather [hbm4b:s9+s4], $0x400, $0x38;
	[tilespmem:$0x1D400] =	vst v63  }
0x26: {  	_ =	swait.ge [sflag:s13], $0x400  }
0x27: {  	[sflag:s13] =	ssyncset.done $0x0  }
0x28: {  	[sflag:s13] =	ssyncadd.s32 $0xFFFFFC00  }
0x29: {  	[tilespmem:s16], [sflag:$0x1] =	stream.indirect.gather [hbm4b:s1+s15], $0x80, s4, s15, $0xb8;
	[tilespmem:$0x1D400] =	vst v63  }
0x2a: {  	s10 =	rddreg [dreg:$0x4]  }
0x2b: {  	[tilespmem:s17], [sflag:$0x2] =	stream.indirect.gather [hbm4b:s1+s15], $0x80, s10, s15, $0xb8;
	[tilespmem:$0x1D400] =	vst v63  }
0x2c: {  	_ =	swait.ge [sflag:s18], $0x3000  }
0x2d: {  	[sflag:s18] =	ssyncset.done $0x0  }
0x2e: {  	s12 =	rddreg [dreg:$0x5];
	[sflag:s18] =	ssyncadd.s32 $0xFFFFD000  }
0x2f: {  	[tilespmem:s19], [sflag:$0x3] =	stream.indirect.gather [hbm4b:s1+s15], $0x80, s12, s15, $0xb8;
	[tilespmem:$0x1D400] =	vst v63  }
0x30: {  	_ = 	snop  }
0x31: {  	[spmem:s3] =	stream.indirect.scatter.add.f32 [tilespmem:s16], [sflag:$0x4], $0x80, s14, s15, $0xb8;
	[tilespmem:$0x1D400] =	vst v63  }
0x32: {  	_ =	swait.ge [sflag:s20], $0x3000  }
0x33: {  	[sflag:s20] =	ssyncset.done $0x0  }
0x34: {  	[sflag:s20] =	ssyncadd.s32 $0xFFFFD000  }
0x35: {  	_ =	swait.ge [sflag:s21], $0x3000  }
0x36: {  	[sflag:s21] =	ssyncset.done $0x0  }
0x37: {  	s10 =	rddreg [dreg:$0x6];
	[sflag:s21] =	ssyncadd.s32 $0xFFFFD000  }
0x38: {  	[tilespmem:s16], [sflag:$0x1] =	stream.indirect.gather [hbm4b:s1+s15], $0x80, s10, s15, $0xb8;
	[tilespmem:$0x1D400] =	vst v63  }
0x39: {  	s12 =	rddreg [dreg:$0x7]  }
0x3a: {  	[spmem:s3] =	stream.indirect.scatter.add.f32 [tilespmem:s17], [sflag:$0x5], $0x80, s12, s15, $0xb8;
	[tilespmem:$0x1D400] =	vst v63  }
0x3b: {  	_ =	swait.ge [sflag:s22], $0x3000  }
0x3c: {  	[sflag:s22] =	ssyncset.done $0x0  }
0x3d: {  	[sflag:s22] =	ssyncadd.s32 $0xFFFFD000  }
0x3e: {  	_ =	swait.ge [sflag:s23], $0x3000  }
0x3f: {  	[sflag:s23] =	ssyncset.done $0x0  }
0x40: {  	[sflag:s23] =	ssyncadd.s32 $0xFFFFD000  }
0x41: {  	[tilespmem:s17], [sflag:$0x2] =	stream.indirect.gather [hbm4b:s1+s15], $0x80, s24, s15, $0xb8;
	[tilespmem:$0x1D400] =	vst v63  }
0x42: {  	_ = 	snop  }
0x43: {  	[spmem:s3] =	stream.indirect.scatter.add.f32 [tilespmem:s19], [sflag:$0x6], $0x80, s25, s15, $0xb8;
	[tilespmem:$0x1D400] =	vst v63  }
0x44: {  	_ =	swait.ge [sflag:s18], $0x3000  }
0x45: {  	[sflag:s18] =	ssyncset.done $0x0  }
0x46: {  	[sflag:s18] =	ssyncadd.s32 $0xFFFFD000  }
0x47: {  	_ =	swait.ge [sflag:s26], $0x3000  }
0x48: {  	[sflag:s26] =	ssyncset.done $0x0  }
0x49: {  	[sflag:s26] =	ssyncadd.s32 $0xFFFFD000  }
0x4a: {  	[tilespmem:s19], [sflag:$0x3] =	stream.indirect.gather [hbm4b:s1+s15], $0x80, s28, s15, $0xb8;
	[tilespmem:$0x1D400] =	vst v63  }
0x4b: {  	_ = 	snop  }
0x4c: {  	[spmem:s3] =	stream.indirect.scatter.add.f32 [tilespmem:s16], [sflag:$0x4], $0x80, s29, s15, $0xb8;
	[tilespmem:$0x1D400] =	vst v63  }
0x4d: {  	_ =	swait.ge [sflag:s20], $0x3000  }
0x4e: {  	[sflag:s20] =	ssyncset.done $0x0  }
0x4f: {  	[sflag:s20] =	ssyncadd.s32 $0xFFFFD000  }
0x50: {  	_ =	swait.ge [sflag:s21], $0x3000  }
0x51: {  	[sflag:s21] =	ssyncset.done $0x0  }
0x52: {  	[sflag:s21] =	ssyncadd.s32 $0xFFFFD000  }
0x53: {  	[tilespmem:s16], [sflag:$0x1] =	stream.indirect.gather [hbm4b:s1+s15], $0x80, s30, s15, $0xb8;
	[tilespmem:$0x1D400] =	vst v63  }
0x54: {  	_ = 	snop  }
0x55: {  	[spmem:s3] =	stream.indirect.scatter.add.f32 [tilespmem:s17], [sflag:$0x5], $0x80, s31, s15, $0xb8;
	[tilespmem:$0x1D400] =	vst v63  }
0x56: {  	_ =	swait.ge [sflag:s22], $0x3000  }
0x57: {  	[sflag:s22] =	ssyncset.done $0x0  }
0x58: {  	[sflag:s22] =	ssyncadd.s32 $0xFFFFD000  }
0x59: {  	_ =	swait.ge [sflag:s23], $0x3000  }
0x5a: {  	[sflag:s23] =	ssyncset.done $0x0  }
0x5b: {  	[sflag:s23] =	ssyncadd.s32 $0xFFFFD000  }
0x5c: {  	[tilespmem:s17], [sflag:$0x2] =	stream.indirect.gather [hbm4b:s1+s15], $0x80, s2, s15, $0xb8;
	[tilespmem:$0x1D400] =	vst v63  }
0x5d: {  	_ = 	snop  }
0x5e: {  	[spmem:s3] =	stream.indirect.scatter.add.f32 [tilespmem:s19], [sflag:$0x6], $0x80, s0, s15, $0xb8;
	[tilespmem:$0x1D400] =	vst v63  }
0x5f: {  	_ =	swait.ge [sflag:s18], $0x3000  }
0x60: {  	[sflag:s18] =	ssyncset.done $0x0  }
0x61: {  	[sflag:s18] =	ssyncadd.s32 $0xFFFFD000  }
0x62: {  	[spmem:s3] =	stream.indirect.scatter.add.f32 [tilespmem:s16], [sflag:$0x4], $0x80, s5, s15, $0xb8;
	[tilespmem:$0x1D400] =	vst v63  }
0x63: {  	_ =	swait.ge [sflag:s20], $0x3000  }
0x64: {  	[sflag:s20] =	ssyncset.done $0x0  }
0x65: {  	[sflag:s20] =	ssyncadd.s32 $0xFFFFD000  }
0x66: {  	[spmem:s3] =	stream.indirect.scatter.add.f32 [tilespmem:s17], [sflag:$0x5], $0x80, s7, s15, $0xb8;
	[tilespmem:$0x1D400] =	vst v63  }
0x67: {  	_ =	swait.ge [sflag:s26], $0x3000  }
0x68: {  	[sflag:s26] =	ssyncset.done $0x0  }
0x69: {  	[sflag:s26] =	ssyncadd.s32 $0xFFFFD000  }
0x6a: {  	_ =	swait.ge [sflag:s21], $0x3000  }
0x6b: {  	s12 =	rddreg [dreg:$0xc]  }
0x6c: {  	p0 =	sne.s32 s12, $0x1  }
.Ltmp0:
0x6d: {  	_ = 	snop;
	(pc) =	sbr.rel @!p0 .LBB2_3-.Ltmp0, $4  }
0x6e: {  	[sflag:s21] =	ssyncset.done $0x0  }
0x6f: {  	[sflag:s21] =	ssyncadd.s32 $0xFFFFD000  }
0x70: {  	_ =	swait.ge [sflag:s23], $0x3000  }
0x71: {  	s10 =	smov.u32 s9;
	s6 =	sadd.s32 $0xFFFFFFFF, s12;
	[sflag:s23] =	ssyncset.done $0x0  }
.LBB2_2:
0x72: {  	[sflag:s23] =	ssyncadd.s32 $0xFFFFD000;
	s11 =	sadd.s32 $0x80, s11  }
0x73: {  	[tilespmem:s4], [sflag:$0x7] =	stream.linear.gather [hbm4b:s11+s4], $0x400, $0x38;
	[tilespmem:$0x1D400] =	vst v63  }
0x74: {  	_ =	swait.ge [sflag:s13], $0x400  }
0x75: {  	[sflag:s13] =	ssyncset.done $0x0  }
0x76: {  	s10 =	sadd.s32 $0x80, s10;
	[sflag:s13] =	ssyncadd.s32 $0xFFFFFC00  }
0x77: {  	[tilespmem:s14], [sflag:$0x7] =	stream.linear.gather [hbm4b:s10+s4], $0x400, $0x38;
	[tilespmem:$0x1D400] =	vst v63  }
0x78: {  	_ =	swait.ge [sflag:s13], $0x400  }
0x79: {  	[sflag:s13] =	ssyncset.done $0x0  }
0x7a: {  	[sflag:s13] =	ssyncadd.s32 $0xFFFFFC00  }
0x7b: {  	[tilespmem:s16], [sflag:$0x1] =	stream.indirect.gather [hbm4b:s1+s15], $0x80, s4, s15, $0xb8;
	[tilespmem:$0x1D400] =	vst v63  }
0x7c: {  	s9 =	rddreg [dreg:$0x4]  }
0x7d: {  	[tilespmem:s17], [sflag:$0x2] =	stream.indirect.gather [hbm4b:s1+s15], $0x80, s9, s15, $0xb8;
	[tilespmem:$0x1D400] =	vst v63  }
0x7e: {  	_ =	swait.ge [sflag:s18], $0x3000  }
0x7f: {  	[sflag:s18] =	ssyncset.done $0x0  }
0x80: {  	s12 =	rddreg [dreg:$0x5];
	[sflag:s18] =	ssyncadd.s32 $0xFFFFD000  }
0x81: {  	[tilespmem:s19], [sflag:$0x3] =	stream.indirect.gather [hbm4b:s1+s15], $0x80, s12, s15, $0xb8;
	[tilespmem:$0x1D400] =	vst v63  }
0x82: {  	_ = 	snop  }
0x83: {  	[spmem:s3] =	stream.indirect.scatter.add.f32 [tilespmem:s16], [sflag:$0x4], $0x80, s14, s15, $0xb8;
	[tilespmem:$0x1D400] =	vst v63  }
0x84: {  	_ =	swait.ge [sflag:s20], $0x3000  }
0x85: {  	[sflag:s20] =	ssyncset.done $0x0  }
0x86: {  	[sflag:s20] =	ssyncadd.s32 $0xFFFFD000  }
0x87: {  	_ =	swait.ge [sflag:s21], $0x3000  }
0x88: {  	[sflag:s21] =	ssyncset.done $0x0  }
0x89: {  	s9 =	rddreg [dreg:$0x6];
	[sflag:s21] =	ssyncadd.s32 $0xFFFFD000  }
0x8a: {  	[tilespmem:s16], [sflag:$0x1] =	stream.indirect.gather [hbm4b:s1+s15], $0x80, s9, s15, $0xb8;
	[tilespmem:$0x1D400] =	vst v63  }
0x8b: {  	s12 =	rddreg [dreg:$0x7]  }
0x8c: {  	[spmem:s3] =	stream.indirect.scatter.add.f32 [tilespmem:s17], [sflag:$0x5], $0x80, s12, s15, $0xb8;
	[tilespmem:$0x1D400] =	vst v63  }
0x8d: {  	_ =	swait.ge [sflag:s22], $0x3000  }
0x8e: {  	[sflag:s22] =	ssyncset.done $0x0  }
0x8f: {  	[sflag:s22] =	ssyncadd.s32 $0xFFFFD000  }
0x90: {  	_ =	swait.ge [sflag:s23], $0x3000  }
0x91: {  	[sflag:s23] =	ssyncset.done $0x0  }
0x92: {  	[sflag:s23] =	ssyncadd.s32 $0xFFFFD000  }
0x93: {  	[tilespmem:s17], [sflag:$0x2] =	stream.indirect.gather [hbm4b:s1+s15], $0x80, s24, s15, $0xb8;
	[tilespmem:$0x1D400] =	vst v63  }
0x94: {  	_ = 	snop  }
0x95: {  	[spmem:s3] =	stream.indirect.scatter.add.f32 [tilespmem:s19], [sflag:$0x6], $0x80, s25, s15, $0xb8;
	[tilespmem:$0x1D400] =	vst v63  }
0x96: {  	_ =	swait.ge [sflag:s18], $0x3000  }
0x97: {  	[sflag:s18] =	ssyncset.done $0x0  }
0x98: {  	[sflag:s18] =	ssyncadd.s32 $0xFFFFD000  }
0x99: {  	_ =	swait.ge [sflag:s26], $0x3000  }
0x9a: {  	[sflag:s26] =	ssyncset.done $0x0  }
0x9b: {  	[sflag:s26] =	ssyncadd.s32 $0xFFFFD000  }
0x9c: {  	[tilespmem:s19], [sflag:$0x3] =	stream.indirect.gather [hbm4b:s1+s15], $0x80, s28, s15, $0xb8;
	[tilespmem:$0x1D400] =	vst v63  }
0x9d: {  	_ = 	snop  }
0x9e: {  	[spmem:s3] =	stream.indirect.scatter.add.f32 [tilespmem:s16], [sflag:$0x4], $0x80, s29, s15, $0xb8;
	[tilespmem:$0x1D400] =	vst v63  }
0x9f: {  	_ =	swait.ge [sflag:s20], $0x3000  }
0xa0: {  	[sflag:s20] =	ssyncset.done $0x0  }
0xa1: {  	[sflag:s20] =	ssyncadd.s32 $0xFFFFD000  }
0xa2: {  	_ =	swait.ge [sflag:s21], $0x3000  }
0xa3: {  	[sflag:s21] =	ssyncset.done $0x0  }
0xa4: {  	[sflag:s21] =	ssyncadd.s32 $0xFFFFD000  }
0xa5: {  	[tilespmem:s16], [sflag:$0x1] =	stream.indirect.gather [hbm4b:s1+s15], $0x80, s30, s15, $0xb8;
	[tilespmem:$0x1D400] =	vst v63  }
0xa6: {  	_ = 	snop  }
0xa7: {  	[spmem:s3] =	stream.indirect.scatter.add.f32 [tilespmem:s17], [sflag:$0x5], $0x80, s31, s15, $0xb8;
	[tilespmem:$0x1D400] =	vst v63  }
0xa8: {  	_ =	swait.ge [sflag:s22], $0x3000  }
0xa9: {  	[sflag:s22] =	ssyncset.done $0x0  }
0xaa: {  	[sflag:s22] =	ssyncadd.s32 $0xFFFFD000  }
0xab: {  	_ =	swait.ge [sflag:s23], $0x3000  }
0xac: {  	[sflag:s23] =	ssyncset.done $0x0  }
0xad: {  	[sflag:s23] =	ssyncadd.s32 $0xFFFFD000  }
0xae: {  	[tilespmem:s17], [sflag:$0x2] =	stream.indirect.gather [hbm4b:s1+s15], $0x80, s2, s15, $0xb8;
	[tilespmem:$0x1D400] =	vst v63  }
0xaf: {  	_ = 	snop  }
0xb0: {  	[spmem:s3] =	stream.indirect.scatter.add.f32 [tilespmem:s19], [sflag:$0x6], $0x80, s0, s15, $0xb8;
	[tilespmem:$0x1D400] =	vst v63  }
0xb1: {  	_ =	swait.ge [sflag:s18], $0x3000  }
0xb2: {  	[sflag:s18] =	ssyncset.done $0x0  }
0xb3: {  	[sflag:s18] =	ssyncadd.s32 $0xFFFFD000  }
0xb4: {  	[spmem:s3] =	stream.indirect.scatter.add.f32 [tilespmem:s16], [sflag:$0x4], $0x80, s5, s15, $0xb8;
	[tilespmem:$0x1D400] =	vst v63  }
0xb5: {  	_ =	swait.ge [sflag:s20], $0x3000  }
0xb6: {  	[sflag:s20] =	ssyncset.done $0x0  }
0xb7: {  	[sflag:s20] =	ssyncadd.s32 $0xFFFFD000  }
0xb8: {  	[spmem:s3] =	stream.indirect.scatter.add.f32 [tilespmem:s17], [sflag:$0x5], $0x80, s7, s15, $0xb8;
	[tilespmem:$0x1D400] =	vst v63  }
0xb9: {  	_ =	swait.ge [sflag:s26], $0x3000  }
0xba: {  	[sflag:s26] =	ssyncset.done $0x0  }
0xbb: {  	p0 =	sne.s32 s6, $0x1;
	[sflag:s26] =	ssyncadd.s32 $0xFFFFD000  }
.Ltmp1:
0xbc: {  	_ =	swait.ge [sflag:s21], $0x3000;
	(pc) =	sbr.rel @p0 .LBB2_2-.Ltmp1, $4  }
0xbd: {  	[sflag:s21] =	ssyncset.done $0x0  }
0xbe: {  	[sflag:s21] =	ssyncadd.s32 $0xFFFFD000  }
0xbf: {  	_ =	swait.ge [sflag:s23], $0x3000  }
0xc0: {  	s6 =	sadd.s32 $0xFFFFFFFF, s6;
	[sflag:s23] =	ssyncset.done $0x0  }
.LBB2_3:
0xc1: {  	[sflag:s23] =	ssyncadd.s32 $0xFFFFD000  }
0xc2: {  	[bflag:$0x0] =	sbarrier.arrive $0xFFFF  }
0xc3: {  	s9 =	rddreg [dreg:$0x9]  }
0xc4: {  	s6 =	rddreg [dreg:$0xa]  }
0xc5: {  	s10 =	rddreg [dreg:$0xf]  }
0xc6: {  	[hbm:s6], [sflag:s9] =	dma.local [spmem:s10], $0x2780  }
0xc7: {  	_ =	swait.ge [sflag:s13], $0x2780  }
0xc8: {  	s8 =	sadd.s32 $0x1, s8;
	s12 =	rddreg [dreg:$0xb]  }
0xc9: {  	p0 =	sne.s32 s8, s12  }
.Ltmp2:
0xca: {  	_ = 	snop;
	(pc) =	sbr.rel @p0 .LBB2_1-.Ltmp2, $3  }
0xcb: {  	_ =	sdelay $0x1  }
0xcc: {  	[sflag:s13] =	ssyncset.done $0x0  }
0xcd: {  	[sflag:s13] =	ssyncadd.s32 $0xFFFFD880  }
0xce: {  	_ =	sfence.sel $0x180000  }
0xcf: {  	[bflag:$0x0] =	sbarrier.arrive $0xFFFF  }
0xd0: {  	_ =	strace $0x9000004D  }
0xd1: {  	s0 =	stileid.u32;
	[bflag:$0x2] =	sbarrier.arrive $0xFFFF  }
0xd2: {  	p0 =	sne.s32 s0, $0x0;
	s0 =	rddreg [dreg:$0x3]  }
0xd3: {  	s0 =	sadd.s32 @!p0 $0x100000, s0  }
0xd4: {  	[sflag:s0] =	ssyncadd.tile.s32 @!p0 $0x1;
	_ =	shalt  }
.Lfunc_end2:
_tile_overlayer_lowered:
.L_overlay_start_2:
0xd5: {  	(tag) =	ssettag $0x2  }
0xd6: {  	s0 =	rddreg [dreg:$0x0];
	s2 =	stileid.u32  }
0xd7: {  	s1 =	rddreg [dreg:$0x1];
	p0 =	sne.s32 s2, $0x0  }
0xd8: {  	s3 =	rddreg [dreg:$0x2];
	[bflag:$0x3] =	sbarrier.arrive $0xFFFF;
	s2 =	simm.s32 @!p0 $0x1C07  }
0xd9: {  	[timem:s3], [sflag:s2] =	dma.local @!p0 [hbm:s0], s1  }
0xda: {  	s0 =	simm.s32 @!p0 $0x7  }
0xdb: {  	_ =	swait.ge @!p0 [sflag:s0], s1  }
0xdc: {  	s1 =	ssub.s32 @!p0 $0x0, s1;
	[sflag:s0] =	ssyncset.done @!p0 $0x0  }
0xdd: {  	[sflag:s0] =	ssyncadd.s32 @!p0 s1  }
0xde: {  	[bflag:$0x3] =	sbarrier.arrive $0xFFFF  }
0xdf: {  	_ =	shalt  }

// kernel: kernel.9.cloned.1.call-start
scs
__scs_entry_jumppad:
0x0: {  	(pc) =	sbr.rel $0x88, $3  }
0x1: {  	(tag) =	ssettag $0x0;
	lr =	simm.s32 $0x1  }
0x2: {  	[smem:$0x3F9B] =	sst lr;
	_ =	strace $0xD0000000  }
0x3: {  	_ = 	snop  }
0x4: {  	_ = 	snop  }
0x5: {  	_ = 	snop  }
0x6: {  	_ = 	snop  }
0x7: {  	_ = 	snop  }
__scs_overlays_trampoline_lowered:
0x8: {  	[smem:$0x3FAA] =	sst s0  }
0x9: {  	[smem:$0x3FAB] =	sst s1  }
0xa: {  	[smem:$0x3FAC] =	sst s2  }
0xb: {  	[smem:$0x3FAD] =	sst s3  }
0xc: {  	[smem:$0x3FAE] =	sst s4  }
0xd: {  	[smem:$0x3FAF] =	sst s5  }
0xe: {  	[smem:$0x3FB0] =	sst s6  }
0xf: {  	[smem:$0x3FB1] =	sst s7  }
0x10: {  	[smem:$0x3FB2] =	sst s8  }
0x11: {  	[smem:$0x3FB3] =	sst s9;
	s0 =	simm.s32 @!p0 $0x0  }
0x12: {  	s1 =	sld [smem:$0x3F99];
	s0 =	simm.s32 @p0 $0x1  }
0x13: {  	[smem:$0x3FB4] =	sst s0;
	s0 =	simm.s32 @!p1 $0x0  }
0x14: {  	s2 =	sld [smem:$0x3F98];
	s0 =	simm.s32 @p1 $0x1  }
0x15: {  	[smem:$0x3FB5] =	sst s0;
	s0 =	simm.s32 @!p2 $0x0  }
0x16: {  	s3 =	sld [smem:$0x3FDB];
	s0 =	simm.s32 @p2 $0x1  }
0x17: {  	s4 =	simm.s32 $0x1BF5;
	[smem:$0x3FB7] =	sst s0  }
0x18: {  	s0 =	sld [smem:$0x3F9A];
	_ =	swait.ge [sflag:s4], $0x0  }
0x19: {  	s7 =	sld [smem:$0x3F9B]  }
0x1a: {  	s8 =	sadd.s32 $0xFFFFE003, lr  }
0x1b: {  	s9 =	sadd.s32 $0xFFFFFEF7, lr;
	s5 =	simm.s32 $0xFFFFFFFF;
	p2 =	slt.u32 s8, $0xFFFFF086  }
0x1c: {  	p1 =	slt.u32 s9, $0xF7A;
	s5 =	simm.s32 @!p2 $0x0  }
0x1d: {  	s5 =	simm.s32 @p1 $0x1;
	p0 =	seq.s32 s7, s2  }
0x1e: {  	s7 =	smul.u32 @!p0 $0xF7A, s2;
	p2 =	seq.s32 @!p0 s5, $0x0  }
0x1f: {  	s9 =	smul.u32 $0xF7A, s1;
	s8 =	simm.s32 @!p0 $0x1BF5;
	p2 =	por !p2, p0  }
0x20: {  	[sflag:s8] =	ssyncset.s32 @!p0 $0xFFFFF086;
	s6 =	sadd.s32 @!p0 s3, s7;
	s7 =	simm.s32 @!p0 $0x108  }
0x21: {  	s3 =	sadd.s32 s3, s9;
	s6 =	sadd.s32 @!p0 $0x88, s6;
	s7 =	simm.s32 @p2 $0x1082  }
0x22: {  	[simem:s7], [sflag:s8] =	dma.local @!p0 [hbm:s6], $0xF7A  }
0x23: {  	s9 =	sor.u32 $0xD0000000, s2;
	s6 =	simm.s32 $0x108;
	_ =	swait.ge @!p0 [sflag:s8], $0x0  }
0x24: {  	s3 =	sadd.s32 $0x88, s3;
	s6 =	simm.s32 @!p1 $0x1082;
	[sflag:s4] =	ssyncset.s32 $0xFFFFF086  }
0x25: {  	[simem:s6], [sflag:s4] =	dma.local [hbm:s3], $0xF7A  }
0x26: {  	[smem:$0x3F9B] =	sst s1;
	(tag) =	ssettag s2;
	_ =	strace s9  }
0x27: {  	s1 =	sld [smem:$0x3FAB]  }
0x28: {  	s2 =	sld [smem:$0x3FAC]  }
0x29: {  	s4 =	sld [smem:$0x3FAE]  }
0x2a: {  	p0 =	seq.s32 s5, $0x0;
	s5 =	sld [smem:$0x3FAF]  }
0x2b: {  	s6 =	sld [smem:$0x3FB0]  }
0x2c: {  	s7 =	sld [smem:$0x3FB1]  }
0x2d: {  	s3 =	simm.s32 $0x108;
	s8 =	sld [smem:$0x3FB2]  }
0x2e: {  	s3 =	simm.s32 @!p0 $0x1082;
	s9 =	sld [smem:$0x3FB3]  }
0x2f: {  	lr =	sadd.s32 s0, s3;
	s0 =	sld [smem:$0x3FAA]  }
0x30: {  	s3 =	sld [smem:$0x3FAD]  }
0x31: {  	[smem:$0x3FB6] =	sst s10  }
0x32: {  	s10 =	sld [smem:$0x3FB4];
	_ =	sdelay $0x3  }
0x33: {  	p0 =	seq.s32 s10, $0x1;
	s10 =	sld [smem:$0x3FB6];
	_ =	sdelay $0x3  }
0x34: {  	[smem:$0x3FB6] =	sst s10  }
0x35: {  	s10 =	sld [smem:$0x3FB5];
	_ =	sdelay $0x3  }
0x36: {  	p1 =	seq.s32 s10, $0x1;
	s10 =	sld [smem:$0x3FB6];
	_ =	sdelay $0x3  }
0x37: {  	[smem:$0x3FB6] =	sst s10  }
0x38: {  	s10 =	sld [smem:$0x3FB7]  }
0x39: {  	_ = 	snop;
	(pc) =	sbr.ind lr, $3  }
0x3a: {  	_ = 	snop  }
0x3b: {  	_ = 	snop  }
0x3c: {  	p2 =	seq.s32 s10, $0x1;
	s10 =	sld [smem:$0x3FB6]  }
0x3d: {  	_ =	shalt  }
0x3e: {  	_ =	shalt  }
0x3f: {  	_ =	shalt  }
0x40: {  	_ =	shalt  }
0x41: {  	_ =	shalt  }
0x42: {  	_ =	shalt  }
0x43: {  	_ =	shalt  }
0x44: {  	_ =	shalt  }
0x45: {  	_ =	shalt  }
0x46: {  	_ =	shalt  }
0x47: {  	_ =	shalt  }
0x48: {  	_ =	shalt  }
0x49: {  	_ =	shalt  }
0x4a: {  	_ =	shalt  }
0x4b: {  	_ =	shalt  }
0x4c: {  	_ =	shalt  }
0x4d: {  	_ =	shalt  }
0x4e: {  	_ =	shalt  }
0x4f: {  	_ =	shalt  }
0x50: {  	_ =	shalt  }
0x51: {  	_ =	shalt  }
0x52: {  	_ =	shalt  }
0x53: {  	_ =	shalt  }
0x54: {  	_ =	shalt  }
0x55: {  	_ =	shalt  }
0x56: {  	_ =	shalt  }
0x57: {  	_ =	shalt  }
0x58: {  	_ =	shalt  }
0x59: {  	_ =	shalt  }
0x5a: {  	_ =	shalt  }
0x5b: {  	_ =	shalt  }
0x5c: {  	_ =	shalt  }
0x5d: {  	_ =	shalt  }
0x5e: {  	_ =	shalt  }
0x5f: {  	_ =	shalt  }
0x60: {  	_ =	shalt  }
0x61: {  	_ =	shalt  }
0x62: {  	_ =	shalt  }
0x63: {  	_ =	shalt  }
0x64: {  	_ =	shalt  }
0x65: {  	_ =	shalt  }
0x66: {  	_ =	shalt  }
0x67: {  	_ =	shalt  }
0x68: {  	_ =	shalt  }
0x69: {  	_ =	shalt  }
0x6a: {  	_ =	shalt  }
0x6b: {  	_ =	shalt  }
0x6c: {  	_ =	shalt  }
0x6d: {  	_ =	shalt  }
0x6e: {  	_ =	shalt  }
0x6f: {  	_ =	shalt  }
0x70: {  	_ =	shalt  }
0x71: {  	_ =	shalt  }
0x72: {  	_ =	shalt  }
0x73: {  	_ =	shalt  }
0x74: {  	_ =	shalt  }
0x75: {  	_ =	shalt  }
0x76: {  	_ =	shalt  }
0x77: {  	_ =	shalt  }
0x78: {  	_ =	shalt  }
0x79: {  	_ =	shalt  }
0x7a: {  	_ =	shalt  }
0x7b: {  	_ =	shalt  }
0x7c: {  	_ =	shalt  }
0x7d: {  	_ =	shalt  }
0x7e: {  	_ =	shalt  }
0x7f: {  	_ =	shalt  }
0x80: {  	_ =	shalt  }
0x81: {  	_ =	shalt  }
0x82: {  	_ =	shalt  }
0x83: {  	_ =	shalt  }
0x84: {  	_ =	shalt  }
0x85: {  	_ =	shalt  }
0x86: {  	_ =	shalt  }
0x87: {  	_ =	shalt  }
.Lfunc_end0:
.L_simem_size_0:
called_computation_lowered:
.L_overlay_start_0:
0x88: {  	s2 =	sld [smem:$0x3FD9]  }
0x89: {  	s3 =	sld [smem:$0x3FFE];
	_ =	sdelay $0x1  }
0x8a: {  	s1 =	srdreg.scid  }
0x8b: {  	s0 =	sand.u32 $0x1, s1  }
0x8c: {  	s16 =	sshll.u32 s0, $0xA;
	s2 =	sadd.s32 s3, s2  }
0x8d: {  	s2 =	sadd.s32 s2, s16  }
0x8e: {  	[smem:$0x3FC2] =	sst s2  }
0x8f: {  	_ = 	snop  }
0x90: {  	(tm) =	ssettm $0x1  }
0x91: {  	s17 =	sld [smem:$0x3FFB];
	_ =	sdelay $0x3  }
0x92: {  	_ =	strace s17  }
0x93: {  	s2 =	sld [smem:$0x3FFC];
	_ =	sdelay $0x3  }
0x94: {  	_ =	strace s2  }
0x95: {  	s2 =	sld [smem:$0x3FFD];
	_ =	sdelay $0x3  }
0x96: {  	_ =	strace s2  }
0x97: {  	_ =	strace $0x8FFFFFFF  }
0x98: {  	s18 =	sld [smem:$0x3FDB];
	_ =	sdelay $0x1  }
0x99: {  	s19 =	simm.s32 $_scs_section_size  }
0x9a: {  	s4 =	simm.s32 $_size__tile_overlayer_lowered;
	s5 =	simm.s32 $_tile_overlayer_lowered  }
0x9b: {  	s22 =	simm.s32 $0x1BFF;
	s21 =	sshll.u32 s5, $0x1;
	s2 =	sadd.s32 s19, s18  }
0x9c: {  	s6 =	simm.s32 $0x0;
	s20 =	sshll.u32 s4, $0x1;
	s4 =	sadd.s32 s21, s2  }
0x9d: {  	[timem:s6], [sflag:s22] =	dma.local [hbm:s4], s20  }
0x9e: {  	_ =	swait.ge [sflag:s22], s20  }
0x9f: {  	s3 =	ssub.s32 $0x0, s20;
	[sflag:s22] =	ssyncset.done $0x0  }
0xa0: {  	[sflag:s22] =	ssyncadd.s32 s3;
	_ =	sdelay $0x1  }
0xa1: {  	s23 =	simm.s32 $0x1B8B  }
0xa2: {  	_ =	swait.ge [sflag:s23], $0x1  }
0xa3: {  	[sflag:s23] =	ssyncset.done $0x0  }
0xa4: {  	s25 =	simm.s32 $0x1B8E;
	s24 =	sld [smem:$0x3FFE];
	[sflag:s23] =	ssyncadd.s32 $0xFFFFFFFF  }
0xa5: {  	s26 =	simm.s32 $execute0_lowered;
	[smem:$0x3FD2] =	sst s25  }
0xa6: {  	s4 =	sshll.u32 s26, $0x1;
	_ =	strace $0x80000046;
	[dreg:$0x1] =	wrdreg $0xFFFFFFFF  }
0xa7: {  	s28 =	simm.s32 $_size_execute0_lowered;
	s2 =	sadd.s32 s2, s4;
	[dreg:$0x0] =	wrdreg $0x0  }
0xa8: {  	s4 =	sshll.u32 s28, $0x1;
	[dreg:$0x2] =	wrdreg s2  }
0xa9: {  	[dreg:$0x3] =	wrdreg s4  }
0xaa: {  	[dreg:$0x4] =	wrdreg $0xC0  }
0xab: {  	_ =	task [dreg:s6], $0x5FFFF  }
0xac: {  	[dreg:$0x1] =	wrdreg $0xFFFFFFFF  }
0xad: {  	[dreg:$0x0] =	wrdreg $0x60  }
0xae: {  	[dreg:$0x2] =	wrdreg s24  }
0xaf: {  	[dreg:$0x3] =	wrdreg $0x9C000  }
0xb0: {  	[dreg:$0x4] =	wrdreg $0x9  }
0xb1: {  	_ =	task.clear_ibuf [dreg:s6], $0x5FFFF;
	_ =	strace $0x90000046  }
0xb2: {  	s29 =	simm.s32 $0x9;
	_ =	strace $0x80000048  }
0xb3: {  	_ =	swait.ge [sflag:s29], $0x1  }
0xb4: {  	[sflag:s29] =	ssyncadd.s32 $0xFFFFFFFF  }
0xb5: {  	_ =	strace $0x90000048  }
0xb6: {  	_ =	sfence  }
0xb7: {  	s30 =	sld [smem:$0x0];
	_ =	sdelay $0x2  }
0xb8: {  	s31 =	sshll.u32 s1, $0xD;
	s1 =	sshrl.u32 s1, $0x2  }
0xb9: {  	s3 =	sand.u32 $0x4000, s31;
	s1 =	sadd.s32 s1, s30  }
0xba: {  	s0 =	sor.u32 s3, s0;
	s1 =	sshll.u32 s1, $0x11  }
0xbb: {  	s0 =	sor.u32 s1, s0  }
0xbc: {  	s0 =	sadd.s32 $0x8F2B, s0  }
0xbd: {  	[sflag:s0] =	ssyncadd.remote.s32 $0x1  }
0xbe: {  	_ =	sfence.sel $0xFFFF  }
0xbf: {  	[dreg:$0x0] =	wrdreg $0xFFFFFFFF;
	(pc) =	sbr.abs _section_cstart, $3  }
0xc0: {  	[dreg:$0x1] =	wrdreg $0xFFFFFFFF  }
0xc1: {  	_ =	task.clear_ibuf [dreg:s6], $0x2FFFF;
	_ =	strace $0x9FFFFFFF  }
0xc2: {  	(tm) =	ssettm $0x7FFFFFFF  }
0xc3: {  	_ =	shalt  }
tec
execute0_lowered:
.L_overlay_start_1:
0x0: {  	(tag) =	ssettag $0x1  }
0x1: {  	s6 =	rddreg [dreg:$0x0]  }
0x2: {  	s0 =	srdreg.scid;
	s2 =	rddreg [dreg:$0x1]  }
0x3: {  	s1 =	rddreg [dreg:$0x2];
	s5 =	sand.u32 $0x1, s0  }
0x4: {  	s3 =	simm.s32 $0x0;
	s0 =	stileid.u32;
	s4 =	smul.u32 $0x6C000, s5  }
0x5: {  	s13 =	simm.s32 $0x60;
	s14 =	simm.s32 $0x1;
	s7 =	smul.u32 $0x6C00, s0  }
0x6: {  	s15 =	simm.s32 $0x0;
	[smem:$0x7FF] =	sst s3;
	s29 =	smul.u32 $0x13C000, s5  }
0x7: {  	s8 =	smul.u32 $0x13C00, s0;
	_ =	strace $0x80000047;
	s30 =	ssub.s32 $0x2, s5  }
0x8: {  	s10 =	smul.u32 $0x4F000, s0;
	s5 =	sadd.s32 $0x1EE00, s6;
	s31 =	sshll.u32 s0, $0x6  }
0x9: {  	s11 =	sshrl.u32 s30, $0x1;
	s4 =	sadd.s32 s7, s4;
	s7 =	sadd.s32 s8, s29  }
0xa: {  	s8 =	ssub.s32 s30, s11;
	s10 =	sshrl.u32 s10, $0x2;
	s11 =	sor.u32 $0x1C02, s31  }
0xb: {  	s4 =	sshrl.u32 s4, $0x3;
	s7 =	sshrl.u32 s7, $0x3;
	s12 =	sadd.s32 s10, s2  }
0xc: {  	s8 =	smax.u32 s8, $0x1;
	s10 =	simm.s32 $0x6C00;
	s9 =	sadd.s32 s4, s6  }
0xd: {  	s4 =	sadd.s32 $0x1E800, s6;
	s7 =	sadd.s32 s7, s6;
	s12 =	sshrl.u32 s12, $0x3  }
0xe: {  	s6 =	sadd.s32 $0x3800, s9;
	s7 =	sadd.s32 $0x21600, s7;
	s9 =	simm.s32 $0x2  }
.LBB2_1:
0xf: {  	[tilespmem:s3], [sflag:$0x2] =	stream.linear.gather [hbm4b:s6+s3], $0x6C00, $0x38;
	[tilespmem:$0x1D800] =	vst v63  }
0x10: {  	_ =	swait.ge [sflag:s9], $0x6C00  }
0x11: {  	[sflag:s9] =	ssyncset.done $0x0  }
0x12: {  	[sflag:s9] =	ssyncadd.s32 $0xFFFF9400  }
0x13: {  	[tilespmem:s10], [sflag:$0x2] =	stream.linear.gather [hbm4b:s4+s3], $0x3000, $0x38;
	[tilespmem:$0x1D800] =	vst v63  }
0x14: {  	_ =	swait.ge [sflag:s9], $0x3000  }
0x15: {  	[sflag:s9] =	ssyncset.done $0x0  }
0x16: {  	[sflag:s9] =	ssyncadd.s32 $0xFFFFD000  }
0x17: {  	[spmem:s12], [sflag:s11] =	dma.local [hbm:s5], $0x2780  }
0x18: {  	_ =	swait.ge [sflag:s9], $0x2780  }
0x19: {  	[sflag:s9] =	ssyncset.done $0x0  }
0x1a: {  	[sflag:s9] =	ssyncadd.s32 $0xFFFFD880  }
0x1b: {  	s16 =	simm.s32 $0x0;
	[bflag:$0x0] =	sbarrier.arrive $0xFFFF  }
0x1c: {  	[spmem:s2] =	stream.indirect.scatter.add.f32 [tilespmem:s10], [sflag:$0x1], $0x80, s16, s13, $0xb8;
	[tilespmem:$0x1D800] =	vst v63  }
0x1d: {  	s24 =	simm.s32 $0x80  }
0x1e: {  	[spmem:s2] =	stream.indirect.scatter.add.f32 [tilespmem:s10], [sflag:$0x1], $0x80, s24, s13, $0xb8;
	[tilespmem:$0x1D800] =	vst v63  }
0x1f: {  	s25 =	simm.s32 $0x100  }
0x20: {  	[spmem:s2] =	stream.indirect.scatter.add.f32 [tilespmem:s10], [sflag:$0x1], $0x80, s25, s13, $0xb8;
	[tilespmem:$0x1D800] =	vst v63  }
0x21: {  	s26 =	simm.s32 $0x180  }
0x22: {  	[spmem:s2] =	stream.indirect.scatter.add.f32 [tilespmem:s10], [sflag:$0x1], $0x80, s26, s13, $0xb8;
	[tilespmem:$0x1D800] =	vst v63  }
0x23: {  	s28 =	simm.s32 $0x200  }
0x24: {  	[spmem:s2] =	stream.indirect.scatter.add.f32 [tilespmem:s10], [sflag:$0x1], $0x80, s28, s13, $0xb8;
	[tilespmem:$0x1D800] =	vst v63  }
0x25: {  	s29 =	simm.s32 $0x280  }
0x26: {  	[spmem:s2] =	stream.indirect.scatter.add.f32 [tilespmem:s10], [sflag:$0x1], $0x80, s29, s13, $0xb8;
	[tilespmem:$0x1D800] =	vst v63  }
0x27: {  	s30 =	simm.s32 $0x300  }
0x28: {  	[spmem:s2] =	stream.indirect.scatter.add.f32 [tilespmem:s10], [sflag:$0x1], $0x80, s30, s13, $0xb8;
	[tilespmem:$0x1D800] =	vst v63  }
0x29: {  	s31 =	simm.s32 $0x380  }
0x2a: {  	[spmem:s2] =	stream.indirect.scatter.add.f32 [tilespmem:s10], [sflag:$0x1], $0x80, s31, s13, $0xb8;
	[tilespmem:$0x1D800] =	vst v63  }
0x2b: {  	_ =	swait.ge [sflag:s14], $0x3000  }
0x2c: {  	[sflag:s14] =	ssyncset.done $0x0  }
0x2d: {  	[sflag:s14] =	ssyncadd.s32 $0xFFFFD000  }
0x2e: {  	_ =	swait.ge [sflag:s14], $0x3000  }
0x2f: {  	[sflag:s14] =	ssyncset.done $0x0  }
0x30: {  	[sflag:s14] =	ssyncadd.s32 $0xFFFFD000  }
0x31: {  	_ =	swait.ge [sflag:s14], $0x3000  }
0x32: {  	[sflag:s14] =	ssyncset.done $0x0  }
0x33: {  	[sflag:s14] =	ssyncadd.s32 $0xFFFFD000  }
0x34: {  	_ =	swait.ge [sflag:s14], $0x3000  }
0x35: {  	[sflag:s14] =	ssyncset.done $0x0  }
0x36: {  	[sflag:s14] =	ssyncadd.s32 $0xFFFFD000  }
0x37: {  	_ =	swait.ge [sflag:s14], $0x3000  }
0x38: {  	[sflag:s14] =	ssyncset.done $0x0  }
0x39: {  	[sflag:s14] =	ssyncadd.s32 $0xFFFFD000  }
0x3a: {  	_ =	swait.ge [sflag:s14], $0x3000  }
0x3b: {  	[sflag:s14] =	ssyncset.done $0x0  }
0x3c: {  	[sflag:s14] =	ssyncadd.s32 $0xFFFFD000  }
0x3d: {  	_ =	swait.ge [sflag:s14], $0x3000  }
0x3e: {  	[sflag:s14] =	ssyncset.done $0x0  }
0x3f: {  	[sflag:s14] =	ssyncadd.s32 $0xFFFFD000  }
0x40: {  	_ =	swait.ge [sflag:s14], $0x3000  }
0x41: {  	s18 =	simm.s32 $0x2000;
	s16 =	simm.s32 $0x1000;
	[sflag:s14] =	ssyncset.done $0x0  }
.LBB2_2:
0x42: {  	s19 =	sshra.s32 s16, $0x2  }
0x43: {  	[sflag:s14] =	ssyncadd.s32 $0xFFFFD000;
	s16 =	smov.u32 s18;
	s17 =	sadd.s32 $0x1000, s18  }
0x44: {  	[spmem:s2] =	stream.indirect.scatter.add.f32 [tilespmem:s10], [sflag:$0x1], $0x80, s19, s13, $0xb8;
	[tilespmem:$0x1D800] =	vst v63  }
0x45: {  	p0 =	sne.s32 s18, $0x1A000;
	s18 =	sadd.s32 $0x80, s19  }
0x46: {  	[spmem:s2] =	stream.indirect.scatter.add.f32 [tilespmem:s10], [sflag:$0x1], $0x80, s18, s13, $0xb8;
	[tilespmem:$0x1D800] =	vst v63  }
0x47: {  	s18 =	sadd.s32 $0x100, s19  }
0x48: {  	[spmem:s2] =	stream.indirect.scatter.add.f32 [tilespmem:s10], [sflag:$0x1], $0x80, s18, s13, $0xb8;
	[tilespmem:$0x1D800] =	vst v63  }
0x49: {  	s18 =	sadd.s32 $0x180, s19  }
0x4a: {  	[spmem:s2] =	stream.indirect.scatter.add.f32 [tilespmem:s10], [sflag:$0x1], $0x80, s18, s13, $0xb8;
	[tilespmem:$0x1D800] =	vst v63  }
0x4b: {  	s18 =	sadd.s32 $0x200, s19  }
0x4c: {  	[spmem:s2] =	stream.indirect.scatter.add.f32 [tilespmem:s10], [sflag:$0x1], $0x80, s18, s13, $0xb8;
	[tilespmem:$0x1D800] =	vst v63  }
0x4d: {  	s18 =	sadd.s32 $0x280, s19  }
0x4e: {  	[spmem:s2] =	stream.indirect.scatter.add.f32 [tilespmem:s10], [sflag:$0x1], $0x80, s18, s13, $0xb8;
	[tilespmem:$0x1D800] =	vst v63  }
0x4f: {  	s18 =	sadd.s32 $0x300, s19  }
0x50: {  	[spmem:s2] =	stream.indirect.scatter.add.f32 [tilespmem:s10], [sflag:$0x1], $0x80, s18, s13, $0xb8;
	[tilespmem:$0x1D800] =	vst v63  }
0x51: {  	s18 =	sadd.s32 $0x380, s19  }
0x52: {  	[spmem:s2] =	stream.indirect.scatter.add.f32 [tilespmem:s10], [sflag:$0x1], $0x80, s18, s13, $0xb8;
	[tilespmem:$0x1D800] =	vst v63  }
0x53: {  	_ =	swait.ge [sflag:s14], $0x3000  }
0x54: {  	[sflag:s14] =	ssyncset.done $0x0  }
0x55: {  	[sflag:s14] =	ssyncadd.s32 $0xFFFFD000  }
0x56: {  	_ =	swait.ge [sflag:s14], $0x3000  }
0x57: {  	[sflag:s14] =	ssyncset.done $0x0  }
0x58: {  	[sflag:s14] =	ssyncadd.s32 $0xFFFFD000  }
0x59: {  	_ =	swait.ge [sflag:s14], $0x3000  }
0x5a: {  	[sflag:s14] =	ssyncset.done $0x0  }
0x5b: {  	[sflag:s14] =	ssyncadd.s32 $0xFFFFD000  }
0x5c: {  	_ =	swait.ge [sflag:s14], $0x3000  }
0x5d: {  	[sflag:s14] =	ssyncset.done $0x0  }
0x5e: {  	[sflag:s14] =	ssyncadd.s32 $0xFFFFD000  }
0x5f: {  	_ =	swait.ge [sflag:s14], $0x3000  }
0x60: {  	[sflag:s14] =	ssyncset.done $0x0  }
0x61: {  	[sflag:s14] =	ssyncadd.s32 $0xFFFFD000  }
0x62: {  	_ =	swait.ge [sflag:s14], $0x3000  }
0x63: {  	[sflag:s14] =	ssyncset.done $0x0  }
0x64: {  	[sflag:s14] =	ssyncadd.s32 $0xFFFFD000  }
.Ltmp0:
0x65: {  	_ =	swait.ge [sflag:s14], $0x3000;
	(pc) =	sbr.rel @p0 .LBB2_2-.Ltmp0, $4  }
0x66: {  	[sflag:s14] =	ssyncset.done $0x0  }
0x67: {  	[sflag:s14] =	ssyncadd.s32 $0xFFFFD000  }
0x68: {  	_ =	swait.ge [sflag:s14], $0x3000  }
0x69: {  	s18 =	smov.u32 s17;
	[sflag:s14] =	ssyncset.done $0x0  }
0x6a: {  	s16 =	sshra.s32 s16, $0x2;
	[sflag:s14] =	ssyncadd.s32 $0xFFFFD000  }
0x6b: {  	[spmem:s2] =	stream.indirect.scatter.add.f32 [tilespmem:s10], [sflag:$0x1], $0x80, s16, s13, $0xb8;
	[tilespmem:$0x1D800] =	vst v63  }
0x6c: {  	s17 =	sadd.s32 $0x80, s16  }
0x6d: {  	[spmem:s2] =	stream.indirect.scatter.add.f32 [tilespmem:s10], [sflag:$0x1], $0x80, s17, s13, $0xb8;
	[tilespmem:$0x1D800] =	vst v63  }
0x6e: {  	s26 =	sadd.s32 $0x100, s16  }
0x6f: {  	[spmem:s2] =	stream.indirect.scatter.add.f32 [tilespmem:s10], [sflag:$0x1], $0x80, s26, s13, $0xb8;
	[tilespmem:$0x1D800] =	vst v63  }
0x70: {  	s28 =	sadd.s32 $0x180, s16  }
0x71: {  	[spmem:s2] =	stream.indirect.scatter.add.f32 [tilespmem:s10], [sflag:$0x1], $0x80, s28, s13, $0xb8;
	[tilespmem:$0x1D800] =	vst v63  }
0x72: {  	s29 =	sadd.s32 $0x200, s16  }
0x73: {  	[spmem:s2] =	stream.indirect.scatter.add.f32 [tilespmem:s10], [sflag:$0x1], $0x80, s29, s13, $0xb8;
	[tilespmem:$0x1D800] =	vst v63  }
0x74: {  	s30 =	sadd.s32 $0x280, s16  }
0x75: {  	[spmem:s2] =	stream.indirect.scatter.add.f32 [tilespmem:s10], [sflag:$0x1], $0x80, s30, s13, $0xb8;
	[tilespmem:$0x1D800] =	vst v63  }
0x76: {  	s31 =	sadd.s32 $0x300, s16  }
0x77: {  	[spmem:s2] =	stream.indirect.scatter.add.f32 [tilespmem:s10], [sflag:$0x1], $0x80, s31, s13, $0xb8;
	[tilespmem:$0x1D800] =	vst v63  }
0x78: {  	s16 =	sadd.s32 $0x380, s16  }
0x79: {  	[spmem:s2] =	stream.indirect.scatter.add.f32 [tilespmem:s10], [sflag:$0x1], $0x80, s16, s13, $0xb8;
	[tilespmem:$0x1D800] =	vst v63  }
0x7a: {  	_ =	swait.ge [sflag:s14], $0x3000  }
0x7b: {  	[sflag:s14] =	ssyncset.done $0x0  }
0x7c: {  	[sflag:s14] =	ssyncadd.s32 $0xFFFFD000  }
0x7d: {  	_ =	swait.ge [sflag:s14], $0x3000  }
0x7e: {  	[sflag:s14] =	ssyncset.done $0x0  }
0x7f: {  	[sflag:s14] =	ssyncadd.s32 $0xFFFFD000  }
0x80: {  	_ =	swait.ge [sflag:s14], $0x3000  }
0x81: {  	[sflag:s14] =	ssyncset.done $0x0  }
0x82: {  	[sflag:s14] =	ssyncadd.s32 $0xFFFFD000  }
0x83: {  	_ =	swait.ge [sflag:s14], $0x3000  }
0x84: {  	[sflag:s14] =	ssyncset.done $0x0  }
0x85: {  	[sflag:s14] =	ssyncadd.s32 $0xFFFFD000  }
0x86: {  	_ =	swait.ge [sflag:s14], $0x3000  }
0x87: {  	[sflag:s14] =	ssyncset.done $0x0  }
0x88: {  	[sflag:s14] =	ssyncadd.s32 $0xFFFFD000  }
0x89: {  	_ =	swait.ge [sflag:s14], $0x3000  }
0x8a: {  	[sflag:s14] =	ssyncset.done $0x0  }
0x8b: {  	[sflag:s14] =	ssyncadd.s32 $0xFFFFD000  }
0x8c: {  	_ =	swait.ge [sflag:s14], $0x3000  }
0x8d: {  	[sflag:s14] =	ssyncset.done $0x0  }
0x8e: {  	[sflag:s14] =	ssyncadd.s32 $0xFFFFD000  }
0x8f: {  	_ =	swait.ge [sflag:s14], $0x3000  }
0x90: {  	s15 =	sadd.s32 $0x1, s15;
	[sflag:s14] =	ssyncset.done $0x0  }
0x91: {  	p0 =	sne.s32 s15, s8;
	[sflag:s14] =	ssyncadd.s32 $0xFFFFD000  }
.Ltmp1:
0x92: {  	[bflag:$0x0] =	sbarrier.arrive $0xFFFF;
	(pc) =	sbr.rel @p0 .LBB2_1-.Ltmp1, $4  }
0x93: {  	[hbm:s7], [sflag:s11] =	dma.local [spmem:s12], $0x2780  }
0x94: {  	_ =	swait.ge [sflag:s9], $0x2780  }
0x95: {  	[sflag:s9] =	ssyncset.done $0x0  }
0x96: {  	[sflag:s9] =	ssyncadd.s32 $0xFFFFD880  }
0x97: {  	_ =	sfence.sel $0x180000  }
0x98: {  	[bflag:$0x0] =	sbarrier.arrive $0xFFFF  }
0x99: {  	p0 =	sne.s32 s0, $0x0;
	_ =	strace $0x90000047  }
0x9a: {  	s0 =	sadd.s32 @!p0 $0x100000, s1;
	[bflag:$0x2] =	sbarrier.arrive $0xFFFF  }
0x9b: {  	[sflag:s0] =	ssyncadd.tile.s32 @!p0 $0x1;
	_ =	shalt  }
.Lfunc_end2:
_tile_overlayer_lowered:
.L_overlay_start_2:
0x9c: {  	(tag) =	ssettag $0x2  }
0x9d: {  	s0 =	rddreg [dreg:$0x0];
	s2 =	stileid.u32  }
0x9e: {  	s1 =	rddreg [dreg:$0x1];
	p0 =	sne.s32 s2, $0x0  }
0x9f: {  	s3 =	rddreg [dreg:$0x2];
	[bflag:$0x3] =	sbarrier.arrive $0xFFFF;
	s2 =	simm.s32 @!p0 $0x1C02  }
0xa0: {  	[timem:s3], [sflag:s2] =	dma.local @!p0 [hbm:s0], s1  }
0xa1: {  	s0 =	simm.s32 @!p0 $0x2  }
0xa2: {  	_ =	swait.ge @!p0 [sflag:s0], s1  }
0xa3: {  	s1 =	ssub.s32 @!p0 $0x0, s1;
	[sflag:s0] =	ssyncset.done @!p0 $0x0  }
0xa4: {  	[sflag:s0] =	ssyncadd.s32 @!p0 s1  }
0xa5: {  	[bflag:$0x3] =	sbarrier.arrive $0xFFFF  }
0xa6: {  	_ =	shalt  }

</sc_bundles>
